<compile_context>
chip_gen: v7x
topology: tpu7x:2x2x1
jax: 0.10.2.dev20260603
libtpu: 0.0.44.dev20260713+nightly
codegen_flags: <defaults>
</compile_context>

<pallas_src>
import jax
import jax.numpy as jnp
from jax import lax
from jax.experimental import pallas as pl
from jax.experimental.pallas import tpu as pltpu
from jax.experimental.pallas import tpu_sc as plsc

B = 16384
EMB = 64
NW = 32
ROWS_PER_W = B // NW
OH = 80
UNROLL = 64


def _sc_gather_body(idx_hbm, table_hbm, out_hbm, idx_v, rows_v, sem):
    wid = lax.axis_index("s") * 2 + lax.axis_index("c")
    base = wid * ROWS_PER_W
    pltpu.sync_copy(idx_hbm.at[pl.ds(base, ROWS_PER_W)], idx_v)

    def step(i, carry):
        s = i * UNROLL
        vec = idx_v[pl.ds(s, UNROLL)]
        cps = []
        for j in range(UNROLL):
            r = vec[j]
            cps.append(pltpu.async_copy(
                table_hbm.at[pl.ds(r, 1)], rows_v.at[pl.ds(s + j, 1)], sem))
        for cp in cps:
            cp.wait()
        return carry

    lax.fori_loop(0, ROWS_PER_W // UNROLL, step, 0)
    pltpu.sync_copy(rows_v, out_hbm.at[pl.ds(base, ROWS_PER_W)])


def _make_sc_gather():
    return pl.kernel(
        _sc_gather_body,
        out_type=jax.ShapeDtypeStruct((B, EMB), jnp.float32),
        mesh=plsc.VectorSubcoreMesh(core_axis_name="c", subcore_axis_name="s"),
        scratch_types=[
            pltpu.VMEM((ROWS_PER_W,), jnp.int32),
            pltpu.VMEM((ROWS_PER_W, EMB), jnp.float32),
            pltpu.SemaphoreType.DMA,
        ],
    )


def _tc_body(id_emb_ref, sec_ref, stg_ref, reg_ref, numT_ref, tbdT_ref,
             w1aT_ref, w1mT_ref, w1nT_ref, b1_ref, g1_ref, be1_ref,
             w2T_ref, b2_ref, g2_ref, be2_ref, outT_ref):
    f32 = jnp.float32
    id_emb = id_emb_ref[:]
    iota = lax.broadcasted_iota(jnp.int32, (OH, B), 0)
    ohT = (jnp.where(iota == sec_ref[:], 1.0, 0.0)
           + jnp.where(iota == stg_ref[:], 1.0, 0.0)
           + jnp.where(iota == reg_ref[:], 1.0, 0.0)).astype(f32)
    mT = jnp.dot(w1mT_ref[:], tbdT_ref[:], preferred_element_type=f32)
    p1 = (lax.dot_general(w1aT_ref[:], id_emb, (((1,), (1,)), ((), ())),
                          preferred_element_type=f32)
          + jnp.dot(mT, ohT, preferred_element_type=f32)
          + jnp.dot(w1nT_ref[:], numT_ref[:], preferred_element_type=f32)
          + b1_ref[:])
    h = jnp.maximum(p1, 0.0)
    mu = jnp.mean(h, axis=1, keepdims=True)
    var = jnp.mean((h - mu) * (h - mu), axis=1, keepdims=True)
    h = (h - mu) / jnp.sqrt(var + 1e-5) * g1_ref[:] + be1_ref[:]
    p2 = jnp.dot(w2T_ref[:], h, preferred_element_type=f32) + b2_ref[:]
    h2 = jnp.maximum(p2, 0.0)
    mu2 = jnp.mean(h2, axis=1, keepdims=True)
    var2 = jnp.mean((h2 - mu2) * (h2 - mu2), axis=1, keepdims=True)
    h2 = (h2 - mu2) / jnp.sqrt(var2 + 1e-5) * g2_ref[:] + be2_ref[:]
    nrm = jnp.sqrt(jnp.sum(h2 * h2, axis=0, keepdims=True))
    outT_ref[:] = h2 / jnp.maximum(nrm, 1e-12)


_tc_mlp = pl.pallas_call(
    _tc_body,
    out_shape=jax.ShapeDtypeStruct((EMB, B), jnp.float32),
)


def kernel(id, sector, stage, region, deal_size, revenue_multiple, growth_rate,
           profitability, team_experience, market_size, deal_table,
           sector_table, stage_table, region_table, W1, b1, g1, be1,
           W2, b2, g2, be2):
    id_emb = _make_sc_gather()(id.astype(jnp.int32), deal_table)

    numT = jnp.stack([deal_size, revenue_multiple, growth_rate, profitability,
                      team_experience, market_size], axis=0).astype(jnp.float32)
    numT = jnp.pad(numT, ((0, 2), (0, 0)))
    w1nT = jnp.pad(W1[112:118], ((0, 2), (0, 0))).T

    tbdT = jnp.zeros((48, OH), dtype=jnp.float32)
    tbdT = tbdT.at[0:16, 0:50].set(sector_table.T)
    tbdT = tbdT.at[16:32, 50:60].set(stage_table.T)
    tbdT = tbdT.at[32:48, 60:80].set(region_table.T)

    sec = sector.astype(jnp.int32).reshape(1, B)
    stg = stage.astype(jnp.int32).reshape(1, B) + 50
    reg = region.astype(jnp.int32).reshape(1, B) + 60

    outT = _tc_mlp(
        id_emb, sec, stg, reg, numT, tbdT,
        W1[0:64].T, W1[64:112].T, w1nT,
        b1.reshape(128, 1), g1.reshape(128, 1), be1.reshape(128, 1),
        W2.T, b2.reshape(64, 1), g2.reshape(64, 1), be2.reshape(64, 1),
    )
    return outT.T

# --- scband reference (transcript-rebuilt; emitter-appended) ---
"""Pipeline reference for scband-deal-tower-39513699123504 (READ-ONLY COPY).

The authoritative reference and input builder live on the scoring server;
editing this copy changes nothing except your own understanding.
"""

import jax, jax.numpy as jnp
import numpy as np

B = 16384
N_DEALS = 1000000
EMB = 64
IN_DIM = EMB + 16 + 16 + 16 + 6


def setup_inputs(seed: int = 0) -> dict:
    key = jax.random.key(seed)
    ks = jax.random.split(key, 24)
    inp = {}
    inp["id"] = jax.random.randint(ks[0], (B,), 0, N_DEALS)
    inp["sector"] = jax.random.randint(ks[1], (B,), 0, 50)
    inp["stage"] = jax.random.randint(ks[2], (B,), 0, 10)
    inp["region"] = jax.random.randint(ks[3], (B,), 0, 20)
    for i, name in enumerate(["deal_size", "revenue_multiple", "growth_rate", "profitability", "team_experience", "market_size"]):
        inp[name] = jax.random.normal(ks[4 + i], (B,), dtype=jnp.float32)
    inp["deal_table"] = jax.random.normal(ks[10], (N_DEALS, EMB), dtype=jnp.float32) * 0.02
    inp["sector_table"] = jax.random.normal(ks[11], (50, 16), dtype=jnp.float32) * 0.02
    inp["stage_table"] = jax.random.normal(ks[12], (10, 16), dtype=jnp.float32) * 0.02
    inp["region_table"] = jax.random.normal(ks[13], (20, 16), dtype=jnp.float32) * 0.02
    inp["W1"] = jax.random.normal(ks[14], (IN_DIM, 128), dtype=jnp.float32) * 0.05
    inp["b1"] = jnp.zeros((128,), dtype=jnp.float32)
    inp["g1"] = jnp.ones((128,), dtype=jnp.float32)
    inp["be1"] = jnp.zeros((128,), dtype=jnp.float32)
    inp["W2"] = jax.random.normal(ks[15], (128, 64), dtype=jnp.float32) * 0.05
    inp["b2"] = jnp.zeros((64,), dtype=jnp.float32)
    inp["g2"] = jnp.ones((64,), dtype=jnp.float32)
    inp["be2"] = jnp.zeros((64,), dtype=jnp.float32)
    return inp


def _batchnorm(x, g, b, eps=1e-5):
    mu = jnp.mean(x, axis=0, keepdims=True)
    var = jnp.var(x, axis=0, keepdims=True)
    return (x - mu) / jnp.sqrt(var + eps) * g + b


def reference(id, sector, stage, region, deal_size, revenue_multiple, growth_rate, profitability, team_experience, market_size, deal_table, sector_table, stage_table, region_table, W1, b1, g1, be1, W2, b2, g2, be2):
    id_emb = jnp.take(deal_table, id, axis=0)
    sector_emb = jnp.take(sector_table, sector, axis=0)
    stage_emb = jnp.take(stage_table, stage, axis=0)
    region_emb = jnp.take(region_table, region, axis=0)
    numerical = jnp.stack([deal_size, revenue_multiple, growth_rate, profitability, team_experience, market_size], axis=-1).astype(jnp.float32)
    x = jnp.concatenate([id_emb, sector_emb, stage_emb, region_emb, numerical], axis=-1)
    h = _batchnorm(jnp.maximum(x @ W1 + b1, 0.0), g1, be1)
    h = _batchnorm(jnp.maximum(h @ W2 + b2, 0.0), g2, be2)
    norm = jnp.sqrt(jnp.sum(h * h, axis=-1, keepdims=True))
    embedding = h / jnp.maximum(norm, 1e-12)
    return embedding

if __name__ == "__main__":
    import jax
    _d = setup_inputs()
    print(jax.jit(kernel)(*tuple(_d.values())))

</pallas_src>

<mosaic_0001>
#map = affine_map<(d0, d1) -> (0)>
#map1 = affine_map<(d0, d1) -> (0, 0)>
module attributes {stable_mosaic.version = 14 : i64} {
  func.func @_sc_gather_body(%arg0: i32, %arg1: i32, %arg2: memref<16384xi32, #tpu.memory_space<hbm>>, %arg3: memref<1000000x64xf32, #tpu.memory_space<hbm>>, %arg4: memref<16384x64xf32, #tpu.memory_space<hbm>>, %arg5: memref<512xi32, #tpu.memory_space<vmem>>, %arg6: memref<512x64xf32, #tpu.memory_space<vmem>>, %arg7: memref<!tpu.dma_semaphore, #tpu.memory_space<semaphore_mem>>) attributes {dimension_semantics = [#tpu.dimension_semantics<core_parallel>, #tpu.dimension_semantics<subcore_parallel>], iteration_bounds = array<i64: 2, 16>, scalar_prefetch = 0 : i64, scratch_operands = 3 : i64, tpu.core_type = #tpu.core_type<sc_vector_subcore>, window_params = [{transform_indices = #map}, {transform_indices = #map1}, {transform_indices = #map1}]} {
    %mul3A = arith.constant 2 : i32
    %mul3A_0 = arith.muli %arg1, %mul3A : i32
    %add3A = arith.addi %mul3A_0, %arg0 : i32
    %mul3A_1 = arith.constant 512 : i32
    %mul3A_2 = arith.muli %add3A, %mul3A_1 : i32
    "tpu.region"() ({
      %run_scoped3A = tpu.sem_alloc : memref<!tpu.dma_semaphore, #tpu.memory_space<semaphore_mem>>
      %dma_start3A = tpu.memref_slice %arg2[%mul3A_2] : memref<16384xi32, #tpu.memory_space<hbm>> -> memref<512xi32, #tpu.memory_space<hbm>>
      %dma_start3A_8 = tpu.memref_slice %arg2[%mul3A_2] : memref<16384xi32, #tpu.memory_space<hbm>> -> memref<512xi32, #tpu.memory_space<hbm>>
      tpu.enqueue_dma source(%dma_start3A_8 : memref<512xi32, #tpu.memory_space<hbm>>) target(%arg5 : memref<512xi32, #tpu.memory_space<vmem>>) target_semaphore(%run_scoped3A : memref<!tpu.dma_semaphore, #tpu.memory_space<semaphore_mem>>)
      %dma_wait3A = tpu.memref_slice %arg2[%mul3A_2] : memref<16384xi32, #tpu.memory_space<hbm>> -> memref<512xi32, #tpu.memory_space<hbm>>
      %dma_wait3A_9 = tpu.memref_slice %arg2[%mul3A_2] : memref<16384xi32, #tpu.memory_space<hbm>> -> memref<512xi32, #tpu.memory_space<hbm>>
      tpu.wait_dma2 semaphore(%run_scoped3A : memref<!tpu.dma_semaphore, #tpu.memory_space<semaphore_mem>>) src(%dma_wait3A_9 : memref<512xi32, #tpu.memory_space<hbm>>) dst(%arg5 : memref<512xi32, #tpu.memory_space<vmem>>)
      tpu.yield
    }) : () -> ()
    %scan3A = arith.constant 0 : i32
    %scan3A_3 = arith.constant 0 : i32
    %scan3A_4 = arith.constant 8 : i32
    %scan3A_5 = arith.addi %scan3A_3, %scan3A_4 : i32
    %scan3A_6 = arith.constant 1 : i32
    scf.for %scan3A_8 = %scan3A_3 to %scan3A_5 step %scan3A_6  : i32 {
      %mul3A_9 = arith.constant 64 : i32
      %mul3A_10 = arith.muli %scan3A_8, %mul3A_9 : i32
      %get3A = arith.index_cast %mul3A_10 : i32 to index
      %get3A_11 = tpu.vector_load %arg5[%get3A] {strides = array<i32>} : memref<512xi32, #tpu.memory_space<vmem>>, vector<64xi32>,
      %get3A_12 = vector.shape_cast %get3A_11 : vector<64xi32> to vector<64xi32>
      %slice3A = vector.extract_strided_slice %get3A_12 {offsets = [0], sizes = [1], strides = [1]} : vector<64xi32> to vector<1xi32>
      %squeeze3A = vector.extract %slice3A[0] : i32 from vector<1xi32>
      %add3A_13 = arith.constant 0 : i32
      %add3A_14 = arith.addi %mul3A_10, %add3A_13 : i32
      %dma_start3A = arith.constant 0 : i32
      %dma_start3A_15 = tpu.memref_slice %arg6[%add3A_14, %dma_start3A] : memref<512x64xf32, #tpu.memory_space<vmem>> -> memref<1x64xf32, #tpu.memory_space<vmem>>
      %dma_start3A_16 = arith.constant 0 : i32
      %dma_start3A_17 = tpu.memref_slice %arg3[%squeeze3A, %dma_start3A_16] : memref<1000000x64xf32, #tpu.memory_space<hbm>> -> memref<1x64xf32, #tpu.memory_space<hbm>>
      %dma_start3A_18 = arith.constant 0 : i32
      %dma_start3A_19 = tpu.memref_slice %arg6[%add3A_14, %dma_start3A_18] : memref<512x64xf32, #tpu.memory_space<vmem>> -> memref<1x64xf32, #tpu.memory_space<vmem>>
      %dma_start3A_20 = arith.constant 0 : i32
      %dma_start3A_21 = tpu.memref_slice %arg3[%squeeze3A, %dma_start3A_20] : memref<1000000x64xf32, #tpu.memory_space<hbm>> -> memref<1x64xf32, #tpu.memory_space<hbm>>
      tpu.enqueue_dma source(%dma_start3A_21 : memref<1x64xf32, #tpu.memory_space<hbm>>) target(%dma_start3A_19 : memref<1x64xf32, #tpu.memory_space<vmem>>) target_semaphore(%arg7 : memref<!tpu.dma_semaphore, #tpu.memory_space<semaphore_mem>>)
      %slice3A_22 = vector.extract_strided_slice %get3A_12 {offsets = [1], sizes = [1], strides = [1]} : vector<64xi32> to vector<1xi32>
      %squeeze3A_23 = vector.extract %slice3A_22[0] : i32 from vector<1xi32>
      %add3A_24 = arith.constant 1 : i32
      %add3A_25 = arith.addi %mul3A_10, %add3A_24 : i32
      %dma_start3A_26 = arith.constant 0 : i32
      %dma_start3A_27 = tpu.memref_slice %arg6[%add3A_25, %dma_start3A_26] : memref<512x64xf32, #tpu.memory_space<vmem>> -> memref<1x64xf32, #tpu.memory_space<vmem>>
      %dma_start3A_28 = arith.constant 0 : i32
      %dma_start3A_29 = tpu.memref_slice %arg3[%squeeze3A_23, %dma_start3A_28] : memref<1000000x64xf32, #tpu.memory_space<hbm>> -> memref<1x64xf32, #tpu.memory_space<hbm>>
      %dma_start3A_30 = arith.constant 0 : i32
      %dma_start3A_31 = tpu.memref_slice %arg6[%add3A_25, %dma_start3A_30] : memref<512x64xf32, #tpu.memory_space<vmem>> -> memref<1x64xf32, #tpu.memory_space<vmem>>
      %dma_start3A_32 = arith.constant 0 : i32
      %dma_start3A_33 = tpu.memref_slice %arg3[%squeeze3A_23, %dma_start3A_32] : memref<1000000x64xf32, #tpu.memory_space<hbm>> -> memref<1x64xf32, #tpu.memory_space<hbm>>
      tpu.enqueue_dma source(%dma_start3A_33 : memref<1x64xf32, #tpu.memory_space<hbm>>) target(%dma_start3A_31 : memref<1x64xf32, #tpu.memory_space<vmem>>) target_semaphore(%arg7 : memref<!tpu.dma_semaphore, #tpu.memory_space<semaphore_mem>>)
      %slice3A_34 = vector.extract_strided_slice %get3A_12 {offsets = [2], sizes = [1], strides = [1]} : vector<64xi32> to vector<1xi32>
      %squeeze3A_35 = vector.extract %slice3A_34[0] : i32 from vector<1xi32>
      %add3A_36 = arith.constant 2 : i32
      %add3A_37 = arith.addi %mul3A_10, %add3A_36 : i32
      %dma_start3A_38 = arith.constant 0 : i32
      %dma_start3A_39 = tpu.memref_slice %arg6[%add3A_37, %dma_start3A_38] : memref<512x64xf32, #tpu.memory_space<vmem>> -> memref<1x64xf32, #tpu.memory_space<vmem>>
      %dma_start3A_40 = arith.constant 0 : i32
      %dma_start3A_41 = tpu.memref_slice %arg3[%squeeze3A_35, %dma_start3A_40] : memref<1000000x64xf32, #tpu.memory_space<hbm>> -> memref<1x64xf32, #tpu.memory_space<hbm>>
      %dma_start3A_42 = arith.constant 0 : i32
      %dma_start3A_43 = tpu.memref_slice %arg6[%add3A_37, %dma_start3A_42] : memref<512x64xf32, #tpu.memory_space<vmem>> -> memref<1x64xf32, #tpu.memory_space<vmem>>
      %dma_start3A_44 = arith.constant 0 : i32
      %dma_start3A_45 = tpu.memref_slice %arg3[%squeeze3A_35, %dma_start3A_44] : memref<1000000x64xf32, #tpu.memory_space<hbm>> -> memref<1x64xf32, #tpu.memory_space<hbm>>
      tpu.enqueue_dma source(%dma_start3A_45 : memref<1x64xf32, #tpu.memory_space<hbm>>) target(%dma_start3A_43 : memref<1x64xf32, #tpu.memory_space<vmem>>) target_semaphore(%arg7 : memref<!tpu.dma_semaphore, #tpu.memory_space<semaphore_mem>>)
      %slice3A_46 = vector.extract_strided_slice %get3A_12 {offsets = [3], sizes = [1], strides = [1]} : vector<64xi32> to vector<1xi32>
      %squeeze3A_47 = vector.extract %slice3A_46[0] : i32 from vector<1xi32>
      %add3A_48 = arith.constant 3 : i32
      %add3A_49 = arith.addi %mul3A_10, %add3A_48 : i32
      %dma_start3A_50 = arith.constant 0 : i32
      %dma_start3A_51 = tpu.memref_slice %arg6[%add3A_49, %dma_start3A_50] : memref<512x64xf32, #tpu.memory_space<vmem>> -> memref<1x64xf32, #tpu.memory_space<vmem>>
      %dma_start3A_52 = arith.constant 0 : i32
      %dma_start3A_53 = tpu.memref_slice %arg3[%squeeze3A_47, %dma_start3A_52] : memref<1000000x64xf32, #tpu.memory_space<hbm>> -> memref<1x64xf32, #tpu.memory_space<hbm>>
      %dma_start3A_54 = arith.constant 0 : i32
      %dma_start3A_55 = tpu.memref_slice %arg6[%add3A_49, %dma_start3A_54] : memref<512x64xf32, #tpu.memory_space<vmem>> -> memref<1x64xf32, #tpu.memory_space<vmem>>
      %dma_start3A_56 = arith.constant 0 : i32
      %dma_start3A_57 = tpu.memref_slice %arg3[%squeeze3A_47, %dma_start3A_56] : memref<1000000x64xf32, #tpu.memory_space<hbm>> -> memref<1x64xf32, #tpu.memory_space<hbm>>
      tpu.enqueue_dma source(%dma_start3A_57 : memref<1x64xf32, #tpu.memory_space<hbm>>) target(%dma_start3A_55 : memref<1x64xf32, #tpu.memory_space<vmem>>) target_semaphore(%arg7 : memref<!tpu.dma_semaphore, #tpu.memory_space<semaphore_mem>>)
      %slice3A_58 = vector.extract_strided_slice %get3A_12 {offsets = [4], sizes = [1], strides = [1]} : vector<64xi32> to vector<1xi32>
      %squeeze3A_59 = vector.extract %slice3A_58[0] : i32 from vector<1xi32>
      %add3A_60 = arith.constant 4 : i32
      %add3A_61 = arith.addi %mul3A_10, %add3A_60 : i32
      %dma_start3A_62 = arith.constant 0 : i32
      %dma_start3A_63 = tpu.memref_slice %arg6[%add3A_61, %dma_start3A_62] : memref<512x64xf32, #tpu.memory_space<vmem>> -> memref<1x64xf32, #tpu.memory_space<vmem>>
      %dma_start3A_64 = arith.constant 0 : i32
      %dma_start3A_65 = tpu.memref_slice %arg3[%squeeze3A_59, %dma_start3A_64] : memref<1000000x64xf32, #tpu.memory_space<hbm>> -> memref<1x64xf32, #tpu.memory_space<hbm>>
      %dma_start3A_66 = arith.constant 0 : i32
      %dma_start3A_67 = tpu.memref_slice %arg6[%add3A_61, %dma_start3A_66] : memref<512x64xf32, #tpu.memory_space<vmem>> -> memref<1x64xf32, #tpu.memory_space<vmem>>
      %dma_start3A_68 = arith.constant 0 : i32
      %dma_start3A_69 = tpu.memref_slice %arg3[%squeeze3A_59, %dma_start3A_68] : memref<1000000x64xf32, #tpu.memory_space<hbm>> -> memref<1x64xf32, #tpu.memory_space<hbm>>
      tpu.enqueue_dma source(%dma_start3A_69 : memref<1x64xf32, #tpu.memory_space<hbm>>) target(%dma_start3A_67 : memref<1x64xf32, #tpu.memory_space<vmem>>) target_semaphore(%arg7 : memref<!tpu.dma_semaphore, #tpu.memory_space<semaphore_mem>>)
      %slice3A_70 = vector.extract_strided_slice %get3A_12 {offsets = [5], sizes = [1], strides = [1]} : vector<64xi32> to vector<1xi32>
      %squeeze3A_71 = vector.extract %slice3A_70[0] : i32 from vector<1xi32>
      %add3A_72 = arith.constant 5 : i32
      %add3A_73 = arith.addi %mul3A_10, %add3A_72 : i32
      %dma_start3A_74 = arith.constant 0 : i32
      %dma_start3A_75 = tpu.memref_slice %arg6[%add3A_73, %dma_start3A_74] : memref<512x64xf32, #tpu.memory_space<vmem>> -> memref<1x64xf32, #tpu.memory_space<vmem>>
      %dma_start3A_76 = arith.constant 0 : i32
      %dma_start3A_77 = tpu.memref_slice %arg3[%squeeze3A_71, %dma_start3A_76] : memref<1000000x64xf32, #tpu.memory_space<hbm>> -> memref<1x64xf32, #tpu.memory_space<hbm>>
      %dma_start3A_78 = arith.constant 0 : i32
      %dma_start3A_79 = tpu.memref_slice %arg6[%add3A_73, %dma_start3A_78] : memref<512x64xf32, #tpu.memory_space<vmem>> -> memref<1x64xf32, #tpu.memory_space<vmem>>
      %dma_start3A_80 = arith.constant 0 : i32
      %dma_start3A_81 = tpu.memref_slice %arg3[%squeeze3A_71, %dma_start3A_80] : memref<1000000x64xf32, #tpu.memory_space<hbm>> -> memref<1x64xf32, #tpu.memory_space<hbm>>
      tpu.enqueue_dma source(%dma_start3A_81 : memref<1x64xf32, #tpu.memory_space<hbm>>) target(%dma_start3A_79 : memref<1x64xf32, #tpu.memory_space<vmem>>) target_semaphore(%arg7 : memref<!tpu.dma_semaphore, #tpu.memory_space<semaphore_mem>>)
      %slice3A_82 = vector.extract_strided_slice %get3A_12 {offsets = [6], sizes = [1], strides = [1]} : vector<64xi32> to vector<1xi32>
      %squeeze3A_83 = vector.extract %slice3A_82[0] : i32 from vector<1xi32>
      %add3A_84 = arith.constant 6 : i32
      %add3A_85 = arith.addi %mul3A_10, %add3A_84 : i32
      %dma_start3A_86 = arith.constant 0 : i32
      %dma_start3A_87 = tpu.memref_slice %arg6[%add3A_85, %dma_start3A_86] : memref<512x64xf32, #tpu.memory_space<vmem>> -> memref<1x64xf32, #tpu.memory_space<vmem>>
      %dma_start3A_88 = arith.constant 0 : i32
      %dma_start3A_89 = tpu.memref_slice %arg3[%squeeze3A_83, %dma_start3A_88] : memref<1000000x64xf32, #tpu.memory_space<hbm>> -> memref<1x64xf32, #tpu.memory_space<hbm>>
      %dma_start3A_90 = arith.constant 0 : i32
      %dma_start3A_91 = tpu.memref_slice %arg6[%add3A_85, %dma_start3A_90] : memref<512x64xf32, #tpu.memory_space<vmem>> -> memref<1x64xf32, #tpu.memory_space<vmem>>
      %dma_start3A_92 = arith.constant 0 : i32
      %dma_start3A_93 = tpu.memref_slice %arg3[%squeeze3A_83, %dma_start3A_92] : memref<1000000x64xf32, #tpu.memory_space<hbm>> -> memref<1x64xf32, #tpu.memory_space<hbm>>
      tpu.enqueue_dma source(%dma_start3A_93 : memref<1x64xf32, #tpu.memory_space<hbm>>) target(%dma_start3A_91 : memref<1x64xf32, #tpu.memory_space<vmem>>) target_semaphore(%arg7 : memref<!tpu.dma_semaphore, #tpu.memory_space<semaphore_mem>>)
      %slice3A_94 = vector.extract_strided_slice %get3A_12 {offsets = [7], sizes = [1], strides = [1]} : vector<64xi32> to vector<1xi32>
      %squeeze3A_95 = vector.extract %slice3A_94[0] : i32 from vector<1xi32>
      %add3A_96 = arith.constant 7 : i32
      %add3A_97 = arith.addi %mul3A_10, %add3A_96 : i32
      %dma_start3A_98 = arith.constant 0 : i32
      %dma_start3A_99 = tpu.memref_slice %arg6[%add3A_97, %dma_start3A_98] : memref<512x64xf32, #tpu.memory_space<vmem>> -> memref<1x64xf32, #tpu.memory_space<vmem>>
      %dma_start3A_100 = arith.constant 0 : i32
      %dma_start3A_101 = tpu.memref_slice %arg3[%squeeze3A_95, %dma_start3A_100] : memref<1000000x64xf32, #tpu.memory_space<hbm>> -> memref<1x64xf32, #tpu.memory_space<hbm>>
      %dma_start3A_102 = arith.constant 0 : i32
      %dma_start3A_103 = tpu.memref_slice %arg6[%add3A_97, %dma_start3A_102] : memref<512x64xf32, #tpu.memory_space<vmem>> -> memref<1x64xf32, #tpu.memory_space<vmem>>
      %dma_start3A_104 = arith.constant 0 : i32
      %dma_start3A_105 = tpu.memref_slice %arg3[%squeeze3A_95, %dma_start3A_104] : memref<1000000x64xf32, #tpu.memory_space<hbm>> -> memref<1x64xf32, #tpu.memory_space<hbm>>
      tpu.enqueue_dma source(%dma_start3A_105 : memref<1x64xf32, #tpu.memory_space<hbm>>) target(%dma_start3A_103 : memref<1x64xf32, #tpu.memory_space<vmem>>) target_semaphore(%arg7 : memref<!tpu.dma_semaphore, #tpu.memory_space<semaphore_mem>>)
      %slice3A_106 = vector.extract_strided_slice %get3A_12 {offsets = [8], sizes = [1], strides = [1]} : vector<64xi32> to vector<1xi32>
      %squeeze3A_107 = vector.extract %slice3A_106[0] : i32 from vector<1xi32>
      %add3A_108 = arith.constant 8 : i32
      %add3A_109 = arith.addi %mul3A_10, %add3A_108 : i32
      %dma_start3A_110 = arith.constant 0 : i32
      %dma_start3A_111 = tpu.memref_slice %arg6[%add3A_109, %dma_start3A_110] : memref<512x64xf32, #tpu.memory_space<vmem>> -> memref<1x64xf32, #tpu.memory_space<vmem>>
      %dma_start3A_112 = arith.constant 0 : i32
      %dma_start3A_113 = tpu.memref_slice %arg3[%squeeze3A_107, %dma_start3A_112] : memref<1000000x64xf32, #tpu.memory_space<hbm>> -> memref<1x64xf32, #tpu.memory_space<hbm>>
      %dma_start3A_114 = arith.constant 0 : i32
      %dma_start3A_115 = tpu.memref_slice %arg6[%add3A_109, %dma_start3A_114] : memref<512x64xf32, #tpu.memory_space<vmem>> -> memref<1x64xf32, #tpu.memory_space<vmem>>
      %dma_start3A_116 = arith.constant 0 : i32
      %dma_start3A_117 = tpu.memref_slice %arg3[%squeeze3A_107, %dma_start3A_116] : memref<1000000x64xf32, #tpu.memory_space<hbm>> -> memref<1x64xf32, #tpu.memory_space<hbm>>
      tpu.enqueue_dma source(%dma_start3A_117 : memref<1x64xf32, #tpu.memory_space<hbm>>) target(%dma_start3A_115 : memref<1x64xf32, #tpu.memory_space<vmem>>) target_semaphore(%arg7 : memref<!tpu.dma_semaphore, #tpu.memory_space<semaphore_mem>>)
      %slice3A_118 = vector.extract_strided_slice %get3A_12 {offsets = [9], sizes = [1], strides = [1]} : vector<64xi32> to vector<1xi32>
      %squeeze3A_119 = vector.extract %slice3A_118[0] : i32 from vector<1xi32>
      %add3A_120 = arith.constant 9 : i32
      %add3A_121 = arith.addi %mul3A_10, %add3A_120 : i32
      %dma_start3A_122 = arith.constant 0 : i32
      %dma_start3A_123 = tpu.memref_slice %arg6[%add3A_121, %dma_start3A_122] : memref<512x64xf32, #tpu.memory_space<vmem>> -> memref<1x64xf32, #tpu.memory_space<vmem>>
      %dma_start3A_124 = arith.constant 0 : i32
      %dma_start3A_125 = tpu.memref_slice %arg3[%squeeze3A_119, %dma_start3A_124] : memref<1000000x64xf32, #tpu.memory_space<hbm>> -> memref<1x64xf32, #tpu.memory_space<hbm>>
      %dma_start3A_126 = arith.constant 0 : i32
      %dma_start3A_127 = tpu.memref_slice %arg6[%add3A_121, %dma_start3A_126] : memref<512x64xf32, #tpu.memory_space<vmem>> -> memref<1x64xf32, #tpu.memory_space<vmem>>
      %dma_start3A_128 = arith.constant 0 : i32
      %dma_start3A_129 = tpu.memref_slice %arg3[%squeeze3A_119, %dma_start3A_128] : memref<1000000x64xf32, #tpu.memory_space<hbm>> -> memref<1x64xf32, #tpu.memory_space<hbm>>
      tpu.enqueue_dma source(%dma_start3A_129 : memref<1x64xf32, #tpu.memory_space<hbm>>) target(%dma_start3A_127 : memref<1x64xf32, #tpu.memory_space<vmem>>) target_semaphore(%arg7 : memref<!tpu.dma_semaphore, #tpu.memory_space<semaphore_mem>>)
      %slice3A_130 = vector.extract_strided_slice %get3A_12 {offsets = [10], sizes = [1], strides = [1]} : vector<64xi32> to vector<1xi32>
      %squeeze3A_131 = vector.extract %slice3A_130[0] : i32 from vector<1xi32>
      %add3A_132 = arith.constant 10 : i32
      %add3A_133 = arith.addi %mul3A_10, %add3A_132 : i32
      %dma_start3A_134 = arith.constant 0 : i32
      %dma_start3A_135 = tpu.memref_slice %arg6[%add3A_133, %dma_start3A_134] : memref<512x64xf32, #tpu.memory_space<vmem>> -> memref<1x64xf32, #tpu.memory_space<vmem>>
      %dma_start3A_136 = arith.constant 0 : i32
      %dma_start3A_137 = tpu.memref_slice %arg3[%squeeze3A_131, %dma_start3A_136] : memref<1000000x64xf32, #tpu.memory_space<hbm>> -> memref<1x64xf32, #tpu.memory_space<hbm>>
      %dma_start3A_138 = arith.constant 0 : i32
      %dma_start3A_139 = tpu.memref_slice %arg6[%add3A_133, %dma_start3A_138] : memref<512x64xf32, #tpu.memory_space<vmem>> -> memref<1x64xf32, #tpu.memory_space<vmem>>
      %dma_start3A_140 = arith.constant 0 : i32
      %dma_start3A_141 = tpu.memref_slice %arg3[%squeeze3A_131, %dma_start3A_140] : memref<1000000x64xf32, #tpu.memory_space<hbm>> -> memref<1x64xf32, #tpu.memory_space<hbm>>
      tpu.enqueue_dma source(%dma_start3A_141 : memref<1x64xf32, #tpu.memory_space<hbm>>) target(%dma_start3A_139 : memref<1x64xf32, #tpu.memory_space<vmem>>) target_semaphore(%arg7 : memref<!tpu.dma_semaphore, #tpu.memory_space<semaphore_mem>>)
      %slice3A_142 = vector.extract_strided_slice %get3A_12 {offsets = [11], sizes = [1], strides = [1]} : vector<64xi32> to vector<1xi32>
      %squeeze3A_143 = vector.extract %slice3A_142[0] : i32 from vector<1xi32>
      %add3A_144 = arith.constant 11 : i32
      %add3A_145 = arith.addi %mul3A_10, %add3A_144 : i32
      %dma_start3A_146 = arith.constant 0 : i32
      %dma_start3A_147 = tpu.memref_slice %arg6[%add3A_145, %dma_start3A_146] : memref<512x64xf32, #tpu.memory_space<vmem>> -> memref<1x64xf32, #tpu.memory_space<vmem>>
      %dma_start3A_148 = arith.constant 0 : i32
      %dma_start3A_149 = tpu.memref_slice %arg3[%squeeze3A_143, %dma_start3A_148] : memref<1000000x64xf32, #tpu.memory_space<hbm>> -> memref<1x64xf32, #tpu.memory_space<hbm>>
      %dma_start3A_150 = arith.constant 0 : i32
      %dma_start3A_151 = tpu.memref_slice %arg6[%add3A_145, %dma_start3A_150] : memref<512x64xf32, #tpu.memory_space<vmem>> -> memref<1x64xf32, #tpu.memory_space<vmem>>
      %dma_start3A_152 = arith.constant 0 : i32
      %dma_start3A_153 = tpu.memref_slice %arg3[%squeeze3A_143, %dma_start3A_152] : memref<1000000x64xf32, #tpu.memory_space<hbm>> -> memref<1x64xf32, #tpu.memory_space<hbm>>
      tpu.enqueue_dma source(%dma_start3A_153 : memref<1x64xf32, #tpu.memory_space<hbm>>) target(%dma_start3A_151 : memref<1x64xf32, #tpu.memory_space<vmem>>) target_semaphore(%arg7 : memref<!tpu.dma_semaphore, #tpu.memory_space<semaphore_mem>>)
      %slice3A_154 = vector.extract_strided_slice %get3A_12 {offsets = [12], sizes = [1], strides = [1]} : vector<64xi32> to vector<1xi32>
      %squeeze3A_155 = vector.extract %slice3A_154[0] : i32 from vector<1xi32>
      %add3A_156 = arith.constant 12 : i32
      %add3A_157 = arith.addi %mul3A_10, %add3A_156 : i32
      %dma_start3A_158 = arith.constant 0 : i32
      %dma_start3A_159 = tpu.memref_slice %arg6[%add3A_157, %dma_start3A_158] : memref<512x64xf32, #tpu.memory_space<vmem>> -> memref<1x64xf32, #tpu.memory_space<vmem>>
      %dma_start3A_160 = arith.constant 0 : i32
      %dma_start3A_161 = tpu.memref_slice %arg3[%squeeze3A_155, %dma_start3A_160] : memref<1000000x64xf32, #tpu.memory_space<hbm>> -> memref<1x64xf32, #tpu.memory_space<hbm>>
      %dma_start3A_162 = arith.constant 0 : i32
      %dma_start3A_163 = tpu.memref_slice %arg6[%add3A_157, %dma_start3A_162] : memref<512x64xf32, #tpu.memory_space<vmem>> -> memref<1x64xf32, #tpu.memory_space<vmem>>
      %dma_start3A_164 = arith.constant 0 : i32
      %dma_start3A_165 = tpu.memref_slice %arg3[%squeeze3A_155, %dma_start3A_164] : memref<1000000x64xf32, #tpu.memory_space<hbm>> -> memref<1x64xf32, #tpu.memory_space<hbm>>
      tpu.enqueue_dma source(%dma_start3A_165 : memref<1x64xf32, #tpu.memory_space<hbm>>) target(%dma_start3A_163 : memref<1x64xf32, #tpu.memory_space<vmem>>) target_semaphore(%arg7 : memref<!tpu.dma_semaphore, #tpu.memory_space<semaphore_mem>>)
      %slice3A_166 = vector.extract_strided_slice %get3A_12 {offsets = [13], sizes = [1], strides = [1]} : vector<64xi32> to vector<1xi32>
      %squeeze3A_167 = vector.extract %slice3A_166[0] : i32 from vector<1xi32>
      %add3A_168 = arith.constant 13 : i32
      %add3A_169 = arith.addi %mul3A_10, %add3A_168 : i32
      %dma_start3A_170 = arith.constant 0 : i32
      %dma_start3A_171 = tpu.memref_slice %arg6[%add3A_169, %dma_start3A_170] : memref<512x64xf32, #tpu.memory_space<vmem>> -> memref<1x64xf32, #tpu.memory_space<vmem>>
      %dma_start3A_172 = arith.constant 0 : i32
      %dma_start3A_173 = tpu.memref_slice %arg3[%squeeze3A_167, %dma_start3A_172] : memref<1000000x64xf32, #tpu.memory_space<hbm>> -> memref<1x64xf32, #tpu.memory_space<hbm>>
      %dma_start3A_174 = arith.constant 0 : i32
      %dma_start3A_175 = tpu.memref_slice %arg6[%add3A_169, %dma_start3A_174] : memref<512x64xf32, #tpu.memory_space<vmem>> -> memref<1x64xf32, #tpu.memory_space<vmem>>
      %dma_start3A_176 = arith.constant 0 : i32
      %dma_start3A_177 = tpu.memref_slice %arg3[%squeeze3A_167, %dma_start3A_176] : memref<1000000x64xf32, #tpu.memory_space<hbm>> -> memref<1x64xf32, #tpu.memory_space<hbm>>
      tpu.enqueue_dma source(%dma_start3A_177 : memref<1x64xf32, #tpu.memory_space<hbm>>) target(%dma_start3A_175 : memref<1x64xf32, #tpu.memory_space<vmem>>) target_semaphore(%arg7 : memref<!tpu.dma_semaphore, #tpu.memory_space<semaphore_mem>>)
      %slice3A_178 = vector.extract_strided_slice %get3A_12 {offsets = [14], sizes = [1], strides = [1]} : vector<64xi32> to vector<1xi32>
      %squeeze3A_179 = vector.extract %slice3A_178[0] : i32 from vector<1xi32>
      %add3A_180 = arith.constant 14 : i32
      %add3A_181 = arith.addi %mul3A_10, %add3A_180 : i32
      %dma_start3A_182 = arith.constant 0 : i32
      %dma_start3A_183 = tpu.memref_slice %arg6[%add3A_181, %dma_start3A_182] : memref<512x64xf32, #tpu.memory_space<vmem>> -> memref<1x64xf32, #tpu.memory_space<vmem>>
      %dma_start3A_184 = arith.constant 0 : i32
      %dma_start3A_185 = tpu.memref_slice %arg3[%squeeze3A_179, %dma_start3A_184] : memref<1000000x64xf32, #tpu.memory_space<hbm>> -> memref<1x64xf32, #tpu.memory_space<hbm>>
      %dma_start3A_186 = arith.constant 0 : i32
      %dma_start3A_187 = tpu.memref_slice %arg6[%add3A_181, %dma_start3A_186] : memref<512x64xf32, #tpu.memory_space<vmem>> -> memref<1x64xf32, #tpu.memory_space<vmem>>
      %dma_start3A_188 = arith.constant 0 : i32
      %dma_start3A_189 = tpu.memref_slice %arg3[%squeeze3A_179, %dma_start3A_188] : memref<1000000x64xf32, #tpu.memory_space<hbm>> -> memref<1x64xf32, #tpu.memory_space<hbm>>
      tpu.enqueue_dma source(%dma_start3A_189 : memref<1x64xf32, #tpu.memory_space<hbm>>) target(%dma_start3A_187 : memref<1x64xf32, #tpu.memory_space<vmem>>) target_semaphore(%arg7 : memref<!tpu.dma_semaphore, #tpu.memory_space<semaphore_mem>>)
      %slice3A_190 = vector.extract_strided_slice %get3A_12 {offsets = [15], sizes = [1], strides = [1]} : vector<64xi32> to vector<1xi32>
      %squeeze3A_191 = vector.extract %slice3A_190[0] : i32 from vector<1xi32>
      %add3A_192 = arith.constant 15 : i32
      %add3A_193 = arith.addi %mul3A_10, %add3A_192 : i32
      %dma_start3A_194 = arith.constant 0 : i32
      %dma_start3A_195 = tpu.memref_slice %arg6[%add3A_193, %dma_start3A_194] : memref<512x64xf32, #tpu.memory_space<vmem>> -> memref<1x64xf32, #tpu.memory_space<vmem>>
      %dma_start3A_196 = arith.constant 0 : i32
      %dma_start3A_197 = tpu.memref_slice %arg3[%squeeze3A_191, %dma_start3A_196] : memref<1000000x64xf32, #tpu.memory_space<hbm>> -> memref<1x64xf32, #tpu.memory_space<hbm>>
      %dma_start3A_198 = arith.constant 0 : i32
      %dma_start3A_199 = tpu.memref_slice %arg6[%add3A_193, %dma_start3A_198] : memref<512x64xf32, #tpu.memory_space<vmem>> -> memref<1x64xf32, #tpu.memory_space<vmem>>
      %dma_start3A_200 = arith.constant 0 : i32
      %dma_start3A_201 = tpu.memref_slice %arg3[%squeeze3A_191, %dma_start3A_200] : memref<1000000x64xf32, #tpu.memory_space<hbm>> -> memref<1x64xf32, #tpu.memory_space<hbm>>
      tpu.enqueue_dma source(%dma_start3A_201 : memref<1x64xf32, #tpu.memory_space<hbm>>) target(%dma_start3A_199 : memref<1x64xf32, #tpu.memory_space<vmem>>) target_semaphore(%arg7 : memref<!tpu.dma_semaphore, #tpu.memory_space<semaphore_mem>>)
      %slice3A_202 = vector.extract_strided_slice %get3A_12 {offsets = [16], sizes = [1], strides = [1]} : vector<64xi32> to vector<1xi32>
      %squeeze3A_203 = vector.extract %slice3A_202[0] : i32 from vector<1xi32>
      %add3A_204 = arith.constant 16 : i32
      %add3A_205 = arith.addi %mul3A_10, %add3A_204 : i32
      %dma_start3A_206 = arith.constant 0 : i32
      %dma_start3A_207 = tpu.memref_slice %arg6[%add3A_205, %dma_start3A_206] : memref<512x64xf32, #tpu.memory_space<vmem>> -> memref<1x64xf32, #tpu.memory_space<vmem>>
      %dma_start3A_208 = arith.constant 0 : i32
      %dma_start3A_209 = tpu.memref_slice %arg3[%squeeze3A_203, %dma_start3A_208] : memref<1000000x64xf32, #tpu.memory_space<hbm>> -> memref<1x64xf32, #tpu.memory_space<hbm>>
      %dma_start3A_210 = arith.constant 0 : i32
      %dma_start3A_211 = tpu.memref_slice %arg6[%add3A_205, %dma_start3A_210] : memref<512x64xf32, #tpu.memory_space<vmem>> -> memref<1x64xf32, #tpu.memory_space<vmem>>
      %dma_start3A_212 = arith.constant 0 : i32
      %dma_start3A_213 = tpu.memref_slice %arg3[%squeeze3A_203, %dma_start3A_212] : memref<1000000x64xf32, #tpu.memory_space<hbm>> -> memref<1x64xf32, #tpu.memory_space<hbm>>
      tpu.enqueue_dma source(%dma_start3A_213 : memref<1x64xf32, #tpu.memory_space<hbm>>) target(%dma_start3A_211 : memref<1x64xf32, #tpu.memory_space<vmem>>) target_semaphore(%arg7 : memref<!tpu.dma_semaphore, #tpu.memory_space<semaphore_mem>>)
      %slice3A_214 = vector.extract_strided_slice %get3A_12 {offsets = [17], sizes = [1], strides = [1]} : vector<64xi32> to vector<1xi32>
      %squeeze3A_215 = vector.extract %slice3A_214[0] : i32 from vector<1xi32>
      %add3A_216 = arith.constant 17 : i32
      %add3A_217 = arith.addi %mul3A_10, %add3A_216 : i32
      %dma_start3A_218 = arith.constant 0 : i32
      %dma_start3A_219 = tpu.memref_slice %arg6[%add3A_217, %dma_start3A_218] : memref<512x64xf32, #tpu.memory_space<vmem>> -> memref<1x64xf32, #tpu.memory_space<vmem>>
      %dma_start3A_220 = arith.constant 0 : i32
      %dma_start3A_221 = tpu.memref_slice %arg3[%squeeze3A_215, %dma_start3A_220] : memref<1000000x64xf32, #tpu.memory_space<hbm>> -> memref<1x64xf32, #tpu.memory_space<hbm>>
      %dma_start3A_222 = arith.constant 0 : i32
      %dma_start3A_223 = tpu.memref_slice %arg6[%add3A_217, %dma_start3A_222] : memref<512x64xf32, #tpu.memory_space<vmem>> -> memref<1x64xf32, #tpu.memory_space<vmem>>
      %dma_start3A_224 = arith.constant 0 : i32
      %dma_start3A_225 = tpu.memref_slice %arg3[%squeeze3A_215, %dma_start3A_224] : memref<1000000x64xf32, #tpu.memory_space<hbm>> -> memref<1x64xf32, #tpu.memory_space<hbm>>
      tpu.enqueue_dma source(%dma_start3A_225 : memref<1x64xf32, #tpu.memory_space<hbm>>) target(%dma_start3A_223 : memref<1x64xf32, #tpu.memory_space<vmem>>) target_semaphore(%arg7 : memref<!tpu.dma_semaphore, #tpu.memory_space<semaphore_mem>>)
      %slice3A_226 = vector.extract_strided_slice %get3A_12 {offsets = [18], sizes = [1], strides = [1]} : vector<64xi32> to vector<1xi32>
      %squeeze3A_227 = vector.extract %slice3A_226[0] : i32 from vector<1xi32>
      %add3A_228 = arith.constant 18 : i32
      %add3A_229 = arith.addi %mul3A_10, %add3A_228 : i32
      %dma_start3A_230 = arith.constant 0 : i32
      %dma_start3A_231 = tpu.memref_slice %arg6[%add3A_229, %dma_start3A_230] : memref<512x64xf32, #tpu.memory_space<vmem>> -> memref<1x64xf32, #tpu.memory_space<vmem>>
      %dma_start3A_232 = arith.constant 0 : i32
      %dma_start3A_233 = tpu.memref_slice %arg3[%squeeze3A_227, %dma_start3A_232] : memref<1000000x64xf32, #tpu.memory_space<hbm>> -> memref<1x64xf32, #tpu.memory_space<hbm>>
      %dma_start3A_234 = arith.constant 0 : i32
      %dma_start3A_235 = tpu.memref_slice %arg6[%add3A_229, %dma_start3A_234] : memref<512x64xf32, #tpu.memory_space<vmem>> -> memref<1x64xf32, #tpu.memory_space<vmem>>
      %dma_start3A_236 = arith.constant 0 : i32
      %dma_start3A_237 = tpu.memref_slice %arg3[%squeeze3A_227, %dma_start3A_236] : memref<1000000x64xf32, #tpu.memory_space<hbm>> -> memref<1x64xf32, #tpu.memory_space<hbm>>
      tpu.enqueue_dma source(%dma_start3A_237 : memref<1x64xf32, #tpu.memory_space<hbm>>) target(%dma_start3A_235 : memref<1x64xf32, #tpu.memory_space<vmem>>) target_semaphore(%arg7 : memref<!tpu.dma_semaphore, #tpu.memory_space<semaphore_mem>>)
      %slice3A_238 = vector.extract_strided_slice %get3A_12 {offsets = [19], sizes = [1], strides = [1]} : vector<64xi32> to vector<1xi32>
      %squeeze3A_239 = vector.extract %slice3A_238[0] : i32 from vector<1xi32>
      %add3A_240 = arith.constant 19 : i32
      %add3A_241 = arith.addi %mul3A_10, %add3A_240 : i32
      %dma_start3A_242 = arith.constant 0 : i32
      %dma_start3A_243 = tpu.memref_slice %arg6[%add3A_241, %dma_start3A_242] : memref<512x64xf32, #tpu.memory_space<vmem>> -> memref<1x64xf32, #tpu.memory_space<vmem>>
      %dma_start3A_244 = arith.constant 0 : i32
      %dma_start3A_245 = tpu.memref_slice %arg3[%squeeze3A_239, %dma_start3A_244] : memref<1000000x64xf32, #tpu.memory_space<hbm>> -> memref<1x64xf32, #tpu.memory_space<hbm>>
      %dma_start3A_246 = arith.constant 0 : i32
      %dma_start3A_247 = tpu.memref_slice %arg6[%add3A_241, %dma_start3A_246] : memref<512x64xf32, #tpu.memory_space<vmem>> -> memref<1x64xf32, #tpu.memory_space<vmem>>
      %dma_start3A_248 = arith.constant 0 : i32
      %dma_start3A_249 = tpu.memref_slice %arg3[%squeeze3A_239, %dma_start3A_248] : memref<1000000x64xf32, #tpu.memory_space<hbm>> -> memref<1x64xf32, #tpu.memory_space<hbm>>
      tpu.enqueue_dma source(%dma_start3A_249 : memref<1x64xf32, #tpu.memory_space<hbm>>) target(%dma_start3A_247 : memref<1x64xf32, #tpu.memory_space<vmem>>) target_semaphore(%arg7 : memref<!tpu.dma_semaphore, #tpu.memory_space<semaphore_mem>>)
      %slice3A_250 = vector.extract_strided_slice %get3A_12 {offsets = [20], sizes = [1], strides = [1]} : vector<64xi32> to vector<1xi32>
      %squeeze3A_251 = vector.extract %slice3A_250[0] : i32 from vector<1xi32>
      %add3A_252 = arith.constant 20 : i32
      %add3A_253 = arith.addi %mul3A_10, %add3A_252 : i32
      %dma_start3A_254 = arith.constant 0 : i32
      %dma_start3A_255 = tpu.memref_slice %arg6[%add3A_253, %dma_start3A_254] : memref<512x64xf32, #tpu.memory_space<vmem>> -> memref<1x64xf32, #tpu.memory_space<vmem>>
      %dma_start3A_256 = arith.constant 0 : i32
      %dma_start3A_257 = tpu.memref_slice %arg3[%squeeze3A_251, %dma_start3A_256] : memref<1000000x64xf32, #tpu.memory_space<hbm>> -> memref<1x64xf32, #tpu.memory_space<hbm>>
      %dma_start3A_258 = arith.constant 0 : i32
      %dma_start3A_259 = tpu.memref_slice %arg6[%add3A_253, %dma_start3A_258] : memref<512x64xf32, #tpu.memory_space<vmem>> -> memref<1x64xf32, #tpu.memory_space<vmem>>
      %dma_start3A_260 = arith.constant 0 : i32
      %dma_start3A_261 = tpu.memref_slice %arg3[%squeeze3A_251, %dma_start3A_260] : memref<1000000x64xf32, #tpu.memory_space<hbm>> -> memref<1x64xf32, #tpu.memory_space<hbm>>
      tpu.enqueue_dma source(%dma_start3A_261 : memref<1x64xf32, #tpu.memory_space<hbm>>) target(%dma_start3A_259 : memref<1x64xf32, #tpu.memory_space<vmem>>) target_semaphore(%arg7 : memref<!tpu.dma_semaphore, #tpu.memory_space<semaphore_mem>>)
      %slice3A_262 = vector.extract_strided_slice %get3A_12 {offsets = [21], sizes = [1], strides = [1]} : vector<64xi32> to vector<1xi32>
      %squeeze3A_263 = vector.extract %slice3A_262[0] : i32 from vector<1xi32>
      %add3A_264 = arith.constant 21 : i32
      %add3A_265 = arith.addi %mul3A_10, %add3A_264 : i32
      %dma_start3A_266 = arith.constant 0 : i32
      %dma_start3A_267 = tpu.memref_slice %arg6[%add3A_265, %dma_start3A_266] : memref<512x64xf32, #tpu.memory_space<vmem>> -> memref<1x64xf32, #tpu.memory_space<vmem>>
      %dma_start3A_268 = arith.constant 0 : i32
      %dma_start3A_269 = tpu.memref_slice %arg3[%squeeze3A_263, %dma_start3A_268] : memref<1000000x64xf32, #tpu.memory_space<hbm>> -> memref<1x64xf32, #tpu.memory_space<hbm>>
      %dma_start3A_270 = arith.constant 0 : i32
      %dma_start3A_271 = tpu.memref_slice %arg6[%add3A_265, %dma_start3A_270] : memref<512x64xf32, #tpu.memory_space<vmem>> -> memref<1x64xf32, #tpu.memory_space<vmem>>
      %dma_start3A_272 = arith.constant 0 : i32
      %dma_start3A_273 = tpu.memref_slice %arg3[%squeeze3A_263, %dma_start3A_272] : memref<1000000x64xf32, #tpu.memory_space<hbm>> -> memref<1x64xf32, #tpu.memory_space<hbm>>
      tpu.enqueue_dma source(%dma_start3A_273 : memref<1x64xf32, #tpu.memory_space<hbm>>) target(%dma_start3A_271 : memref<1x64xf32, #tpu.memory_space<vmem>>) target_semaphore(%arg7 : memref<!tpu.dma_semaphore, #tpu.memory_space<semaphore_mem>>)
      %slice3A_274 = vector.extract_strided_slice %get3A_12 {offsets = [22], sizes = [1], strides = [1]} : vector<64xi32> to vector<1xi32>
      %squeeze3A_275 = vector.extract %slice3A_274[0] : i32 from vector<1xi32>
      %add3A_276 = arith.constant 22 : i32
      %add3A_277 = arith.addi %mul3A_10, %add3A_276 : i32
      %dma_start3A_278 = arith.constant 0 : i32
      %dma_start3A_279 = tpu.memref_slice %arg6[%add3A_277, %dma_start3A_278] : memref<512x64xf32, #tpu.memory_space<vmem>> -> memref<1x64xf32, #tpu.memory_space<vmem>>
      %dma_start3A_280 = arith.constant 0 : i32
      %dma_start3A_281 = tpu.memref_slice %arg3[%squeeze3A_275, %dma_start3A_280] : memref<1000000x64xf32, #tpu.memory_space<hbm>> -> memref<1x64xf32, #tpu.memory_space<hbm>>
      %dma_start3A_282 = arith.constant 0 : i32
      %dma_start3A_283 = tpu.memref_slice %arg6[%add3A_277, %dma_start3A_282] : memref<512x64xf32, #tpu.memory_space<vmem>> -> memref<1x64xf32, #tpu.memory_space<vmem>>
      %dma_start3A_284 = arith.constant 0 : i32
      %dma_start3A_285 = tpu.memref_slice %arg3[%squeeze3A_275, %dma_start3A_284] : memref<1000000x64xf32, #tpu.memory_space<hbm>> -> memref<1x64xf32, #tpu.memory_space<hbm>>
      tpu.enqueue_dma source(%dma_start3A_285 : memref<1x64xf32, #tpu.memory_space<hbm>>) target(%dma_start3A_283 : memref<1x64xf32, #tpu.memory_space<vmem>>) target_semaphore(%arg7 : memref<!tpu.dma_semaphore, #tpu.memory_space<semaphore_mem>>)
      %slice3A_286 = vector.extract_strided_slice %get3A_12 {offsets = [23], sizes = [1], strides = [1]} : vector<64xi32> to vector<1xi32>
      %squeeze3A_287 = vector.extract %slice3A_286[0] : i32 from vector<1xi32>
      %add3A_288 = arith.constant 23 : i32
      %add3A_289 = arith.addi %mul3A_10, %add3A_288 : i32
      %dma_start3A_290 = arith.constant 0 : i32
      %dma_start3A_291 = tpu.memref_slice %arg6[%add3A_289, %dma_start3A_290] : memref<512x64xf32, #tpu.memory_space<vmem>> -> memref<1x64xf32, #tpu.memory_space<vmem>>
      %dma_start3A_292 = arith.constant 0 : i32
      %dma_start3A_293 = tpu.memref_slice %arg3[%squeeze3A_287, %dma_start3A_292] : memref<1000000x64xf32, #tpu.memory_space<hbm>> -> memref<1x64xf32, #tpu.memory_space<hbm>>
      %dma_start3A_294 = arith.constant 0 : i32
      %dma_start3A_295 = tpu.memref_slice %arg6[%add3A_289, %dma_start3A_294] : memref<512x64xf32, #tpu.memory_space<vmem>> -> memref<1x64xf32, #tpu.memory_space<vmem>>
      %dma_start3A_296 = arith.constant 0 : i32
      %dma_start3A_297 = tpu.memref_slice %arg3[%squeeze3A_287, %dma_start3A_296] : memref<1000000x64xf32, #tpu.memory_space<hbm>> -> memref<1x64xf32, #tpu.memory_space<hbm>>
      tpu.enqueue_dma source(%dma_start3A_297 : memref<1x64xf32, #tpu.memory_space<hbm>>) target(%dma_start3A_295 : memref<1x64xf32, #tpu.memory_space<vmem>>) target_semaphore(%arg7 : memref<!tpu.dma_semaphore, #tpu.memory_space<semaphore_mem>>)
      %slice3A_298 = vector.extract_strided_slice %get3A_12 {offsets = [24], sizes = [1], strides = [1]} : vector<64xi32> to vector<1xi32>
      %squeeze3A_299 = vector.extract %slice3A_298[0] : i32 from vector<1xi32>
      %add3A_300 = arith.constant 24 : i32
      %add3A_301 = arith.addi %mul3A_10, %add3A_300 : i32
      %dma_start3A_302 = arith.constant 0 : i32
      %dma_start3A_303 = tpu.memref_slice %arg6[%add3A_301, %dma_start3A_302] : memref<512x64xf32, #tpu.memory_space<vmem>> -> memref<1x64xf32, #tpu.memory_space<vmem>>
      %dma_start3A_304 = arith.constant 0 : i32
      %dma_start3A_305 = tpu.memref_slice %arg3[%squeeze3A_299, %dma_start3A_304] : memref<1000000x64xf32, #tpu.memory_space<hbm>> -> memref<1x64xf32, #tpu.memory_space<hbm>>
      %dma_start3A_306 = arith.constant 0 : i32
      %dma_start3A_307 = tpu.memref_slice %arg6[%add3A_301, %dma_start3A_306] : memref<512x64xf32, #tpu.memory_space<vmem>> -> memref<1x64xf32, #tpu.memory_space<vmem>>
      %dma_start3A_308 = arith.constant 0 : i32
      %dma_start3A_309 = tpu.memref_slice %arg3[%squeeze3A_299, %dma_start3A_308] : memref<1000000x64xf32, #tpu.memory_space<hbm>> -> memref<1x64xf32, #tpu.memory_space<hbm>>
      tpu.enqueue_dma source(%dma_start3A_309 : memref<1x64xf32, #tpu.memory_space<hbm>>) target(%dma_start3A_307 : memref<1x64xf32, #tpu.memory_space<vmem>>) target_semaphore(%arg7 : memref<!tpu.dma_semaphore, #tpu.memory_space<semaphore_mem>>)
      %slice3A_310 = vector.extract_strided_slice %get3A_12 {offsets = [25], sizes = [1], strides = [1]} : vector<64xi32> to vector<1xi32>
      %squeeze3A_311 = vector.extract %slice3A_310[0] : i32 from vector<1xi32>
      %add3A_312 = arith.constant 25 : i32
      %add3A_313 = arith.addi %mul3A_10, %add3A_312 : i32
      %dma_start3A_314 = arith.constant 0 : i32
      %dma_start3A_315 = tpu.memref_slice %arg6[%add3A_313, %dma_start3A_314] : memref<512x64xf32, #tpu.memory_space<vmem>> -> memref<1x64xf32, #tpu.memory_space<vmem>>
      %dma_start3A_316 = arith.constant 0 : i32
      %dma_start3A_317 = tpu.memref_slice %arg3[%squeeze3A_311, %dma_start3A_316] : memref<1000000x64xf32, #tpu.memory_space<hbm>> -> memref<1x64xf32, #tpu.memory_space<hbm>>
      %dma_start3A_318 = arith.constant 0 : i32
      %dma_start3A_319 = tpu.memref_slice %arg6[%add3A_313, %dma_start3A_318] : memref<512x64xf32, #tpu.memory_space<vmem>> -> memref<1x64xf32, #tpu.memory_space<vmem>>
      %dma_start3A_320 = arith.constant 0 : i32
      %dma_start3A_321 = tpu.memref_slice %arg3[%squeeze3A_311, %dma_start3A_320] : memref<1000000x64xf32, #tpu.memory_space<hbm>> -> memref<1x64xf32, #tpu.memory_space<hbm>>
      tpu.enqueue_dma source(%dma_start3A_321 : memref<1x64xf32, #tpu.memory_space<hbm>>) target(%dma_start3A_319 : memref<1x64xf32, #tpu.memory_space<vmem>>) target_semaphore(%arg7 : memref<!tpu.dma_semaphore, #tpu.memory_space<semaphore_mem>>)
      %slice3A_322 = vector.extract_strided_slice %get3A_12 {offsets = [26], sizes = [1], strides = [1]} : vector<64xi32> to vector<1xi32>
      %squeeze3A_323 = vector.extract %slice3A_322[0] : i32 from vector<1xi32>
      %add3A_324 = arith.constant 26 : i32
      %add3A_325 = arith.addi %mul3A_10, %add3A_324 : i32
      %dma_start3A_326 = arith.constant 0 : i32
      %dma_start3A_327 = tpu.memref_slice %arg6[%add3A_325, %dma_start3A_326] : memref<512x64xf32, #tpu.memory_space<vmem>> -> memref<1x64xf32, #tpu.memory_space<vmem>>
      %dma_start3A_328 = arith.constant 0 : i32
      %dma_start3A_329 = tpu.memref_slice %arg3[%squeeze3A_323, %dma_start3A_328] : memref<1000000x64xf32, #tpu.memory_space<hbm>> -> memref<1x64xf32, #tpu.memory_space<hbm>>
      %dma_start3A_330 = arith.constant 0 : i32
      %dma_start3A_331 = tpu.memref_slice %arg6[%add3A_325, %dma_start3A_330] : memref<512x64xf32, #tpu.memory_space<vmem>> -> memref<1x64xf32, #tpu.memory_space<vmem>>
      %dma_start3A_332 = arith.constant 0 : i32
      %dma_start3A_333 = tpu.memref_slice %arg3[%squeeze3A_323, %dma_start3A_332] : memref<1000000x64xf32, #tpu.memory_space<hbm>> -> memref<1x64xf32, #tpu.memory_space<hbm>>
      tpu.enqueue_dma source(%dma_start3A_333 : memref<1x64xf32, #tpu.memory_space<hbm>>) target(%dma_start3A_331 : memref<1x64xf32, #tpu.memory_space<vmem>>) target_semaphore(%arg7 : memref<!tpu.dma_semaphore, #tpu.memory_space<semaphore_mem>>)
      %slice3A_334 = vector.extract_strided_slice %get3A_12 {offsets = [27], sizes = [1], strides = [1]} : vector<64xi32> to vector<1xi32>
      %squeeze3A_335 = vector.extract %slice3A_334[0] : i32 from vector<1xi32>
      %add3A_336 = arith.constant 27 : i32
      %add3A_337 = arith.addi %mul3A_10, %add3A_336 : i32
      %dma_start3A_338 = arith.constant 0 : i32
      %dma_start3A_339 = tpu.memref_slice %arg6[%add3A_337, %dma_start3A_338] : memref<512x64xf32, #tpu.memory_space<vmem>> -> memref<1x64xf32, #tpu.memory_space<vmem>>
      %dma_start3A_340 = arith.constant 0 : i32
      %dma_start3A_341 = tpu.memref_slice %arg3[%squeeze3A_335, %dma_start3A_340] : memref<1000000x64xf32, #tpu.memory_space<hbm>> -> memref<1x64xf32, #tpu.memory_space<hbm>>
      %dma_start3A_342 = arith.constant 0 : i32
      %dma_start3A_343 = tpu.memref_slice %arg6[%add3A_337, %dma_start3A_342] : memref<512x64xf32, #tpu.memory_space<vmem>> -> memref<1x64xf32, #tpu.memory_space<vmem>>
      %dma_start3A_344 = arith.constant 0 : i32
      %dma_start3A_345 = tpu.memref_slice %arg3[%squeeze3A_335, %dma_start3A_344] : memref<1000000x64xf32, #tpu.memory_space<hbm>> -> memref<1x64xf32, #tpu.memory_space<hbm>>
      tpu.enqueue_dma source(%dma_start3A_345 : memref<1x64xf32, #tpu.memory_space<hbm>>) target(%dma_start3A_343 : memref<1x64xf32, #tpu.memory_space<vmem>>) target_semaphore(%arg7 : memref<!tpu.dma_semaphore, #tpu.memory_space<semaphore_mem>>)
      %slice3A_346 = vector.extract_strided_slice %get3A_12 {offsets = [28], sizes = [1], strides = [1]} : vector<64xi32> to vector<1xi32>
      %squeeze3A_347 = vector.extract %slice3A_346[0] : i32 from vector<1xi32>
      %add3A_348 = arith.constant 28 : i32
      %add3A_349 = arith.addi %mul3A_10, %add3A_348 : i32
      %dma_start3A_350 = arith.constant 0 : i32
      %dma_start3A_351 = tpu.memref_slice %arg6[%add3A_349, %dma_start3A_350] : memref<512x64xf32, #tpu.memory_space<vmem>> -> memref<1x64xf32, #tpu.memory_space<vmem>>
      %dma_start3A_352 = arith.constant 0 : i32
      %dma_start3A_353 = tpu.memref_slice %arg3[%squeeze3A_347, %dma_start3A_352] : memref<1000000x64xf32, #tpu.memory_space<hbm>> -> memref<1x64xf32, #tpu.memory_space<hbm>>
      %dma_start3A_354 = arith.constant 0 : i32
      %dma_start3A_355 = tpu.memref_slice %arg6[%add3A_349, %dma_start3A_354] : memref<512x64xf32, #tpu.memory_space<vmem>> -> memref<1x64xf32, #tpu.memory_space<vmem>>
      %dma_start3A_356 = arith.constant 0 : i32
      %dma_start3A_357 = tpu.memref_slice %arg3[%squeeze3A_347, %dma_start3A_356] : memref<1000000x64xf32, #tpu.memory_space<hbm>> -> memref<1x64xf32, #tpu.memory_space<hbm>>
      tpu.enqueue_dma source(%dma_start3A_357 : memref<1x64xf32, #tpu.memory_space<hbm>>) target(%dma_start3A_355 : memref<1x64xf32, #tpu.memory_space<vmem>>) target_semaphore(%arg7 : memref<!tpu.dma_semaphore, #tpu.memory_space<semaphore_mem>>)
      %slice3A_358 = vector.extract_strided_slice %get3A_12 {offsets = [29], sizes = [1], strides = [1]} : vector<64xi32> to vector<1xi32>
      %squeeze3A_359 = vector.extract %slice3A_358[0] : i32 from vector<1xi32>
      %add3A_360 = arith.constant 29 : i32
      %add3A_361 = arith.addi %mul3A_10, %add3A_360 : i32
      %dma_start3A_362 = arith.constant 0 : i32
      %dma_start3A_363 = tpu.memref_slice %arg6[%add3A_361, %dma_start3A_362] : memref<512x64xf32, #tpu.memory_space<vmem>> -> memref<1x64xf32, #tpu.memory_space<vmem>>
      %dma_start3A_364 = arith.constant 0 : i32
      %dma_start3A_365 = tpu.memref_slice %arg3[%squeeze3A_359, %dma_start3A_364] : memref<1000000x64xf32, #tpu.memory_space<hbm>> -> memref<1x64xf32, #tpu.memory_space<hbm>>
      %dma_start3A_366 = arith.constant 0 : i32
      %dma_start3A_367 = tpu.memref_slice %arg6[%add3A_361, %dma_start3A_366] : memref<512x64xf32, #tpu.memory_space<vmem>> -> memref<1x64xf32, #tpu.memory_space<vmem>>
      %dma_start3A_368 = arith.constant 0 : i32
      %dma_start3A_369 = tpu.memref_slice %arg3[%squeeze3A_359, %dma_start3A_368] : memref<1000000x64xf32, #tpu.memory_space<hbm>> -> memref<1x64xf32, #tpu.memory_space<hbm>>
      tpu.enqueue_dma source(%dma_start3A_369 : memref<1x64xf32, #tpu.memory_space<hbm>>) target(%dma_start3A_367 : memref<1x64xf32, #tpu.memory_space<vmem>>) target_semaphore(%arg7 : memref<!tpu.dma_semaphore, #tpu.memory_space<semaphore_mem>>)
      %slice3A_370 = vector.extract_strided_slice %get3A_12 {offsets = [30], sizes = [1], strides = [1]} : vector<64xi32> to vector<1xi32>
      %squeeze3A_371 = vector.extract %slice3A_370[0] : i32 from vector<1xi32>
      %add3A_372 = arith.constant 30 : i32
      %add3A_373 = arith.addi %mul3A_10, %add3A_372 : i32
      %dma_start3A_374 = arith.constant 0 : i32
      %dma_start3A_375 = tpu.memref_slice %arg6[%add3A_373, %dma_start3A_374] : memref<512x64xf32, #tpu.memory_space<vmem>> -> memref<1x64xf32, #tpu.memory_space<vmem>>
      %dma_start3A_376 = arith.constant 0 : i32
      %dma_start3A_377 = tpu.memref_slice %arg3[%squeeze3A_371, %dma_start3A_376] : memref<1000000x64xf32, #tpu.memory_space<hbm>> -> memref<1x64xf32, #tpu.memory_space<hbm>>
      %dma_start3A_378 = arith.constant 0 : i32
      %dma_start3A_379 = tpu.memref_slice %arg6[%add3A_373, %dma_start3A_378] : memref<512x64xf32, #tpu.memory_space<vmem>> -> memref<1x64xf32, #tpu.memory_space<vmem>>
      %dma_start3A_380 = arith.constant 0 : i32
      %dma_start3A_381 = tpu.memref_slice %arg3[%squeeze3A_371, %dma_start3A_380] : memref<1000000x64xf32, #tpu.memory_space<hbm>> -> memref<1x64xf32, #tpu.memory_space<hbm>>
      tpu.enqueue_dma source(%dma_start3A_381 : memref<1x64xf32, #tpu.memory_space<hbm>>) target(%dma_start3A_379 : memref<1x64xf32, #tpu.memory_space<vmem>>) target_semaphore(%arg7 : memref<!tpu.dma_semaphore, #tpu.memory_space<semaphore_mem>>)
      %slice3A_382 = vector.extract_strided_slice %get3A_12 {offsets = [31], sizes = [1], strides = [1]} : vector<64xi32> to vector<1xi32>
      %squeeze3A_383 = vector.extract %slice3A_382[0] : i32 from vector<1xi32>
      %add3A_384 = arith.constant 31 : i32
      %add3A_385 = arith.addi %mul3A_10, %add3A_384 : i32
      %dma_start3A_386 = arith.constant 0 : i32
      %dma_start3A_387 = tpu.memref_slice %arg6[%add3A_385, %dma_start3A_386] : memref<512x64xf32, #tpu.memory_space<vmem>> -> memref<1x64xf32, #tpu.memory_space<vmem>>
      %dma_start3A_388 = arith.constant 0 : i32
      %dma_start3A_389 = tpu.memref_slice %arg3[%squeeze3A_383, %dma_start3A_388] : memref<1000000x64xf32, #tpu.memory_space<hbm>> -> memref<1x64xf32, #tpu.memory_space<hbm>>
      %dma_start3A_390 = arith.constant 0 : i32
      %dma_start3A_391 = tpu.memref_slice %arg6[%add3A_385, %dma_start3A_390] : memref<512x64xf32, #tpu.memory_space<vmem>> -> memref<1x64xf32, #tpu.memory_space<vmem>>
      %dma_start3A_392 = arith.constant 0 : i32
      %dma_start3A_393 = tpu.memref_slice %arg3[%squeeze3A_383, %dma_start3A_392] : memref<1000000x64xf32, #tpu.memory_space<hbm>> -> memref<1x64xf32, #tpu.memory_space<hbm>>
      tpu.enqueue_dma source(%dma_start3A_393 : memref<1x64xf32, #tpu.memory_space<hbm>>) target(%dma_start3A_391 : memref<1x64xf32, #tpu.memory_space<vmem>>) target_semaphore(%arg7 : memref<!tpu.dma_semaphore, #tpu.memory_space<semaphore_mem>>)
      %slice3A_394 = vector.extract_strided_slice %get3A_12 {offsets = [32], sizes = [1], strides = [1]} : vector<64xi32> to vector<1xi32>
      %squeeze3A_395 = vector.extract %slice3A_394[0] : i32 from vector<1xi32>
      %add3A_396 = arith.constant 32 : i32
      %add3A_397 = arith.addi %mul3A_10, %add3A_396 : i32
      %dma_start3A_398 = arith.constant 0 : i32
      %dma_start3A_399 = tpu.memref_slice %arg6[%add3A_397, %dma_start3A_398] : memref<512x64xf32, #tpu.memory_space<vmem>> -> memref<1x64xf32, #tpu.memory_space<vmem>>
      %dma_start3A_400 = arith.constant 0 : i32
      %dma_start3A_401 = tpu.memref_slice %arg3[%squeeze3A_395, %dma_start3A_400] : memref<1000000x64xf32, #tpu.memory_space<hbm>> -> memref<1x64xf32, #tpu.memory_space<hbm>>
      %dma_start3A_402 = arith.constant 0 : i32
      %dma_start3A_403 = tpu.memref_slice %arg6[%add3A_397, %dma_start3A_402] : memref<512x64xf32, #tpu.memory_space<vmem>> -> memref<1x64xf32, #tpu.memory_space<vmem>>
      %dma_start3A_404 = arith.constant 0 : i32
      %dma_start3A_405 = tpu.memref_slice %arg3[%squeeze3A_395, %dma_start3A_404] : memref<1000000x64xf32, #tpu.memory_space<hbm>> -> memref<1x64xf32, #tpu.memory_space<hbm>>
      tpu.enqueue_dma source(%dma_start3A_405 : memref<1x64xf32, #tpu.memory_space<hbm>>) target(%dma_start3A_403 : memref<1x64xf32, #tpu.memory_space<vmem>>) target_semaphore(%arg7 : memref<!tpu.dma_semaphore, #tpu.memory_space<semaphore_mem>>)
      %slice3A_406 = vector.extract_strided_slice %get3A_12 {offsets = [33], sizes = [1], strides = [1]} : vector<64xi32> to vector<1xi32>
      %squeeze3A_407 = vector.extract %slice3A_406[0] : i32 from vector<1xi32>
      %add3A_408 = arith.constant 33 : i32
      %add3A_409 = arith.addi %mul3A_10, %add3A_408 : i32
      %dma_start3A_410 = arith.constant 0 : i32
      %dma_start3A_411 = tpu.memref_slice %arg6[%add3A_409, %dma_start3A_410] : memref<512x64xf32, #tpu.memory_space<vmem>> -> memref<1x64xf32, #tpu.memory_space<vmem>>
      %dma_start3A_412 = arith.constant 0 : i32
      %dma_start3A_413 = tpu.memref_slice %arg3[%squeeze3A_407, %dma_start3A_412] : memref<1000000x64xf32, #tpu.memory_space<hbm>> -> memref<1x64xf32, #tpu.memory_space<hbm>>
      %dma_start3A_414 = arith.constant 0 : i32
      %dma_start3A_415 = tpu.memref_slice %arg6[%add3A_409, %dma_start3A_414] : memref<512x64xf32, #tpu.memory_space<vmem>> -> memref<1x64xf32, #tpu.memory_space<vmem>>
      %dma_start3A_416 = arith.constant 0 : i32
      %dma_start3A_417 = tpu.memref_slice %arg3[%squeeze3A_407, %dma_start3A_416] : memref<1000000x64xf32, #tpu.memory_space<hbm>> -> memref<1x64xf32, #tpu.memory_space<hbm>>
      tpu.enqueue_dma source(%dma_start3A_417 : memref<1x64xf32, #tpu.memory_space<hbm>>) target(%dma_start3A_415 : memref<1x64xf32, #tpu.memory_space<vmem>>) target_semaphore(%arg7 : memref<!tpu.dma_semaphore, #tpu.memory_space<semaphore_mem>>)
      %slice3A_418 = vector.extract_strided_slice %get3A_12 {offsets = [34], sizes = [1], strides = [1]} : vector<64xi32> to vector<1xi32>
      %squeeze3A_419 = vector.extract %slice3A_418[0] : i32 from vector<1xi32>
      %add3A_420 = arith.constant 34 : i32
      %add3A_421 = arith.addi %mul3A_10, %add3A_420 : i32
      %dma_start3A_422 = arith.constant 0 : i32
      %dma_start3A_423 = tpu.memref_slice %arg6[%add3A_421, %dma_start3A_422] : memref<512x64xf32, #tpu.memory_space<vmem>> -> memref<1x64xf32, #tpu.memory_space<vmem>>
      %dma_start3A_424 = arith.constant 0 : i32
      %dma_start3A_425 = tpu.memref_slice %arg3[%squeeze3A_419, %dma_start3A_424] : memref<1000000x64xf32, #tpu.memory_space<hbm>> -> memref<1x64xf32, #tpu.memory_space<hbm>>
      %dma_start3A_426 = arith.constant 0 : i32
      %dma_start3A_427 = tpu.memref_slice %arg6[%add3A_421, %dma_start3A_426] : memref<512x64xf32, #tpu.memory_space<vmem>> -> memref<1x64xf32, #tpu.memory_space<vmem>>
      %dma_start3A_428 = arith.constant 0 : i32
      %dma_start3A_429 = tpu.memref_slice %arg3[%squeeze3A_419, %dma_start3A_428] : memref<1000000x64xf32, #tpu.memory_space<hbm>> -> memref<1x64xf32, #tpu.memory_space<hbm>>
      tpu.enqueue_dma source(%dma_start3A_429 : memref<1x64xf32, #tpu.memory_space<hbm>>) target(%dma_start3A_427 : memref<1x64xf32, #tpu.memory_space<vmem>>) target_semaphore(%arg7 : memref<!tpu.dma_semaphore, #tpu.memory_space<semaphore_mem>>)
      %slice3A_430 = vector.extract_strided_slice %get3A_12 {offsets = [35], sizes = [1], strides = [1]} : vector<64xi32> to vector<1xi32>
      %squeeze3A_431 = vector.extract %slice3A_430[0] : i32 from vector<1xi32>
      %add3A_432 = arith.constant 35 : i32
      %add3A_433 = arith.addi %mul3A_10, %add3A_432 : i32
      %dma_start3A_434 = arith.constant 0 : i32
      %dma_start3A_435 = tpu.memref_slice %arg6[%add3A_433, %dma_start3A_434] : memref<512x64xf32, #tpu.memory_space<vmem>> -> memref<1x64xf32, #tpu.memory_space<vmem>>
      %dma_start3A_436 = arith.constant 0 : i32
      %dma_start3A_437 = tpu.memref_slice %arg3[%squeeze3A_431, %dma_start3A_436] : memref<1000000x64xf32, #tpu.memory_space<hbm>> -> memref<1x64xf32, #tpu.memory_space<hbm>>
      %dma_start3A_438 = arith.constant 0 : i32
      %dma_start3A_439 = tpu.memref_slice %arg6[%add3A_433, %dma_start3A_438] : memref<512x64xf32, #tpu.memory_space<vmem>> -> memref<1x64xf32, #tpu.memory_space<vmem>>
      %dma_start3A_440 = arith.constant 0 : i32
      %dma_start3A_441 = tpu.memref_slice %arg3[%squeeze3A_431, %dma_start3A_440] : memref<1000000x64xf32, #tpu.memory_space<hbm>> -> memref<1x64xf32, #tpu.memory_space<hbm>>
      tpu.enqueue_dma source(%dma_start3A_441 : memref<1x64xf32, #tpu.memory_space<hbm>>) target(%dma_start3A_439 : memref<1x64xf32, #tpu.memory_space<vmem>>) target_semaphore(%arg7 : memref<!tpu.dma_semaphore, #tpu.memory_space<semaphore_mem>>)
      %slice3A_442 = vector.extract_strided_slice %get3A_12 {offsets = [36], sizes = [1], strides = [1]} : vector<64xi32> to vector<1xi32>
      %squeeze3A_443 = vector.extract %slice3A_442[0] : i32 from vector<1xi32>
      %add3A_444 = arith.constant 36 : i32
      %add3A_445 = arith.addi %mul3A_10, %add3A_444 : i32
      %dma_start3A_446 = arith.constant 0 : i32
      %dma_start3A_447 = tpu.memref_slice %arg6[%add3A_445, %dma_start3A_446] : memref<512x64xf32, #tpu.memory_space<vmem>> -> memref<1x64xf32, #tpu.memory_space<vmem>>
      %dma_start3A_448 = arith.constant 0 : i32
      %dma_start3A_449 = tpu.memref_slice %arg3[%squeeze3A_443, %dma_start3A_448] : memref<1000000x64xf32, #tpu.memory_space<hbm>> -> memref<1x64xf32, #tpu.memory_space<hbm>>
      %dma_start3A_450 = arith.constant 0 : i32
      %dma_start3A_451 = tpu.memref_slice %arg6[%add3A_445, %dma_start3A_450] : memref<512x64xf32, #tpu.memory_space<vmem>> -> memref<1x64xf32, #tpu.memory_space<vmem>>
      %dma_start3A_452 = arith.constant 0 : i32
      %dma_start3A_453 = tpu.memref_slice %arg3[%squeeze3A_443, %dma_start3A_452] : memref<1000000x64xf32, #tpu.memory_space<hbm>> -> memref<1x64xf32, #tpu.memory_space<hbm>>
      tpu.enqueue_dma source(%dma_start3A_453 : memref<1x64xf32, #tpu.memory_space<hbm>>) target(%dma_start3A_451 : memref<1x64xf32, #tpu.memory_space<vmem>>) target_semaphore(%arg7 : memref<!tpu.dma_semaphore, #tpu.memory_space<semaphore_mem>>)
      %slice3A_454 = vector.extract_strided_slice %get3A_12 {offsets = [37], sizes = [1], strides = [1]} : vector<64xi32> to vector<1xi32>
      %squeeze3A_455 = vector.extract %slice3A_454[0] : i32 from vector<1xi32>
      %add3A_456 = arith.constant 37 : i32
      %add3A_457 = arith.addi %mul3A_10, %add3A_456 : i32
      %dma_start3A_458 = arith.constant 0 : i32
      %dma_start3A_459 = tpu.memref_slice %arg6[%add3A_457, %dma_start3A_458] : memref<512x64xf32, #tpu.memory_space<vmem>> -> memref<1x64xf32, #tpu.memory_space<vmem>>
      %dma_start3A_460 = arith.constant 0 : i32
      %dma_start3A_461 = tpu.memref_slice %arg3[%squeeze3A_455, %dma_start3A_460] : memref<1000000x64xf32, #tpu.memory_space<hbm>> -> memref<1x64xf32, #tpu.memory_space<hbm>>
      %dma_start3A_462 = arith.constant 0 : i32
      %dma_start3A_463 = tpu.memref_slice %arg6[%add3A_457, %dma_start3A_462] : memref<512x64xf32, #tpu.memory_space<vmem>> -> memref<1x64xf32, #tpu.memory_space<vmem>>
      %dma_start3A_464 = arith.constant 0 : i32
      %dma_start3A_465 = tpu.memref_slice %arg3[%squeeze3A_455, %dma_start3A_464] : memref<1000000x64xf32, #tpu.memory_space<hbm>> -> memref<1x64xf32, #tpu.memory_space<hbm>>
      tpu.enqueue_dma source(%dma_start3A_465 : memref<1x64xf32, #tpu.memory_space<hbm>>) target(%dma_start3A_463 : memref<1x64xf32, #tpu.memory_space<vmem>>) target_semaphore(%arg7 : memref<!tpu.dma_semaphore, #tpu.memory_space<semaphore_mem>>)
      %slice3A_466 = vector.extract_strided_slice %get3A_12 {offsets = [38], sizes = [1], strides = [1]} : vector<64xi32> to vector<1xi32>
      %squeeze3A_467 = vector.extract %slice3A_466[0] : i32 from vector<1xi32>
      %add3A_468 = arith.constant 38 : i32
      %add3A_469 = arith.addi %mul3A_10, %add3A_468 : i32
      %dma_start3A_470 = arith.constant 0 : i32
      %dma_start3A_471 = tpu.memref_slice %arg6[%add3A_469, %dma_start3A_470] : memref<512x64xf32, #tpu.memory_space<vmem>> -> memref<1x64xf32, #tpu.memory_space<vmem>>
      %dma_start3A_472 = arith.constant 0 : i32
      %dma_start3A_473 = tpu.memref_slice %arg3[%squeeze3A_467, %dma_start3A_472] : memref<1000000x64xf32, #tpu.memory_space<hbm>> -> memref<1x64xf32, #tpu.memory_space<hbm>>
      %dma_start3A_474 = arith.constant 0 : i32
      %dma_start3A_475 = tpu.memref_slice %arg6[%add3A_469, %dma_start3A_474] : memref<512x64xf32, #tpu.memory_space<vmem>> -> memref<1x64xf32, #tpu.memory_space<vmem>>
      %dma_start3A_476 = arith.constant 0 : i32
      %dma_start3A_477 = tpu.memref_slice %arg3[%squeeze3A_467, %dma_start3A_476] : memref<1000000x64xf32, #tpu.memory_space<hbm>> -> memref<1x64xf32, #tpu.memory_space<hbm>>
      tpu.enqueue_dma source(%dma_start3A_477 : memref<1x64xf32, #tpu.memory_space<hbm>>) target(%dma_start3A_475 : memref<1x64xf32, #tpu.memory_space<vmem>>) target_semaphore(%arg7 : memref<!tpu.dma_semaphore, #tpu.memory_space<semaphore_mem>>)
      %slice3A_478 = vector.extract_strided_slice %get3A_12 {offsets = [39], sizes = [1], strides = [1]} : vector<64xi32> to vector<1xi32>
      %squeeze3A_479 = vector.extract %slice3A_478[0] : i32 from vector<1xi32>
      %add3A_480 = arith.constant 39 : i32
      %add3A_481 = arith.addi %mul3A_10, %add3A_480 : i32
      %dma_start3A_482 = arith.constant 0 : i32
      %dma_start3A_483 = tpu.memref_slice %arg6[%add3A_481, %dma_start3A_482] : memref<512x64xf32, #tpu.memory_space<vmem>> -> memref<1x64xf32, #tpu.memory_space<vmem>>
      %dma_start3A_484 = arith.constant 0 : i32
      %dma_start3A_485 = tpu.memref_slice %arg3[%squeeze3A_479, %dma_start3A_484] : memref<1000000x64xf32, #tpu.memory_space<hbm>> -> memref<1x64xf32, #tpu.memory_space<hbm>>
      %dma_start3A_486 = arith.constant 0 : i32
      %dma_start3A_487 = tpu.memref_slice %arg6[%add3A_481, %dma_start3A_486] : memref<512x64xf32, #tpu.memory_space<vmem>> -> memref<1x64xf32, #tpu.memory_space<vmem>>
      %dma_start3A_488 = arith.constant 0 : i32
      %dma_start3A_489 = tpu.memref_slice %arg3[%squeeze3A_479, %dma_start3A_488] : memref<1000000x64xf32, #tpu.memory_space<hbm>> -> memref<1x64xf32, #tpu.memory_space<hbm>>
      tpu.enqueue_dma source(%dma_start3A_489 : memref<1x64xf32, #tpu.memory_space<hbm>>) target(%dma_start3A_487 : memref<1x64xf32, #tpu.memory_space<vmem>>) target_semaphore(%arg7 : memref<!tpu.dma_semaphore, #tpu.memory_space<semaphore_mem>>)
      %slice3A_490 = vector.extract_strided_slice %get3A_12 {offsets = [40], sizes = [1], strides = [1]} : vector<64xi32> to vector<1xi32>
      %squeeze3A_491 = vector.extract %slice3A_490[0] : i32 from vector<1xi32>
      %add3A_492 = arith.constant 40 : i32
      %add3A_493 = arith.addi %mul3A_10, %add3A_492 : i32
      %dma_start3A_494 = arith.constant 0 : i32
      %dma_start3A_495 = tpu.memref_slice %arg6[%add3A_493, %dma_start3A_494] : memref<512x64xf32, #tpu.memory_space<vmem>> -> memref<1x64xf32, #tpu.memory_space<vmem>>
      %dma_start3A_496 = arith.constant 0 : i32
      %dma_start3A_497 = tpu.memref_slice %arg3[%squeeze3A_491, %dma_start3A_496] : memref<1000000x64xf32, #tpu.memory_space<hbm>> -> memref<1x64xf32, #tpu.memory_space<hbm>>
      %dma_start3A_498 = arith.constant 0 : i32
      %dma_start3A_499 = tpu.memref_slice %arg6[%add3A_493, %dma_start3A_498] : memref<512x64xf32, #tpu.memory_space<vmem>> -> memref<1x64xf32, #tpu.memory_space<vmem>>
      %dma_start3A_500 = arith.constant 0 : i32
      %dma_start3A_501 = tpu.memref_slice %arg3[%squeeze3A_491, %dma_start3A_500] : memref<1000000x64xf32, #tpu.memory_space<hbm>> -> memref<1x64xf32, #tpu.memory_space<hbm>>
      tpu.enqueue_dma source(%dma_start3A_501 : memref<1x64xf32, #tpu.memory_space<hbm>>) target(%dma_start3A_499 : memref<1x64xf32, #tpu.memory_space<vmem>>) target_semaphore(%arg7 : memref<!tpu.dma_semaphore, #tpu.memory_space<semaphore_mem>>)
      %slice3A_502 = vector.extract_strided_slice %get3A_12 {offsets = [41], sizes = [1], strides = [1]} : vector<64xi32> to vector<1xi32>
      %squeeze3A_503 = vector.extract %slice3A_502[0] : i32 from vector<1xi32>
      %add3A_504 = arith.constant 41 : i32
      %add3A_505 = arith.addi %mul3A_10, %add3A_504 : i32
      %dma_start3A_506 = arith.constant 0 : i32
      %dma_start3A_507 = tpu.memref_slice %arg6[%add3A_505, %dma_start3A_506] : memref<512x64xf32, #tpu.memory_space<vmem>> -> memref<1x64xf32, #tpu.memory_space<vmem>>
      %dma_start3A_508 = arith.constant 0 : i32
      %dma_start3A_509 = tpu.memref_slice %arg3[%squeeze3A_503, %dma_start3A_508] : memref<1000000x64xf32, #tpu.memory_space<hbm>> -> memref<1x64xf32, #tpu.memory_space<hbm>>
      %dma_start3A_510 = arith.constant 0 : i32
      %dma_start3A_511 = tpu.memref_slice %arg6[%add3A_505, %dma_start3A_510] : memref<512x64xf32, #tpu.memory_space<vmem>> -> memref<1x64xf32, #tpu.memory_space<vmem>>
      %dma_start3A_512 = arith.constant 0 : i32
      %dma_start3A_513 = tpu.memref_slice %arg3[%squeeze3A_503, %dma_start3A_512] : memref<1000000x64xf32, #tpu.memory_space<hbm>> -> memref<1x64xf32, #tpu.memory_space<hbm>>
      tpu.enqueue_dma source(%dma_start3A_513 : memref<1x64xf32, #tpu.memory_space<hbm>>) target(%dma_start3A_511 : memref<1x64xf32, #tpu.memory_space<vmem>>) target_semaphore(%arg7 : memref<!tpu.dma_semaphore, #tpu.memory_space<semaphore_mem>>)
      %slice3A_514 = vector.extract_strided_slice %get3A_12 {offsets = [42], sizes = [1], strides = [1]} : vector<64xi32> to vector<1xi32>
      %squeeze3A_515 = vector.extract %slice3A_514[0] : i32 from vector<1xi32>
      %add3A_516 = arith.constant 42 : i32
      %add3A_517 = arith.addi %mul3A_10, %add3A_516 : i32
      %dma_start3A_518 = arith.constant 0 : i32
      %dma_start3A_519 = tpu.memref_slice %arg6[%add3A_517, %dma_start3A_518] : memref<512x64xf32, #tpu.memory_space<vmem>> -> memref<1x64xf32, #tpu.memory_space<vmem>>
      %dma_start3A_520 = arith.constant 0 : i32
      %dma_start3A_521 = tpu.memref_slice %arg3[%squeeze3A_515, %dma_start3A_520] : memref<1000000x64xf32, #tpu.memory_space<hbm>> -> memref<1x64xf32, #tpu.memory_space<hbm>>
      %dma_start3A_522 = arith.constant 0 : i32
      %dma_start3A_523 = tpu.memref_slice %arg6[%add3A_517, %dma_start3A_522] : memref<512x64xf32, #tpu.memory_space<vmem>> -> memref<1x64xf32, #tpu.memory_space<vmem>>
      %dma_start3A_524 = arith.constant 0 : i32
      %dma_start3A_525 = tpu.memref_slice %arg3[%squeeze3A_515, %dma_start3A_524] : memref<1000000x64xf32, #tpu.memory_space<hbm>> -> memref<1x64xf32, #tpu.memory_space<hbm>>
      tpu.enqueue_dma source(%dma_start3A_525 : memref<1x64xf32, #tpu.memory_space<hbm>>) target(%dma_start3A_523 : memref<1x64xf32, #tpu.memory_space<vmem>>) target_semaphore(%arg7 : memref<!tpu.dma_semaphore, #tpu.memory_space<semaphore_mem>>)
      %slice3A_526 = vector.extract_strided_slice %get3A_12 {offsets = [43], sizes = [1], strides = [1]} : vector<64xi32> to vector<1xi32>
      %squeeze3A_527 = vector.extract %slice3A_526[0] : i32 from vector<1xi32>
      %add3A_528 = arith.constant 43 : i32
      %add3A_529 = arith.addi %mul3A_10, %add3A_528 : i32
      %dma_start3A_530 = arith.constant 0 : i32
      %dma_start3A_531 = tpu.memref_slice %arg6[%add3A_529, %dma_start3A_530] : memref<512x64xf32, #tpu.memory_space<vmem>> -> memref<1x64xf32, #tpu.memory_space<vmem>>
      %dma_start3A_532 = arith.constant 0 : i32
      %dma_start3A_533 = tpu.memref_slice %arg3[%squeeze3A_527, %dma_start3A_532] : memref<1000000x64xf32, #tpu.memory_space<hbm>> -> memref<1x64xf32, #tpu.memory_space<hbm>>
      %dma_start3A_534 = arith.constant 0 : i32
      %dma_start3A_535 = tpu.memref_slice %arg6[%add3A_529, %dma_start3A_534] : memref<512x64xf32, #tpu.memory_space<vmem>> -> memref<1x64xf32, #tpu.memory_space<vmem>>
      %dma_start3A_536 = arith.constant 0 : i32
      %dma_start3A_537 = tpu.memref_slice %arg3[%squeeze3A_527, %dma_start3A_536] : memref<1000000x64xf32, #tpu.memory_space<hbm>> -> memref<1x64xf32, #tpu.memory_space<hbm>>
      tpu.enqueue_dma source(%dma_start3A_537 : memref<1x64xf32, #tpu.memory_space<hbm>>) target(%dma_start3A_535 : memref<1x64xf32, #tpu.memory_space<vmem>>) target_semaphore(%arg7 : memref<!tpu.dma_semaphore, #tpu.memory_space<semaphore_mem>>)
      %slice3A_538 = vector.extract_strided_slice %get3A_12 {offsets = [44], sizes = [1], strides = [1]} : vector<64xi32> to vector<1xi32>
      %squeeze3A_539 = vector.extract %slice3A_538[0] : i32 from vector<1xi32>
      %add3A_540 = arith.constant 44 : i32
      %add3A_541 = arith.addi %mul3A_10, %add3A_540 : i32
      %dma_start3A_542 = arith.constant 0 : i32
      %dma_start3A_543 = tpu.memref_slice %arg6[%add3A_541, %dma_start3A_542] : memref<512x64xf32, #tpu.memory_space<vmem>> -> memref<1x64xf32, #tpu.memory_space<vmem>>
      %dma_start3A_544 = arith.constant 0 : i32
      %dma_start3A_545 = tpu.memref_slice %arg3[%squeeze3A_539, %dma_start3A_544] : memref<1000000x64xf32, #tpu.memory_space<hbm>> -> memref<1x64xf32, #tpu.memory_space<hbm>>
      %dma_start3A_546 = arith.constant 0 : i32
      %dma_start3A_547 = tpu.memref_slice %arg6[%add3A_541, %dma_start3A_546] : memref<512x64xf32, #tpu.memory_space<vmem>> -> memref<1x64xf32, #tpu.memory_space<vmem>>
      %dma_start3A_548 = arith.constant 0 : i32
      %dma_start3A_549 = tpu.memref_slice %arg3[%squeeze3A_539, %dma_start3A_548] : memref<1000000x64xf32, #tpu.memory_space<hbm>> -> memref<1x64xf32, #tpu.memory_space<hbm>>
      tpu.enqueue_dma source(%dma_start3A_549 : memref<1x64xf32, #tpu.memory_space<hbm>>) target(%dma_start3A_547 : memref<1x64xf32, #tpu.memory_space<vmem>>) target_semaphore(%arg7 : memref<!tpu.dma_semaphore, #tpu.memory_space<semaphore_mem>>)
      %slice3A_550 = vector.extract_strided_slice %get3A_12 {offsets = [45], sizes = [1], strides = [1]} : vector<64xi32> to vector<1xi32>
      %squeeze3A_551 = vector.extract %slice3A_550[0] : i32 from vector<1xi32>
      %add3A_552 = arith.constant 45 : i32
      %add3A_553 = arith.addi %mul3A_10, %add3A_552 : i32
      %dma_start3A_554 = arith.constant 0 : i32
      %dma_start3A_555 = tpu.memref_slice %arg6[%add3A_553, %dma_start3A_554] : memref<512x64xf32, #tpu.memory_space<vmem>> -> memref<1x64xf32, #tpu.memory_space<vmem>>
      %dma_start3A_556 = arith.constant 0 : i32
      %dma_start3A_557 = tpu.memref_slice %arg3[%squeeze3A_551, %dma_start3A_556] : memref<1000000x64xf32, #tpu.memory_space<hbm>> -> memref<1x64xf32, #tpu.memory_space<hbm>>
      %dma_start3A_558 = arith.constant 0 : i32
      %dma_start3A_559 = tpu.memref_slice %arg6[%add3A_553, %dma_start3A_558] : memref<512x64xf32, #tpu.memory_space<vmem>> -> memref<1x64xf32, #tpu.memory_space<vmem>>
      %dma_start3A_560 = arith.constant 0 : i32
      %dma_start3A_561 = tpu.memref_slice %arg3[%squeeze3A_551, %dma_start3A_560] : memref<1000000x64xf32, #tpu.memory_space<hbm>> -> memref<1x64xf32, #tpu.memory_space<hbm>>
      tpu.enqueue_dma source(%dma_start3A_561 : memref<1x64xf32, #tpu.memory_space<hbm>>) target(%dma_start3A_559 : memref<1x64xf32, #tpu.memory_space<vmem>>) target_semaphore(%arg7 : memref<!tpu.dma_semaphore, #tpu.memory_space<semaphore_mem>>)
      %slice3A_562 = vector.extract_strided_slice %get3A_12 {offsets = [46], sizes = [1], strides = [1]} : vector<64xi32> to vector<1xi32>
      %squeeze3A_563 = vector.extract %slice3A_562[0] : i32 from vector<1xi32>
      %add3A_564 = arith.constant 46 : i32
      %add3A_565 = arith.addi %mul3A_10, %add3A_564 : i32
      %dma_start3A_566 = arith.constant 0 : i32
      %dma_start3A_567 = tpu.memref_slice %arg6[%add3A_565, %dma_start3A_566] : memref<512x64xf32, #tpu.memory_space<vmem>> -> memref<1x64xf32, #tpu.memory_space<vmem>>
      %dma_start3A_568 = arith.constant 0 : i32
      %dma_start3A_569 = tpu.memref_slice %arg3[%squeeze3A_563, %dma_start3A_568] : memref<1000000x64xf32, #tpu.memory_space<hbm>> -> memref<1x64xf32, #tpu.memory_space<hbm>>
      %dma_start3A_570 = arith.constant 0 : i32
      %dma_start3A_571 = tpu.memref_slice %arg6[%add3A_565, %dma_start3A_570] : memref<512x64xf32, #tpu.memory_space<vmem>> -> memref<1x64xf32, #tpu.memory_space<vmem>>
      %dma_start3A_572 = arith.constant 0 : i32
      %dma_start3A_573 = tpu.memref_slice %arg3[%squeeze3A_563, %dma_start3A_572] : memref<1000000x64xf32, #tpu.memory_space<hbm>> -> memref<1x64xf32, #tpu.memory_space<hbm>>
      tpu.enqueue_dma source(%dma_start3A_573 : memref<1x64xf32, #tpu.memory_space<hbm>>) target(%dma_start3A_571 : memref<1x64xf32, #tpu.memory_space<vmem>>) target_semaphore(%arg7 : memref<!tpu.dma_semaphore, #tpu.memory_space<semaphore_mem>>)
      %slice3A_574 = vector.extract_strided_slice %get3A_12 {offsets = [47], sizes = [1], strides = [1]} : vector<64xi32> to vector<1xi32>
      %squeeze3A_575 = vector.extract %slice3A_574[0] : i32 from vector<1xi32>
      %add3A_576 = arith.constant 47 : i32
      %add3A_577 = arith.addi %mul3A_10, %add3A_576 : i32
      %dma_start3A_578 = arith.constant 0 : i32
      %dma_start3A_579 = tpu.memref_slice %arg6[%add3A_577, %dma_start3A_578] : memref<512x64xf32, #tpu.memory_space<vmem>> -> memref<1x64xf32, #tpu.memory_space<vmem>>
      %dma_start3A_580 = arith.constant 0 : i32
      %dma_start3A_581 = tpu.memref_slice %arg3[%squeeze3A_575, %dma_start3A_580] : memref<1000000x64xf32, #tpu.memory_space<hbm>> -> memref<1x64xf32, #tpu.memory_space<hbm>>
      %dma_start3A_582 = arith.constant 0 : i32
      %dma_start3A_583 = tpu.memref_slice %arg6[%add3A_577, %dma_start3A_582] : memref<512x64xf32, #tpu.memory_space<vmem>> -> memref<1x64xf32, #tpu.memory_space<vmem>>
      %dma_start3A_584 = arith.constant 0 : i32
      %dma_start3A_585 = tpu.memref_slice %arg3[%squeeze3A_575, %dma_start3A_584] : memref<1000000x64xf32, #tpu.memory_space<hbm>> -> memref<1x64xf32, #tpu.memory_space<hbm>>
      tpu.enqueue_dma source(%dma_start3A_585 : memref<1x64xf32, #tpu.memory_space<hbm>>) target(%dma_start3A_583 : memref<1x64xf32, #tpu.memory_space<vmem>>) target_semaphore(%arg7 : memref<!tpu.dma_semaphore, #tpu.memory_space<semaphore_mem>>)
      %slice3A_586 = vector.extract_strided_slice %get3A_12 {offsets = [48], sizes = [1], strides = [1]} : vector<64xi32> to vector<1xi32>
      %squeeze3A_587 = vector.extract %slice3A_586[0] : i32 from vector<1xi32>
      %add3A_588 = arith.constant 48 : i32
      %add3A_589 = arith.addi %mul3A_10, %add3A_588 : i32
      %dma_start3A_590 = arith.constant 0 : i32
      %dma_start3A_591 = tpu.memref_slice %arg6[%add3A_589, %dma_start3A_590] : memref<512x64xf32, #tpu.memory_space<vmem>> -> memref<1x64xf32, #tpu.memory_space<vmem>>
      %dma_start3A_592 = arith.constant 0 : i32
      %dma_start3A_593 = tpu.memref_slice %arg3[%squeeze3A_587, %dma_start3A_592] : memref<1000000x64xf32, #tpu.memory_space<hbm>> -> memref<1x64xf32, #tpu.memory_space<hbm>>
      %dma_start3A_594 = arith.constant 0 : i32
      %dma_start3A_595 = tpu.memref_slice %arg6[%add3A_589, %dma_start3A_594] : memref<512x64xf32, #tpu.memory_space<vmem>> -> memref<1x64xf32, #tpu.memory_space<vmem>>
      %dma_start3A_596 = arith.constant 0 : i32
      %dma_start3A_597 = tpu.memref_slice %arg3[%squeeze3A_587, %dma_start3A_596] : memref<1000000x64xf32, #tpu.memory_space<hbm>> -> memref<1x64xf32, #tpu.memory_space<hbm>>
      tpu.enqueue_dma source(%dma_start3A_597 : memref<1x64xf32, #tpu.memory_space<hbm>>) target(%dma_start3A_595 : memref<1x64xf32, #tpu.memory_space<vmem>>) target_semaphore(%arg7 : memref<!tpu.dma_semaphore, #tpu.memory_space<semaphore_mem>>)
      %slice3A_598 = vector.extract_strided_slice %get3A_12 {offsets = [49], sizes = [1], strides = [1]} : vector<64xi32> to vector<1xi32>
      %squeeze3A_599 = vector.extract %slice3A_598[0] : i32 from vector<1xi32>
      %add3A_600 = arith.constant 49 : i32
      %add3A_601 = arith.addi %mul3A_10, %add3A_600 : i32
      %dma_start3A_602 = arith.constant 0 : i32
      %dma_start3A_603 = tpu.memref_slice %arg6[%add3A_601, %dma_start3A_602] : memref<512x64xf32, #tpu.memory_space<vmem>> -> memref<1x64xf32, #tpu.memory_space<vmem>>
      %dma_start3A_604 = arith.constant 0 : i32
      %dma_start3A_605 = tpu.memref_slice %arg3[%squeeze3A_599, %dma_start3A_604] : memref<1000000x64xf32, #tpu.memory_space<hbm>> -> memref<1x64xf32, #tpu.memory_space<hbm>>
      %dma_start3A_606 = arith.constant 0 : i32
      %dma_start3A_607 = tpu.memref_slice %arg6[%add3A_601, %dma_start3A_606] : memref<512x64xf32, #tpu.memory_space<vmem>> -> memref<1x64xf32, #tpu.memory_space<vmem>>
      %dma_start3A_608 = arith.constant 0 : i32
      %dma_start3A_609 = tpu.memref_slice %arg3[%squeeze3A_599, %dma_start3A_608] : memref<1000000x64xf32, #tpu.memory_space<hbm>> -> memref<1x64xf32, #tpu.memory_space<hbm>>
      tpu.enqueue_dma source(%dma_start3A_609 : memref<1x64xf32, #tpu.memory_space<hbm>>) target(%dma_start3A_607 : memref<1x64xf32, #tpu.memory_space<vmem>>) target_semaphore(%arg7 : memref<!tpu.dma_semaphore, #tpu.memory_space<semaphore_mem>>)
      %slice3A_610 = vector.extract_strided_slice %get3A_12 {offsets = [50], sizes = [1], strides = [1]} : vector<64xi32> to vector<1xi32>
      %squeeze3A_611 = vector.extract %slice3A_610[0] : i32 from vector<1xi32>
      %add3A_612 = arith.constant 50 : i32
      %add3A_613 = arith.addi %mul3A_10, %add3A_612 : i32
      %dma_start3A_614 = arith.constant 0 : i32
      %dma_start3A_615 = tpu.memref_slice %arg6[%add3A_613, %dma_start3A_614] : memref<512x64xf32, #tpu.memory_space<vmem>> -> memref<1x64xf32, #tpu.memory_space<vmem>>
      %dma_start3A_616 = arith.constant 0 : i32
      %dma_start3A_617 = tpu.memref_slice %arg3[%squeeze3A_611, %dma_start3A_616] : memref<1000000x64xf32, #tpu.memory_space<hbm>> -> memref<1x64xf32, #tpu.memory_space<hbm>>
      %dma_start3A_618 = arith.constant 0 : i32
      %dma_start3A_619 = tpu.memref_slice %arg6[%add3A_613, %dma_start3A_618] : memref<512x64xf32, #tpu.memory_space<vmem>> -> memref<1x64xf32, #tpu.memory_space<vmem>>
      %dma_start3A_620 = arith.constant 0 : i32
      %dma_start3A_621 = tpu.memref_slice %arg3[%squeeze3A_611, %dma_start3A_620] : memref<1000000x64xf32, #tpu.memory_space<hbm>> -> memref<1x64xf32, #tpu.memory_space<hbm>>
      tpu.enqueue_dma source(%dma_start3A_621 : memref<1x64xf32, #tpu.memory_space<hbm>>) target(%dma_start3A_619 : memref<1x64xf32, #tpu.memory_space<vmem>>) target_semaphore(%arg7 : memref<!tpu.dma_semaphore, #tpu.memory_space<semaphore_mem>>)
      %slice3A_622 = vector.extract_strided_slice %get3A_12 {offsets = [51], sizes = [1], strides = [1]} : vector<64xi32> to vector<1xi32>
      %squeeze3A_623 = vector.extract %slice3A_622[0] : i32 from vector<1xi32>
      %add3A_624 = arith.constant 51 : i32
      %add3A_625 = arith.addi %mul3A_10, %add3A_624 : i32
      %dma_start3A_626 = arith.constant 0 : i32
      %dma_start3A_627 = tpu.memref_slice %arg6[%add3A_625, %dma_start3A_626] : memref<512x64xf32, #tpu.memory_space<vmem>> -> memref<1x64xf32, #tpu.memory_space<vmem>>
      %dma_start3A_628 = arith.constant 0 : i32
      %dma_start3A_629 = tpu.memref_slice %arg3[%squeeze3A_623, %dma_start3A_628] : memref<1000000x64xf32, #tpu.memory_space<hbm>> -> memref<1x64xf32, #tpu.memory_space<hbm>>
      %dma_start3A_630 = arith.constant 0 : i32
      %dma_start3A_631 = tpu.memref_slice %arg6[%add3A_625, %dma_start3A_630] : memref<512x64xf32, #tpu.memory_space<vmem>> -> memref<1x64xf32, #tpu.memory_space<vmem>>
      %dma_start3A_632 = arith.constant 0 : i32
      %dma_start3A_633 = tpu.memref_slice %arg3[%squeeze3A_623, %dma_start3A_632] : memref<1000000x64xf32, #tpu.memory_space<hbm>> -> memref<1x64xf32, #tpu.memory_space<hbm>>
      tpu.enqueue_dma source(%dma_start3A_633 : memref<1x64xf32, #tpu.memory_space<hbm>>) target(%dma_start3A_631 : memref<1x64xf32, #tpu.memory_space<vmem>>) target_semaphore(%arg7 : memref<!tpu.dma_semaphore, #tpu.memory_space<semaphore_mem>>)
      %slice3A_634 = vector.extract_strided_slice %get3A_12 {offsets = [52], sizes = [1], strides = [1]} : vector<64xi32> to vector<1xi32>
      %squeeze3A_635 = vector.extract %slice3A_634[0] : i32 from vector<1xi32>
      %add3A_636 = arith.constant 52 : i32
      %add3A_637 = arith.addi %mul3A_10, %add3A_636 : i32
      %dma_start3A_638 = arith.constant 0 : i32
      %dma_start3A_639 = tpu.memref_slice %arg6[%add3A_637, %dma_start3A_638] : memref<512x64xf32, #tpu.memory_space<vmem>> -> memref<1x64xf32, #tpu.memory_space<vmem>>
      %dma_start3A_640 = arith.constant 0 : i32
      %dma_start3A_641 = tpu.memref_slice %arg3[%squeeze3A_635, %dma_start3A_640] : memref<1000000x64xf32, #tpu.memory_space<hbm>> -> memref<1x64xf32, #tpu.memory_space<hbm>>
      %dma_start3A_642 = arith.constant 0 : i32
      %dma_start3A_643 = tpu.memref_slice %arg6[%add3A_637, %dma_start3A_642] : memref<512x64xf32, #tpu.memory_space<vmem>> -> memref<1x64xf32, #tpu.memory_space<vmem>>
      %dma_start3A_644 = arith.constant 0 : i32
      %dma_start3A_645 = tpu.memref_slice %arg3[%squeeze3A_635, %dma_start3A_644] : memref<1000000x64xf32, #tpu.memory_space<hbm>> -> memref<1x64xf32, #tpu.memory_space<hbm>>
      tpu.enqueue_dma source(%dma_start3A_645 : memref<1x64xf32, #tpu.memory_space<hbm>>) target(%dma_start3A_643 : memref<1x64xf32, #tpu.memory_space<vmem>>) target_semaphore(%arg7 : memref<!tpu.dma_semaphore, #tpu.memory_space<semaphore_mem>>)
      %slice3A_646 = vector.extract_strided_slice %get3A_12 {offsets = [53], sizes = [1], strides = [1]} : vector<64xi32> to vector<1xi32>
      %squeeze3A_647 = vector.extract %slice3A_646[0] : i32 from vector<1xi32>
      %add3A_648 = arith.constant 53 : i32
      %add3A_649 = arith.addi %mul3A_10, %add3A_648 : i32
      %dma_start3A_650 = arith.constant 0 : i32
      %dma_start3A_651 = tpu.memref_slice %arg6[%add3A_649, %dma_start3A_650] : memref<512x64xf32, #tpu.memory_space<vmem>> -> memref<1x64xf32, #tpu.memory_space<vmem>>
      %dma_start3A_652 = arith.constant 0 : i32
      %dma_start3A_653 = tpu.memref_slice %arg3[%squeeze3A_647, %dma_start3A_652] : memref<1000000x64xf32, #tpu.memory_space<hbm>> -> memref<1x64xf32, #tpu.memory_space<hbm>>
      %dma_start3A_654 = arith.constant 0 : i32
      %dma_start3A_655 = tpu.memref_slice %arg6[%add3A_649, %dma_start3A_654] : memref<512x64xf32, #tpu.memory_space<vmem>> -> memref<1x64xf32, #tpu.memory_space<vmem>>
      %dma_start3A_656 = arith.constant 0 : i32
      %dma_start3A_657 = tpu.memref_slice %arg3[%squeeze3A_647, %dma_start3A_656] : memref<1000000x64xf32, #tpu.memory_space<hbm>> -> memref<1x64xf32, #tpu.memory_space<hbm>>
      tpu.enqueue_dma source(%dma_start3A_657 : memref<1x64xf32, #tpu.memory_space<hbm>>) target(%dma_start3A_655 : memref<1x64xf32, #tpu.memory_space<vmem>>) target_semaphore(%arg7 : memref<!tpu.dma_semaphore, #tpu.memory_space<semaphore_mem>>)
      %slice3A_658 = vector.extract_strided_slice %get3A_12 {offsets = [54], sizes = [1], strides = [1]} : vector<64xi32> to vector<1xi32>
      %squeeze3A_659 = vector.extract %slice3A_658[0] : i32 from vector<1xi32>
      %add3A_660 = arith.constant 54 : i32
      %add3A_661 = arith.addi %mul3A_10, %add3A_660 : i32
      %dma_start3A_662 = arith.constant 0 : i32
      %dma_start3A_663 = tpu.memref_slice %arg6[%add3A_661, %dma_start3A_662] : memref<512x64xf32, #tpu.memory_space<vmem>> -> memref<1x64xf32, #tpu.memory_space<vmem>>
      %dma_start3A_664 = arith.constant 0 : i32
      %dma_start3A_665 = tpu.memref_slice %arg3[%squeeze3A_659, %dma_start3A_664] : memref<1000000x64xf32, #tpu.memory_space<hbm>> -> memref<1x64xf32, #tpu.memory_space<hbm>>
      %dma_start3A_666 = arith.constant 0 : i32
      %dma_start3A_667 = tpu.memref_slice %arg6[%add3A_661, %dma_start3A_666] : memref<512x64xf32, #tpu.memory_space<vmem>> -> memref<1x64xf32, #tpu.memory_space<vmem>>
      %dma_start3A_668 = arith.constant 0 : i32
      %dma_start3A_669 = tpu.memref_slice %arg3[%squeeze3A_659, %dma_start3A_668] : memref<1000000x64xf32, #tpu.memory_space<hbm>> -> memref<1x64xf32, #tpu.memory_space<hbm>>
      tpu.enqueue_dma source(%dma_start3A_669 : memref<1x64xf32, #tpu.memory_space<hbm>>) target(%dma_start3A_667 : memref<1x64xf32, #tpu.memory_space<vmem>>) target_semaphore(%arg7 : memref<!tpu.dma_semaphore, #tpu.memory_space<semaphore_mem>>)
      %slice3A_670 = vector.extract_strided_slice %get3A_12 {offsets = [55], sizes = [1], strides = [1]} : vector<64xi32> to vector<1xi32>
      %squeeze3A_671 = vector.extract %slice3A_670[0] : i32 from vector<1xi32>
      %add3A_672 = arith.constant 55 : i32
      %add3A_673 = arith.addi %mul3A_10, %add3A_672 : i32
      %dma_start3A_674 = arith.constant 0 : i32
      %dma_start3A_675 = tpu.memref_slice %arg6[%add3A_673, %dma_start3A_674] : memref<512x64xf32, #tpu.memory_space<vmem>> -> memref<1x64xf32, #tpu.memory_space<vmem>>
      %dma_start3A_676 = arith.constant 0 : i32
      %dma_start3A_677 = tpu.memref_slice %arg3[%squeeze3A_671, %dma_start3A_676] : memref<1000000x64xf32, #tpu.memory_space<hbm>> -> memref<1x64xf32, #tpu.memory_space<hbm>>
      %dma_start3A_678 = arith.constant 0 : i32
      %dma_start3A_679 = tpu.memref_slice %arg6[%add3A_673, %dma_start3A_678] : memref<512x64xf32, #tpu.memory_space<vmem>> -> memref<1x64xf32, #tpu.memory_space<vmem>>
      %dma_start3A_680 = arith.constant 0 : i32
      %dma_start3A_681 = tpu.memref_slice %arg3[%squeeze3A_671, %dma_start3A_680] : memref<1000000x64xf32, #tpu.memory_space<hbm>> -> memref<1x64xf32, #tpu.memory_space<hbm>>
      tpu.enqueue_dma source(%dma_start3A_681 : memref<1x64xf32, #tpu.memory_space<hbm>>) target(%dma_start3A_679 : memref<1x64xf32, #tpu.memory_space<vmem>>) target_semaphore(%arg7 : memref<!tpu.dma_semaphore, #tpu.memory_space<semaphore_mem>>)
      %slice3A_682 = vector.extract_strided_slice %get3A_12 {offsets = [56], sizes = [1], strides = [1]} : vector<64xi32> to vector<1xi32>
      %squeeze3A_683 = vector.extract %slice3A_682[0] : i32 from vector<1xi32>
      %add3A_684 = arith.constant 56 : i32
      %add3A_685 = arith.addi %mul3A_10, %add3A_684 : i32
      %dma_start3A_686 = arith.constant 0 : i32
      %dma_start3A_687 = tpu.memref_slice %arg6[%add3A_685, %dma_start3A_686] : memref<512x64xf32, #tpu.memory_space<vmem>> -> memref<1x64xf32, #tpu.memory_space<vmem>>
      %dma_start3A_688 = arith.constant 0 : i32
      %dma_start3A_689 = tpu.memref_slice %arg3[%squeeze3A_683, %dma_start3A_688] : memref<1000000x64xf32, #tpu.memory_space<hbm>> -> memref<1x64xf32, #tpu.memory_space<hbm>>
      %dma_start3A_690 = arith.constant 0 : i32
      %dma_start3A_691 = tpu.memref_slice %arg6[%add3A_685, %dma_start3A_690] : memref<512x64xf32, #tpu.memory_space<vmem>> -> memref<1x64xf32, #tpu.memory_space<vmem>>
      %dma_start3A_692 = arith.constant 0 : i32
      %dma_start3A_693 = tpu.memref_slice %arg3[%squeeze3A_683, %dma_start3A_692] : memref<1000000x64xf32, #tpu.memory_space<hbm>> -> memref<1x64xf32, #tpu.memory_space<hbm>>
      tpu.enqueue_dma source(%dma_start3A_693 : memref<1x64xf32, #tpu.memory_space<hbm>>) target(%dma_start3A_691 : memref<1x64xf32, #tpu.memory_space<vmem>>) target_semaphore(%arg7 : memref<!tpu.dma_semaphore, #tpu.memory_space<semaphore_mem>>)
      %slice3A_694 = vector.extract_strided_slice %get3A_12 {offsets = [57], sizes = [1], strides = [1]} : vector<64xi32> to vector<1xi32>
      %squeeze3A_695 = vector.extract %slice3A_694[0] : i32 from vector<1xi32>
      %add3A_696 = arith.constant 57 : i32
      %add3A_697 = arith.addi %mul3A_10, %add3A_696 : i32
      %dma_start3A_698 = arith.constant 0 : i32
      %dma_start3A_699 = tpu.memref_slice %arg6[%add3A_697, %dma_start3A_698] : memref<512x64xf32, #tpu.memory_space<vmem>> -> memref<1x64xf32, #tpu.memory_space<vmem>>
      %dma_start3A_700 = arith.constant 0 : i32
      %dma_start3A_701 = tpu.memref_slice %arg3[%squeeze3A_695, %dma_start3A_700] : memref<1000000x64xf32, #tpu.memory_space<hbm>> -> memref<1x64xf32, #tpu.memory_space<hbm>>
      %dma_start3A_702 = arith.constant 0 : i32
      %dma_start3A_703 = tpu.memref_slice %arg6[%add3A_697, %dma_start3A_702] : memref<512x64xf32, #tpu.memory_space<vmem>> -> memref<1x64xf32, #tpu.memory_space<vmem>>
      %dma_start3A_704 = arith.constant 0 : i32
      %dma_start3A_705 = tpu.memref_slice %arg3[%squeeze3A_695, %dma_start3A_704] : memref<1000000x64xf32, #tpu.memory_space<hbm>> -> memref<1x64xf32, #tpu.memory_space<hbm>>
      tpu.enqueue_dma source(%dma_start3A_705 : memref<1x64xf32, #tpu.memory_space<hbm>>) target(%dma_start3A_703 : memref<1x64xf32, #tpu.memory_space<vmem>>) target_semaphore(%arg7 : memref<!tpu.dma_semaphore, #tpu.memory_space<semaphore_mem>>)
      %slice3A_706 = vector.extract_strided_slice %get3A_12 {offsets = [58], sizes = [1], strides = [1]} : vector<64xi32> to vector<1xi32>
      %squeeze3A_707 = vector.extract %slice3A_706[0] : i32 from vector<1xi32>
      %add3A_708 = arith.constant 58 : i32
      %add3A_709 = arith.addi %mul3A_10, %add3A_708 : i32
      %dma_start3A_710 = arith.constant 0 : i32
      %dma_start3A_711 = tpu.memref_slice %arg6[%add3A_709, %dma_start3A_710] : memref<512x64xf32, #tpu.memory_space<vmem>> -> memref<1x64xf32, #tpu.memory_space<vmem>>
      %dma_start3A_712 = arith.constant 0 : i32
      %dma_start3A_713 = tpu.memref_slice %arg3[%squeeze3A_707, %dma_start3A_712] : memref<1000000x64xf32, #tpu.memory_space<hbm>> -> memref<1x64xf32, #tpu.memory_space<hbm>>
      %dma_start3A_714 = arith.constant 0 : i32
      %dma_start3A_715 = tpu.memref_slice %arg6[%add3A_709, %dma_start3A_714] : memref<512x64xf32, #tpu.memory_space<vmem>> -> memref<1x64xf32, #tpu.memory_space<vmem>>
      %dma_start3A_716 = arith.constant 0 : i32
      %dma_start3A_717 = tpu.memref_slice %arg3[%squeeze3A_707, %dma_start3A_716] : memref<1000000x64xf32, #tpu.memory_space<hbm>> -> memref<1x64xf32, #tpu.memory_space<hbm>>
      tpu.enqueue_dma source(%dma_start3A_717 : memref<1x64xf32, #tpu.memory_space<hbm>>) target(%dma_start3A_715 : memref<1x64xf32, #tpu.memory_space<vmem>>) target_semaphore(%arg7 : memref<!tpu.dma_semaphore, #tpu.memory_space<semaphore_mem>>)
      %slice3A_718 = vector.extract_strided_slice %get3A_12 {offsets = [59], sizes = [1], strides = [1]} : vector<64xi32> to vector<1xi32>
      %squeeze3A_719 = vector.extract %slice3A_718[0] : i32 from vector<1xi32>
      %add3A_720 = arith.constant 59 : i32
      %add3A_721 = arith.addi %mul3A_10, %add3A_720 : i32
      %dma_start3A_722 = arith.constant 0 : i32
      %dma_start3A_723 = tpu.memref_slice %arg6[%add3A_721, %dma_start3A_722] : memref<512x64xf32, #tpu.memory_space<vmem>> -> memref<1x64xf32, #tpu.memory_space<vmem>>
      %dma_start3A_724 = arith.constant 0 : i32
      %dma_start3A_725 = tpu.memref_slice %arg3[%squeeze3A_719, %dma_start3A_724] : memref<1000000x64xf32, #tpu.memory_space<hbm>> -> memref<1x64xf32, #tpu.memory_space<hbm>>
      %dma_start3A_726 = arith.constant 0 : i32
      %dma_start3A_727 = tpu.memref_slice %arg6[%add3A_721, %dma_start3A_726] : memref<512x64xf32, #tpu.memory_space<vmem>> -> memref<1x64xf32, #tpu.memory_space<vmem>>
      %dma_start3A_728 = arith.constant 0 : i32
      %dma_start3A_729 = tpu.memref_slice %arg3[%squeeze3A_719, %dma_start3A_728] : memref<1000000x64xf32, #tpu.memory_space<hbm>> -> memref<1x64xf32, #tpu.memory_space<hbm>>
      tpu.enqueue_dma source(%dma_start3A_729 : memref<1x64xf32, #tpu.memory_space<hbm>>) target(%dma_start3A_727 : memref<1x64xf32, #tpu.memory_space<vmem>>) target_semaphore(%arg7 : memref<!tpu.dma_semaphore, #tpu.memory_space<semaphore_mem>>)
      %slice3A_730 = vector.extract_strided_slice %get3A_12 {offsets = [60], sizes = [1], strides = [1]} : vector<64xi32> to vector<1xi32>
      %squeeze3A_731 = vector.extract %slice3A_730[0] : i32 from vector<1xi32>
      %add3A_732 = arith.constant 60 : i32
      %add3A_733 = arith.addi %mul3A_10, %add3A_732 : i32
      %dma_start3A_734 = arith.constant 0 : i32
      %dma_start3A_735 = tpu.memref_slice %arg6[%add3A_733, %dma_start3A_734] : memref<512x64xf32, #tpu.memory_space<vmem>> -> memref<1x64xf32, #tpu.memory_space<vmem>>
      %dma_start3A_736 = arith.constant 0 : i32
      %dma_start3A_737 = tpu.memref_slice %arg3[%squeeze3A_731, %dma_start3A_736] : memref<1000000x64xf32, #tpu.memory_space<hbm>> -> memref<1x64xf32, #tpu.memory_space<hbm>>
      %dma_start3A_738 = arith.constant 0 : i32
      %dma_start3A_739 = tpu.memref_slice %arg6[%add3A_733, %dma_start3A_738] : memref<512x64xf32, #tpu.memory_space<vmem>> -> memref<1x64xf32, #tpu.memory_space<vmem>>
      %dma_start3A_740 = arith.constant 0 : i32
      %dma_start3A_741 = tpu.memref_slice %arg3[%squeeze3A_731, %dma_start3A_740] : memref<1000000x64xf32, #tpu.memory_space<hbm>> -> memref<1x64xf32, #tpu.memory_space<hbm>>
      tpu.enqueue_dma source(%dma_start3A_741 : memref<1x64xf32, #tpu.memory_space<hbm>>) target(%dma_start3A_739 : memref<1x64xf32, #tpu.memory_space<vmem>>) target_semaphore(%arg7 : memref<!tpu.dma_semaphore, #tpu.memory_space<semaphore_mem>>)
      %slice3A_742 = vector.extract_strided_slice %get3A_12 {offsets = [61], sizes = [1], strides = [1]} : vector<64xi32> to vector<1xi32>
      %squeeze3A_743 = vector.extract %slice3A_742[0] : i32 from vector<1xi32>
      %add3A_744 = arith.constant 61 : i32
      %add3A_745 = arith.addi %mul3A_10, %add3A_744 : i32
      %dma_start3A_746 = arith.constant 0 : i32
      %dma_start3A_747 = tpu.memref_slice %arg6[%add3A_745, %dma_start3A_746] : memref<512x64xf32, #tpu.memory_space<vmem>> -> memref<1x64xf32, #tpu.memory_space<vmem>>
      %dma_start3A_748 = arith.constant 0 : i32
      %dma_start3A_749 = tpu.memref_slice %arg3[%squeeze3A_743, %dma_start3A_748] : memref<1000000x64xf32, #tpu.memory_space<hbm>> -> memref<1x64xf32, #tpu.memory_space<hbm>>
      %dma_start3A_750 = arith.constant 0 : i32
      %dma_start3A_751 = tpu.memref_slice %arg6[%add3A_745, %dma_start3A_750] : memref<512x64xf32, #tpu.memory_space<vmem>> -> memref<1x64xf32, #tpu.memory_space<vmem>>
      %dma_start3A_752 = arith.constant 0 : i32
      %dma_start3A_753 = tpu.memref_slice %arg3[%squeeze3A_743, %dma_start3A_752] : memref<1000000x64xf32, #tpu.memory_space<hbm>> -> memref<1x64xf32, #tpu.memory_space<hbm>>
      tpu.enqueue_dma source(%dma_start3A_753 : memref<1x64xf32, #tpu.memory_space<hbm>>) target(%dma_start3A_751 : memref<1x64xf32, #tpu.memory_space<vmem>>) target_semaphore(%arg7 : memref<!tpu.dma_semaphore, #tpu.memory_space<semaphore_mem>>)
      %slice3A_754 = vector.extract_strided_slice %get3A_12 {offsets = [62], sizes = [1], strides = [1]} : vector<64xi32> to vector<1xi32>
      %squeeze3A_755 = vector.extract %slice3A_754[0] : i32 from vector<1xi32>
      %add3A_756 = arith.constant 62 : i32
      %add3A_757 = arith.addi %mul3A_10, %add3A_756 : i32
      %dma_start3A_758 = arith.constant 0 : i32
      %dma_start3A_759 = tpu.memref_slice %arg6[%add3A_757, %dma_start3A_758] : memref<512x64xf32, #tpu.memory_space<vmem>> -> memref<1x64xf32, #tpu.memory_space<vmem>>
      %dma_start3A_760 = arith.constant 0 : i32
      %dma_start3A_761 = tpu.memref_slice %arg3[%squeeze3A_755, %dma_start3A_760] : memref<1000000x64xf32, #tpu.memory_space<hbm>> -> memref<1x64xf32, #tpu.memory_space<hbm>>
      %dma_start3A_762 = arith.constant 0 : i32
      %dma_start3A_763 = tpu.memref_slice %arg6[%add3A_757, %dma_start3A_762] : memref<512x64xf32, #tpu.memory_space<vmem>> -> memref<1x64xf32, #tpu.memory_space<vmem>>
      %dma_start3A_764 = arith.constant 0 : i32
      %dma_start3A_765 = tpu.memref_slice %arg3[%squeeze3A_755, %dma_start3A_764] : memref<1000000x64xf32, #tpu.memory_space<hbm>> -> memref<1x64xf32, #tpu.memory_space<hbm>>
      tpu.enqueue_dma source(%dma_start3A_765 : memref<1x64xf32, #tpu.memory_space<hbm>>) target(%dma_start3A_763 : memref<1x64xf32, #tpu.memory_space<vmem>>) target_semaphore(%arg7 : memref<!tpu.dma_semaphore, #tpu.memory_space<semaphore_mem>>)
      %slice3A_766 = vector.extract_strided_slice %get3A_12 {offsets = [63], sizes = [1], strides = [1]} : vector<64xi32> to vector<1xi32>
      %squeeze3A_767 = vector.extract %slice3A_766[0] : i32 from vector<1xi32>
      %add3A_768 = arith.constant 63 : i32
      %add3A_769 = arith.addi %mul3A_10, %add3A_768 : i32
      %dma_start3A_770 = arith.constant 0 : i32
      %dma_start3A_771 = tpu.memref_slice %arg6[%add3A_769, %dma_start3A_770] : memref<512x64xf32, #tpu.memory_space<vmem>> -> memref<1x64xf32, #tpu.memory_space<vmem>>
      %dma_start3A_772 = arith.constant 0 : i32
      %dma_start3A_773 = tpu.memref_slice %arg3[%squeeze3A_767, %dma_start3A_772] : memref<1000000x64xf32, #tpu.memory_space<hbm>> -> memref<1x64xf32, #tpu.memory_space<hbm>>
      %dma_start3A_774 = arith.constant 0 : i32
      %dma_start3A_775 = tpu.memref_slice %arg6[%add3A_769, %dma_start3A_774] : memref<512x64xf32, #tpu.memory_space<vmem>> -> memref<1x64xf32, #tpu.memory_space<vmem>>
      %dma_start3A_776 = arith.constant 0 : i32
      %dma_start3A_777 = tpu.memref_slice %arg3[%squeeze3A_767, %dma_start3A_776] : memref<1000000x64xf32, #tpu.memory_space<hbm>> -> memref<1x64xf32, #tpu.memory_space<hbm>>
      tpu.enqueue_dma source(%dma_start3A_777 : memref<1x64xf32, #tpu.memory_space<hbm>>) target(%dma_start3A_775 : memref<1x64xf32, #tpu.memory_space<vmem>>) target_semaphore(%arg7 : memref<!tpu.dma_semaphore, #tpu.memory_space<semaphore_mem>>)
      %dma_wait3A = arith.constant 0 : i32
      %dma_wait3A_778 = tpu.memref_slice %arg6[%add3A_14, %dma_wait3A] : memref<512x64xf32, #tpu.memory_space<vmem>> -> memref<1x64xf32, #tpu.memory_space<vmem>>
      %dma_wait3A_779 = arith.constant 0 : i32
      %dma_wait3A_780 = tpu.memref_slice %arg3[%squeeze3A, %dma_wait3A_779] : memref<1000000x64xf32, #tpu.memory_space<hbm>> -> memref<1x64xf32, #tpu.memory_space<hbm>>
      %dma_wait3A_781 = arith.constant 0 : i32
      %dma_wait3A_782 = tpu.memref_slice %arg6[%add3A_14, %dma_wait3A_781] : memref<512x64xf32, #tpu.memory_space<vmem>> -> memref<1x64xf32, #tpu.memory_space<vmem>>
      %dma_wait3A_783 = arith.constant 0 : i32
      %dma_wait3A_784 = tpu.memref_slice %arg3[%squeeze3A, %dma_wait3A_783] : memref<1000000x64xf32, #tpu.memory_space<hbm>> -> memref<1x64xf32, #tpu.memory_space<hbm>>
      tpu.wait_dma2 semaphore(%arg7 : memref<!tpu.dma_semaphore, #tpu.memory_space<semaphore_mem>>) src(%dma_wait3A_784 : memref<1x64xf32, #tpu.memory_space<hbm>>) dst(%dma_wait3A_782 : memref<1x64xf32, #tpu.memory_space<vmem>>)
      %dma_wait3A_785 = arith.constant 0 : i32
      %dma_wait3A_786 = tpu.memref_slice %arg6[%add3A_25, %dma_wait3A_785] : memref<512x64xf32, #tpu.memory_space<vmem>> -> memref<1x64xf32, #tpu.memory_space<vmem>>
      %dma_wait3A_787 = arith.constant 0 : i32
      %dma_wait3A_788 = tpu.memref_slice %arg3[%squeeze3A_23, %dma_wait3A_787] : memref<1000000x64xf32, #tpu.memory_space<hbm>> -> memref<1x64xf32, #tpu.memory_space<hbm>>
      %dma_wait3A_789 = arith.constant 0 : i32
      %dma_wait3A_790 = tpu.memref_slice %arg6[%add3A_25, %dma_wait3A_789] : memref<512x64xf32, #tpu.memory_space<vmem>> -> memref<1x64xf32, #tpu.memory_space<vmem>>
      %dma_wait3A_791 = arith.constant 0 : i32
      %dma_wait3A_792 = tpu.memref_slice %arg3[%squeeze3A_23, %dma_wait3A_791] : memref<1000000x64xf32, #tpu.memory_space<hbm>> -> memref<1x64xf32, #tpu.memory_space<hbm>>
      tpu.wait_dma2 semaphore(%arg7 : memref<!tpu.dma_semaphore, #tpu.memory_space<semaphore_mem>>) src(%dma_wait3A_792 : memref<1x64xf32, #tpu.memory_space<hbm>>) dst(%dma_wait3A_790 : memref<1x64xf32, #tpu.memory_space<vmem>>)
      %dma_wait3A_793 = arith.constant 0 : i32
      %dma_wait3A_794 = tpu.memref_slice %arg6[%add3A_37, %dma_wait3A_793] : memref<512x64xf32, #tpu.memory_space<vmem>> -> memref<1x64xf32, #tpu.memory_space<vmem>>
      %dma_wait3A_795 = arith.constant 0 : i32
      %dma_wait3A_796 = tpu.memref_slice %arg3[%squeeze3A_35, %dma_wait3A_795] : memref<1000000x64xf32, #tpu.memory_space<hbm>> -> memref<1x64xf32, #tpu.memory_space<hbm>>
      %dma_wait3A_797 = arith.constant 0 : i32
      %dma_wait3A_798 = tpu.memref_slice %arg6[%add3A_37, %dma_wait3A_797] : memref<512x64xf32, #tpu.memory_space<vmem>> -> memref<1x64xf32, #tpu.memory_space<vmem>>
      %dma_wait3A_799 = arith.constant 0 : i32
      %dma_wait3A_800 = tpu.memref_slice %arg3[%squeeze3A_35, %dma_wait3A_799] : memref<1000000x64xf32, #tpu.memory_space<hbm>> -> memref<1x64xf32, #tpu.memory_space<hbm>>
      tpu.wait_dma2 semaphore(%arg7 : memref<!tpu.dma_semaphore, #tpu.memory_space<semaphore_mem>>) src(%dma_wait3A_800 : memref<1x64xf32, #tpu.memory_space<hbm>>) dst(%dma_wait3A_798 : memref<1x64xf32, #tpu.memory_space<vmem>>)
      %dma_wait3A_801 = arith.constant 0 : i32
      %dma_wait3A_802 = tpu.memref_slice %arg6[%add3A_49, %dma_wait3A_801] : memref<512x64xf32, #tpu.memory_space<vmem>> -> memref<1x64xf32, #tpu.memory_space<vmem>>
      %dma_wait3A_803 = arith.constant 0 : i32
      %dma_wait3A_804 = tpu.memref_slice %arg3[%squeeze3A_47, %dma_wait3A_803] : memref<1000000x64xf32, #tpu.memory_space<hbm>> -> memref<1x64xf32, #tpu.memory_space<hbm>>
      %dma_wait3A_805 = arith.constant 0 : i32
      %dma_wait3A_806 = tpu.memref_slice %arg6[%add3A_49, %dma_wait3A_805] : memref<512x64xf32, #tpu.memory_space<vmem>> -> memref<1x64xf32, #tpu.memory_space<vmem>>
      %dma_wait3A_807 = arith.constant 0 : i32
      %dma_wait3A_808 = tpu.memref_slice %arg3[%squeeze3A_47, %dma_wait3A_807] : memref<1000000x64xf32, #tpu.memory_space<hbm>> -> memref<1x64xf32, #tpu.memory_space<hbm>>
      tpu.wait_dma2 semaphore(%arg7 : memref<!tpu.dma_semaphore, #tpu.memory_space<semaphore_mem>>) src(%dma_wait3A_808 : memref<1x64xf32, #tpu.memory_space<hbm>>) dst(%dma_wait3A_806 : memref<1x64xf32, #tpu.memory_space<vmem>>)
      %dma_wait3A_809 = arith.constant 0 : i32
      %dma_wait3A_810 = tpu.memref_slice %arg6[%add3A_61, %dma_wait3A_809] : memref<512x64xf32, #tpu.memory_space<vmem>> -> memref<1x64xf32, #tpu.memory_space<vmem>>
      %dma_wait3A_811 = arith.constant 0 : i32
      %dma_wait3A_812 = tpu.memref_slice %arg3[%squeeze3A_59, %dma_wait3A_811] : memref<1000000x64xf32, #tpu.memory_space<hbm>> -> memref<1x64xf32, #tpu.memory_space<hbm>>
      %dma_wait3A_813 = arith.constant 0 : i32
      %dma_wait3A_814 = tpu.memref_slice %arg6[%add3A_61, %dma_wait3A_813] : memref<512x64xf32, #tpu.memory_space<vmem>> -> memref<1x64xf32, #tpu.memory_space<vmem>>
      %dma_wait3A_815 = arith.constant 0 : i32
      %dma_wait3A_816 = tpu.memref_slice %arg3[%squeeze3A_59, %dma_wait3A_815] : memref<1000000x64xf32, #tpu.memory_space<hbm>> -> memref<1x64xf32, #tpu.memory_space<hbm>>
      tpu.wait_dma2 semaphore(%arg7 : memref<!tpu.dma_semaphore, #tpu.memory_space<semaphore_mem>>) src(%dma_wait3A_816 : memref<1x64xf32, #tpu.memory_space<hbm>>) dst(%dma_wait3A_814 : memref<1x64xf32, #tpu.memory_space<vmem>>)
      %dma_wait3A_817 = arith.constant 0 : i32
      %dma_wait3A_818 = tpu.memref_slice %arg6[%add3A_73, %dma_wait3A_817] : memref<512x64xf32, #tpu.memory_space<vmem>> -> memref<1x64xf32, #tpu.memory_space<vmem>>
      %dma_wait3A_819 = arith.constant 0 : i32
      %dma_wait3A_820 = tpu.memref_slice %arg3[%squeeze3A_71, %dma_wait3A_819] : memref<1000000x64xf32, #tpu.memory_space<hbm>> -> memref<1x64xf32, #tpu.memory_space<hbm>>
      %dma_wait3A_821 = arith.constant 0 : i32
      %dma_wait3A_822 = tpu.memref_slice %arg6[%add3A_73, %dma_wait3A_821] : memref<512x64xf32, #tpu.memory_space<vmem>> -> memref<1x64xf32, #tpu.memory_space<vmem>>
      %dma_wait3A_823 = arith.constant 0 : i32
      %dma_wait3A_824 = tpu.memref_slice %arg3[%squeeze3A_71, %dma_wait3A_823] : memref<1000000x64xf32, #tpu.memory_space<hbm>> -> memref<1x64xf32, #tpu.memory_space<hbm>>
      tpu.wait_dma2 semaphore(%arg7 : memref<!tpu.dma_semaphore, #tpu.memory_space<semaphore_mem>>) src(%dma_wait3A_824 : memref<1x64xf32, #tpu.memory_space<hbm>>) dst(%dma_wait3A_822 : memref<1x64xf32, #tpu.memory_space<vmem>>)
      %dma_wait3A_825 = arith.constant 0 : i32
      %dma_wait3A_826 = tpu.memref_slice %arg6[%add3A_85, %dma_wait3A_825] : memref<512x64xf32, #tpu.memory_space<vmem>> -> memref<1x64xf32, #tpu.memory_space<vmem>>
      %dma_wait3A_827 = arith.constant 0 : i32
      %dma_wait3A_828 = tpu.memref_slice %arg3[%squeeze3A_83, %dma_wait3A_827] : memref<1000000x64xf32, #tpu.memory_space<hbm>> -> memref<1x64xf32, #tpu.memory_space<hbm>>
      %dma_wait3A_829 = arith.constant 0 : i32
      %dma_wait3A_830 = tpu.memref_slice %arg6[%add3A_85, %dma_wait3A_829] : memref<512x64xf32, #tpu.memory_space<vmem>> -> memref<1x64xf32, #tpu.memory_space<vmem>>
      %dma_wait3A_831 = arith.constant 0 : i32
      %dma_wait3A_832 = tpu.memref_slice %arg3[%squeeze3A_83, %dma_wait3A_831] : memref<1000000x64xf32, #tpu.memory_space<hbm>> -> memref<1x64xf32, #tpu.memory_space<hbm>>
      tpu.wait_dma2 semaphore(%arg7 : memref<!tpu.dma_semaphore, #tpu.memory_space<semaphore_mem>>) src(%dma_wait3A_832 : memref<1x64xf32, #tpu.memory_space<hbm>>) dst(%dma_wait3A_830 : memref<1x64xf32, #tpu.memory_space<vmem>>)
      %dma_wait3A_833 = arith.constant 0 : i32
      %dma_wait3A_834 = tpu.memref_slice %arg6[%add3A_97, %dma_wait3A_833] : memref<512x64xf32, #tpu.memory_space<vmem>> -> memref<1x64xf32, #tpu.memory_space<vmem>>
      %dma_wait3A_835 = arith.constant 0 : i32
      %dma_wait3A_836 = tpu.memref_slice %arg3[%squeeze3A_95, %dma_wait3A_835] : memref<1000000x64xf32, #tpu.memory_space<hbm>> -> memref<1x64xf32, #tpu.memory_space<hbm>>
      %dma_wait3A_837 = arith.constant 0 : i32
      %dma_wait3A_838 = tpu.memref_slice %arg6[%add3A_97, %dma_wait3A_837] : memref<512x64xf32, #tpu.memory_space<vmem>> -> memref<1x64xf32, #tpu.memory_space<vmem>>
      %dma_wait3A_839 = arith.constant 0 : i32
      %dma_wait3A_840 = tpu.memref_slice %arg3[%squeeze3A_95, %dma_wait3A_839] : memref<1000000x64xf32, #tpu.memory_space<hbm>> -> memref<1x64xf32, #tpu.memory_space<hbm>>
      tpu.wait_dma2 semaphore(%arg7 : memref<!tpu.dma_semaphore, #tpu.memory_space<semaphore_mem>>) src(%dma_wait3A_840 : memref<1x64xf32, #tpu.memory_space<hbm>>) dst(%dma_wait3A_838 : memref<1x64xf32, #tpu.memory_space<vmem>>)
      %dma_wait3A_841 = arith.constant 0 : i32
      %dma_wait3A_842 = tpu.memref_slice %arg6[%add3A_109, %dma_wait3A_841] : memref<512x64xf32, #tpu.memory_space<vmem>> -> memref<1x64xf32, #tpu.memory_space<vmem>>
      %dma_wait3A_843 = arith.constant 0 : i32
      %dma_wait3A_844 = tpu.memref_slice %arg3[%squeeze3A_107, %dma_wait3A_843] : memref<1000000x64xf32, #tpu.memory_space<hbm>> -> memref<1x64xf32, #tpu.memory_space<hbm>>
      %dma_wait3A_845 = arith.constant 0 : i32
      %dma_wait3A_846 = tpu.memref_slice %arg6[%add3A_109, %dma_wait3A_845] : memref<512x64xf32, #tpu.memory_space<vmem>> -> memref<1x64xf32, #tpu.memory_space<vmem>>
      %dma_wait3A_847 = arith.constant 0 : i32
      %dma_wait3A_848 = tpu.memref_slice %arg3[%squeeze3A_107, %dma_wait3A_847] : memref<1000000x64xf32, #tpu.memory_space<hbm>> -> memref<1x64xf32, #tpu.memory_space<hbm>>
      tpu.wait_dma2 semaphore(%arg7 : memref<!tpu.dma_semaphore, #tpu.memory_space<semaphore_mem>>) src(%dma_wait3A_848 : memref<1x64xf32, #tpu.memory_space<hbm>>) dst(%dma_wait3A_846 : memref<1x64xf32, #tpu.memory_space<vmem>>)
      %dma_wait3A_849 = arith.constant 0 : i32
      %dma_wait3A_850 = tpu.memref_slice %arg6[%add3A_121, %dma_wait3A_849] : memref<512x64xf32, #tpu.memory_space<vmem>> -> memref<1x64xf32, #tpu.memory_space<vmem>>
      %dma_wait3A_851 = arith.constant 0 : i32
      %dma_wait3A_852 = tpu.memref_slice %arg3[%squeeze3A_119, %dma_wait3A_851] : memref<1000000x64xf32, #tpu.memory_space<hbm>> -> memref<1x64xf32, #tpu.memory_space<hbm>>
      %dma_wait3A_853 = arith.constant 0 : i32
      %dma_wait3A_854 = tpu.memref_slice %arg6[%add3A_121, %dma_wait3A_853] : memref<512x64xf32, #tpu.memory_space<vmem>> -> memref<1x64xf32, #tpu.memory_space<vmem>>
      %dma_wait3A_855 = arith.constant 0 : i32
      %dma_wait3A_856 = tpu.memref_slice %arg3[%squeeze3A_119, %dma_wait3A_855] : memref<1000000x64xf32, #tpu.memory_space<hbm>> -> memref<1x64xf32, #tpu.memory_space<hbm>>
      tpu.wait_dma2 semaphore(%arg7 : memref<!tpu.dma_semaphore, #tpu.memory_space<semaphore_mem>>) src(%dma_wait3A_856 : memref<1x64xf32, #tpu.memory_space<hbm>>) dst(%dma_wait3A_854 : memref<1x64xf32, #tpu.memory_space<vmem>>)
      %dma_wait3A_857 = arith.constant 0 : i32
      %dma_wait3A_858 = tpu.memref_slice %arg6[%add3A_133, %dma_wait3A_857] : memref<512x64xf32, #tpu.memory_space<vmem>> -> memref<1x64xf32, #tpu.memory_space<vmem>>
      %dma_wait3A_859 = arith.constant 0 : i32
      %dma_wait3A_860 = tpu.memref_slice %arg3[%squeeze3A_131, %dma_wait3A_859] : memref<1000000x64xf32, #tpu.memory_space<hbm>> -> memref<1x64xf32, #tpu.memory_space<hbm>>
      %dma_wait3A_861 = arith.constant 0 : i32
      %dma_wait3A_862 = tpu.memref_slice %arg6[%add3A_133, %dma_wait3A_861] : memref<512x64xf32, #tpu.memory_space<vmem>> -> memref<1x64xf32, #tpu.memory_space<vmem>>
      %dma_wait3A_863 = arith.constant 0 : i32
      %dma_wait3A_864 = tpu.memref_slice %arg3[%squeeze3A_131, %dma_wait3A_863] : memref<1000000x64xf32, #tpu.memory_space<hbm>> -> memref<1x64xf32, #tpu.memory_space<hbm>>
      tpu.wait_dma2 semaphore(%arg7 : memref<!tpu.dma_semaphore, #tpu.memory_space<semaphore_mem>>) src(%dma_wait3A_864 : memref<1x64xf32, #tpu.memory_space<hbm>>) dst(%dma_wait3A_862 : memref<1x64xf32, #tpu.memory_space<vmem>>)
      %dma_wait3A_865 = arith.constant 0 : i32
      %dma_wait3A_866 = tpu.memref_slice %arg6[%add3A_145, %dma_wait3A_865] : memref<512x64xf32, #tpu.memory_space<vmem>> -> memref<1x64xf32, #tpu.memory_space<vmem>>
      %dma_wait3A_867 = arith.constant 0 : i32
      %dma_wait3A_868 = tpu.memref_slice %arg3[%squeeze3A_143, %dma_wait3A_867] : memref<1000000x64xf32, #tpu.memory_space<hbm>> -> memref<1x64xf32, #tpu.memory_space<hbm>>
      %dma_wait3A_869 = arith.constant 0 : i32
      %dma_wait3A_870 = tpu.memref_slice %arg6[%add3A_145, %dma_wait3A_869] : memref<512x64xf32, #tpu.memory_space<vmem>> -> memref<1x64xf32, #tpu.memory_space<vmem>>
      %dma_wait3A_871 = arith.constant 0 : i32
      %dma_wait3A_872 = tpu.memref_slice %arg3[%squeeze3A_143, %dma_wait3A_871] : memref<1000000x64xf32, #tpu.memory_space<hbm>> -> memref<1x64xf32, #tpu.memory_space<hbm>>
      tpu.wait_dma2 semaphore(%arg7 : memref<!tpu.dma_semaphore, #tpu.memory_space<semaphore_mem>>) src(%dma_wait3A_872 : memref<1x64xf32, #tpu.memory_space<hbm>>) dst(%dma_wait3A_870 : memref<1x64xf32, #tpu.memory_space<vmem>>)
      %dma_wait3A_873 = arith.constant 0 : i32
      %dma_wait3A_874 = tpu.memref_slice %arg6[%add3A_157, %dma_wait3A_873] : memref<512x64xf32, #tpu.memory_space<vmem>> -> memref<1x64xf32, #tpu.memory_space<vmem>>
      %dma_wait3A_875 = arith.constant 0 : i32
      %dma_wait3A_876 = tpu.memref_slice %arg3[%squeeze3A_155, %dma_wait3A_875] : memref<1000000x64xf32, #tpu.memory_space<hbm>> -> memref<1x64xf32, #tpu.memory_space<hbm>>
      %dma_wait3A_877 = arith.constant 0 : i32
      %dma_wait3A_878 = tpu.memref_slice %arg6[%add3A_157, %dma_wait3A_877] : memref<512x64xf32, #tpu.memory_space<vmem>> -> memref<1x64xf32, #tpu.memory_space<vmem>>
      %dma_wait3A_879 = arith.constant 0 : i32
      %dma_wait3A_880 = tpu.memref_slice %arg3[%squeeze3A_155, %dma_wait3A_879] : memref<1000000x64xf32, #tpu.memory_space<hbm>> -> memref<1x64xf32, #tpu.memory_space<hbm>>
      tpu.wait_dma2 semaphore(%arg7 : memref<!tpu.dma_semaphore, #tpu.memory_space<semaphore_mem>>) src(%dma_wait3A_880 : memref<1x64xf32, #tpu.memory_space<hbm>>) dst(%dma_wait3A_878 : memref<1x64xf32, #tpu.memory_space<vmem>>)
      %dma_wait3A_881 = arith.constant 0 : i32
      %dma_wait3A_882 = tpu.memref_slice %arg6[%add3A_169, %dma_wait3A_881] : memref<512x64xf32, #tpu.memory_space<vmem>> -> memref<1x64xf32, #tpu.memory_space<vmem>>
      %dma_wait3A_883 = arith.constant 0 : i32
      %dma_wait3A_884 = tpu.memref_slice %arg3[%squeeze3A_167, %dma_wait3A_883] : memref<1000000x64xf32, #tpu.memory_space<hbm>> -> memref<1x64xf32, #tpu.memory_space<hbm>>
      %dma_wait3A_885 = arith.constant 0 : i32
      %dma_wait3A_886 = tpu.memref_slice %arg6[%add3A_169, %dma_wait3A_885] : memref<512x64xf32, #tpu.memory_space<vmem>> -> memref<1x64xf32, #tpu.memory_space<vmem>>
      %dma_wait3A_887 = arith.constant 0 : i32
      %dma_wait3A_888 = tpu.memref_slice %arg3[%squeeze3A_167, %dma_wait3A_887] : memref<1000000x64xf32, #tpu.memory_space<hbm>> -> memref<1x64xf32, #tpu.memory_space<hbm>>
      tpu.wait_dma2 semaphore(%arg7 : memref<!tpu.dma_semaphore, #tpu.memory_space<semaphore_mem>>) src(%dma_wait3A_888 : memref<1x64xf32, #tpu.memory_space<hbm>>) dst(%dma_wait3A_886 : memref<1x64xf32, #tpu.memory_space<vmem>>)
      %dma_wait3A_889 = arith.constant 0 : i32
      %dma_wait3A_890 = tpu.memref_slice %arg6[%add3A_181, %dma_wait3A_889] : memref<512x64xf32, #tpu.memory_space<vmem>> -> memref<1x64xf32, #tpu.memory_space<vmem>>
      %dma_wait3A_891 = arith.constant 0 : i32
      %dma_wait3A_892 = tpu.memref_slice %arg3[%squeeze3A_179, %dma_wait3A_891] : memref<1000000x64xf32, #tpu.memory_space<hbm>> -> memref<1x64xf32, #tpu.memory_space<hbm>>
      %dma_wait3A_893 = arith.constant 0 : i32
      %dma_wait3A_894 = tpu.memref_slice %arg6[%add3A_181, %dma_wait3A_893] : memref<512x64xf32, #tpu.memory_space<vmem>> -> memref<1x64xf32, #tpu.memory_space<vmem>>
      %dma_wait3A_895 = arith.constant 0 : i32
      %dma_wait3A_896 = tpu.memref_slice %arg3[%squeeze3A_179, %dma_wait3A_895] : memref<1000000x64xf32, #tpu.memory_space<hbm>> -> memref<1x64xf32, #tpu.memory_space<hbm>>
      tpu.wait_dma2 semaphore(%arg7 : memref<!tpu.dma_semaphore, #tpu.memory_space<semaphore_mem>>) src(%dma_wait3A_896 : memref<1x64xf32, #tpu.memory_space<hbm>>) dst(%dma_wait3A_894 : memref<1x64xf32, #tpu.memory_space<vmem>>)
      %dma_wait3A_897 = arith.constant 0 : i32
      %dma_wait3A_898 = tpu.memref_slice %arg6[%add3A_193, %dma_wait3A_897] : memref<512x64xf32, #tpu.memory_space<vmem>> -> memref<1x64xf32, #tpu.memory_space<vmem>>
      %dma_wait3A_899 = arith.constant 0 : i32
      %dma_wait3A_900 = tpu.memref_slice %arg3[%squeeze3A_191, %dma_wait3A_899] : memref<1000000x64xf32, #tpu.memory_space<hbm>> -> memref<1x64xf32, #tpu.memory_space<hbm>>
      %dma_wait3A_901 = arith.constant 0 : i32
      %dma_wait3A_902 = tpu.memref_slice %arg6[%add3A_193, %dma_wait3A_901] : memref<512x64xf32, #tpu.memory_space<vmem>> -> memref<1x64xf32, #tpu.memory_space<vmem>>
      %dma_wait3A_903 = arith.constant 0 : i32
      %dma_wait3A_904 = tpu.memref_slice %arg3[%squeeze3A_191, %dma_wait3A_903] : memref<1000000x64xf32, #tpu.memory_space<hbm>> -> memref<1x64xf32, #tpu.memory_space<hbm>>
      tpu.wait_dma2 semaphore(%arg7 : memref<!tpu.dma_semaphore, #tpu.memory_space<semaphore_mem>>) src(%dma_wait3A_904 : memref<1x64xf32, #tpu.memory_space<hbm>>) dst(%dma_wait3A_902 : memref<1x64xf32, #tpu.memory_space<vmem>>)
      %dma_wait3A_905 = arith.constant 0 : i32
      %dma_wait3A_906 = tpu.memref_slice %arg6[%add3A_205, %dma_wait3A_905] : memref<512x64xf32, #tpu.memory_space<vmem>> -> memref<1x64xf32, #tpu.memory_space<vmem>>
      %dma_wait3A_907 = arith.constant 0 : i32
      %dma_wait3A_908 = tpu.memref_slice %arg3[%squeeze3A_203, %dma_wait3A_907] : memref<1000000x64xf32, #tpu.memory_space<hbm>> -> memref<1x64xf32, #tpu.memory_space<hbm>>
      %dma_wait3A_909 = arith.constant 0 : i32
      %dma_wait3A_910 = tpu.memref_slice %arg6[%add3A_205, %dma_wait3A_909] : memref<512x64xf32, #tpu.memory_space<vmem>> -> memref<1x64xf32, #tpu.memory_space<vmem>>
      %dma_wait3A_911 = arith.constant 0 : i32
      %dma_wait3A_912 = tpu.memref_slice %arg3[%squeeze3A_203, %dma_wait3A_911] : memref<1000000x64xf32, #tpu.memory_space<hbm>> -> memref<1x64xf32, #tpu.memory_space<hbm>>
      tpu.wait_dma2 semaphore(%arg7 : memref<!tpu.dma_semaphore, #tpu.memory_space<semaphore_mem>>) src(%dma_wait3A_912 : memref<1x64xf32, #tpu.memory_space<hbm>>) dst(%dma_wait3A_910 : memref<1x64xf32, #tpu.memory_space<vmem>>)
      %dma_wait3A_913 = arith.constant 0 : i32
      %dma_wait3A_914 = tpu.memref_slice %arg6[%add3A_217, %dma_wait3A_913] : memref<512x64xf32, #tpu.memory_space<vmem>> -> memref<1x64xf32, #tpu.memory_space<vmem>>
      %dma_wait3A_915 = arith.constant 0 : i32
      %dma_wait3A_916 = tpu.memref_slice %arg3[%squeeze3A_215, %dma_wait3A_915] : memref<1000000x64xf32, #tpu.memory_space<hbm>> -> memref<1x64xf32, #tpu.memory_space<hbm>>
      %dma_wait3A_917 = arith.constant 0 : i32
      %dma_wait3A_918 = tpu.memref_slice %arg6[%add3A_217, %dma_wait3A_917] : memref<512x64xf32, #tpu.memory_space<vmem>> -> memref<1x64xf32, #tpu.memory_space<vmem>>
      %dma_wait3A_919 = arith.constant 0 : i32
      %dma_wait3A_920 = tpu.memref_slice %arg3[%squeeze3A_215, %dma_wait3A_919] : memref<1000000x64xf32, #tpu.memory_space<hbm>> -> memref<1x64xf32, #tpu.memory_space<hbm>>
      tpu.wait_dma2 semaphore(%arg7 : memref<!tpu.dma_semaphore, #tpu.memory_space<semaphore_mem>>) src(%dma_wait3A_920 : memref<1x64xf32, #tpu.memory_space<hbm>>) dst(%dma_wait3A_918 : memref<1x64xf32, #tpu.memory_space<vmem>>)
      %dma_wait3A_921 = arith.constant 0 : i32
      %dma_wait3A_922 = tpu.memref_slice %arg6[%add3A_229, %dma_wait3A_921] : memref<512x64xf32, #tpu.memory_space<vmem>> -> memref<1x64xf32, #tpu.memory_space<vmem>>
      %dma_wait3A_923 = arith.constant 0 : i32
      %dma_wait3A_924 = tpu.memref_slice %arg3[%squeeze3A_227, %dma_wait3A_923] : memref<1000000x64xf32, #tpu.memory_space<hbm>> -> memref<1x64xf32, #tpu.memory_space<hbm>>
      %dma_wait3A_925 = arith.constant 0 : i32
      %dma_wait3A_926 = tpu.memref_slice %arg6[%add3A_229, %dma_wait3A_925] : memref<512x64xf32, #tpu.memory_space<vmem>> -> memref<1x64xf32, #tpu.memory_space<vmem>>
      %dma_wait3A_927 = arith.constant 0 : i32
      %dma_wait3A_928 = tpu.memref_slice %arg3[%squeeze3A_227, %dma_wait3A_927] : memref<1000000x64xf32, #tpu.memory_space<hbm>> -> memref<1x64xf32, #tpu.memory_space<hbm>>
      tpu.wait_dma2 semaphore(%arg7 : memref<!tpu.dma_semaphore, #tpu.memory_space<semaphore_mem>>) src(%dma_wait3A_928 : memref<1x64xf32, #tpu.memory_space<hbm>>) dst(%dma_wait3A_926 : memref<1x64xf32, #tpu.memory_space<vmem>>)
      %dma_wait3A_929 = arith.constant 0 : i32
      %dma_wait3A_930 = tpu.memref_slice %arg6[%add3A_241, %dma_wait3A_929] : memref<512x64xf32, #tpu.memory_space<vmem>> -> memref<1x64xf32, #tpu.memory_space<vmem>>
      %dma_wait3A_931 = arith.constant 0 : i32
      %dma_wait3A_932 = tpu.memref_slice %arg3[%squeeze3A_239, %dma_wait3A_931] : memref<1000000x64xf32, #tpu.memory_space<hbm>> -> memref<1x64xf32, #tpu.memory_space<hbm>>
      %dma_wait3A_933 = arith.constant 0 : i32
      %dma_wait3A_934 = tpu.memref_slice %arg6[%add3A_241, %dma_wait3A_933] : memref<512x64xf32, #tpu.memory_space<vmem>> -> memref<1x64xf32, #tpu.memory_space<vmem>>
      %dma_wait3A_935 = arith.constant 0 : i32
      %dma_wait3A_936 = tpu.memref_slice %arg3[%squeeze3A_239, %dma_wait3A_935] : memref<1000000x64xf32, #tpu.memory_space<hbm>> -> memref<1x64xf32, #tpu.memory_space<hbm>>
      tpu.wait_dma2 semaphore(%arg7 : memref<!tpu.dma_semaphore, #tpu.memory_space<semaphore_mem>>) src(%dma_wait3A_936 : memref<1x64xf32, #tpu.memory_space<hbm>>) dst(%dma_wait3A_934 : memref<1x64xf32, #tpu.memory_space<vmem>>)
      %dma_wait3A_937 = arith.constant 0 : i32
      %dma_wait3A_938 = tpu.memref_slice %arg6[%add3A_253, %dma_wait3A_937] : memref<512x64xf32, #tpu.memory_space<vmem>> -> memref<1x64xf32, #tpu.memory_space<vmem>>
      %dma_wait3A_939 = arith.constant 0 : i32
      %dma_wait3A_940 = tpu.memref_slice %arg3[%squeeze3A_251, %dma_wait3A_939] : memref<1000000x64xf32, #tpu.memory_space<hbm>> -> memref<1x64xf32, #tpu.memory_space<hbm>>
      %dma_wait3A_941 = arith.constant 0 : i32
      %dma_wait3A_942 = tpu.memref_slice %arg6[%add3A_253, %dma_wait3A_941] : memref<512x64xf32, #tpu.memory_space<vmem>> -> memref<1x64xf32, #tpu.memory_space<vmem>>
      %dma_wait3A_943 = arith.constant 0 : i32
      %dma_wait3A_944 = tpu.memref_slice %arg3[%squeeze3A_251, %dma_wait3A_943] : memref<1000000x64xf32, #tpu.memory_space<hbm>> -> memref<1x64xf32, #tpu.memory_space<hbm>>
      tpu.wait_dma2 semaphore(%arg7 : memref<!tpu.dma_semaphore, #tpu.memory_space<semaphore_mem>>) src(%dma_wait3A_944 : memref<1x64xf32, #tpu.memory_space<hbm>>) dst(%dma_wait3A_942 : memref<1x64xf32, #tpu.memory_space<vmem>>)
      %dma_wait3A_945 = arith.constant 0 : i32
      %dma_wait3A_946 = tpu.memref_slice %arg6[%add3A_265, %dma_wait3A_945] : memref<512x64xf32, #tpu.memory_space<vmem>> -> memref<1x64xf32, #tpu.memory_space<vmem>>
      %dma_wait3A_947 = arith.constant 0 : i32
      %dma_wait3A_948 = tpu.memref_slice %arg3[%squeeze3A_263, %dma_wait3A_947] : memref<1000000x64xf32, #tpu.memory_space<hbm>> -> memref<1x64xf32, #tpu.memory_space<hbm>>
      %dma_wait3A_949 = arith.constant 0 : i32
      %dma_wait3A_950 = tpu.memref_slice %arg6[%add3A_265, %dma_wait3A_949] : memref<512x64xf32, #tpu.memory_space<vmem>> -> memref<1x64xf32, #tpu.memory_space<vmem>>
      %dma_wait3A_951 = arith.constant 0 : i32
      %dma_wait3A_952 = tpu.memref_slice %arg3[%squeeze3A_263, %dma_wait3A_951] : memref<1000000x64xf32, #tpu.memory_space<hbm>> -> memref<1x64xf32, #tpu.memory_space<hbm>>
      tpu.wait_dma2 semaphore(%arg7 : memref<!tpu.dma_semaphore, #tpu.memory_space<semaphore_mem>>) src(%dma_wait3A_952 : memref<1x64xf32, #tpu.memory_space<hbm>>) dst(%dma_wait3A_950 : memref<1x64xf32, #tpu.memory_space<vmem>>)
      %dma_wait3A_953 = arith.constant 0 : i32
      %dma_wait3A_954 = tpu.memref_slice %arg6[%add3A_277, %dma_wait3A_953] : memref<512x64xf32, #tpu.memory_space<vmem>> -> memref<1x64xf32, #tpu.memory_space<vmem>>
      %dma_wait3A_955 = arith.constant 0 : i32
      %dma_wait3A_956 = tpu.memref_slice %arg3[%squeeze3A_275, %dma_wait3A_955] : memref<1000000x64xf32, #tpu.memory_space<hbm>> -> memref<1x64xf32, #tpu.memory_space<hbm>>
      %dma_wait3A_957 = arith.constant 0 : i32
      %dma_wait3A_958 = tpu.memref_slice %arg6[%add3A_277, %dma_wait3A_957] : memref<512x64xf32, #tpu.memory_space<vmem>> -> memref<1x64xf32, #tpu.memory_space<vmem>>
      %dma_wait3A_959 = arith.constant 0 : i32
      %dma_wait3A_960 = tpu.memref_slice %arg3[%squeeze3A_275, %dma_wait3A_959] : memref<1000000x64xf32, #tpu.memory_space<hbm>> -> memref<1x64xf32, #tpu.memory_space<hbm>>
      tpu.wait_dma2 semaphore(%arg7 : memref<!tpu.dma_semaphore, #tpu.memory_space<semaphore_mem>>) src(%dma_wait3A_960 : memref<1x64xf32, #tpu.memory_space<hbm>>) dst(%dma_wait3A_958 : memref<1x64xf32, #tpu.memory_space<vmem>>)
      %dma_wait3A_961 = arith.constant 0 : i32
      %dma_wait3A_962 = tpu.memref_slice %arg6[%add3A_289, %dma_wait3A_961] : memref<512x64xf32, #tpu.memory_space<vmem>> -> memref<1x64xf32, #tpu.memory_space<vmem>>
      %dma_wait3A_963 = arith.constant 0 : i32
      %dma_wait3A_964 = tpu.memref_slice %arg3[%squeeze3A_287, %dma_wait3A_963] : memref<1000000x64xf32, #tpu.memory_space<hbm>> -> memref<1x64xf32, #tpu.memory_space<hbm>>
      %dma_wait3A_965 = arith.constant 0 : i32
      %dma_wait3A_966 = tpu.memref_slice %arg6[%add3A_289, %dma_wait3A_965] : memref<512x64xf32, #tpu.memory_space<vmem>> -> memref<1x64xf32, #tpu.memory_space<vmem>>
      %dma_wait3A_967 = arith.constant 0 : i32
      %dma_wait3A_968 = tpu.memref_slice %arg3[%squeeze3A_287, %dma_wait3A_967] : memref<1000000x64xf32, #tpu.memory_space<hbm>> -> memref<1x64xf32, #tpu.memory_space<hbm>>
      tpu.wait_dma2 semaphore(%arg7 : memref<!tpu.dma_semaphore, #tpu.memory_space<semaphore_mem>>) src(%dma_wait3A_968 : memref<1x64xf32, #tpu.memory_space<hbm>>) dst(%dma_wait3A_966 : memref<1x64xf32, #tpu.memory_space<vmem>>)
      %dma_wait3A_969 = arith.constant 0 : i32
      %dma_wait3A_970 = tpu.memref_slice %arg6[%add3A_301, %dma_wait3A_969] : memref<512x64xf32, #tpu.memory_space<vmem>> -> memref<1x64xf32, #tpu.memory_space<vmem>>
      %dma_wait3A_971 = arith.constant 0 : i32
      %dma_wait3A_972 = tpu.memref_slice %arg3[%squeeze3A_299, %dma_wait3A_971] : memref<1000000x64xf32, #tpu.memory_space<hbm>> -> memref<1x64xf32, #tpu.memory_space<hbm>>
      %dma_wait3A_973 = arith.constant 0 : i32
      %dma_wait3A_974 = tpu.memref_slice %arg6[%add3A_301, %dma_wait3A_973] : memref<512x64xf32, #tpu.memory_space<vmem>> -> memref<1x64xf32, #tpu.memory_space<vmem>>
      %dma_wait3A_975 = arith.constant 0 : i32
      %dma_wait3A_976 = tpu.memref_slice %arg3[%squeeze3A_299, %dma_wait3A_975] : memref<1000000x64xf32, #tpu.memory_space<hbm>> -> memref<1x64xf32, #tpu.memory_space<hbm>>
      tpu.wait_dma2 semaphore(%arg7 : memref<!tpu.dma_semaphore, #tpu.memory_space<semaphore_mem>>) src(%dma_wait3A_976 : memref<1x64xf32, #tpu.memory_space<hbm>>) dst(%dma_wait3A_974 : memref<1x64xf32, #tpu.memory_space<vmem>>)
      %dma_wait3A_977 = arith.constant 0 : i32
      %dma_wait3A_978 = tpu.memref_slice %arg6[%add3A_313, %dma_wait3A_977] : memref<512x64xf32, #tpu.memory_space<vmem>> -> memref<1x64xf32, #tpu.memory_space<vmem>>
      %dma_wait3A_979 = arith.constant 0 : i32
      %dma_wait3A_980 = tpu.memref_slice %arg3[%squeeze3A_311, %dma_wait3A_979] : memref<1000000x64xf32, #tpu.memory_space<hbm>> -> memref<1x64xf32, #tpu.memory_space<hbm>>
      %dma_wait3A_981 = arith.constant 0 : i32
      %dma_wait3A_982 = tpu.memref_slice %arg6[%add3A_313, %dma_wait3A_981] : memref<512x64xf32, #tpu.memory_space<vmem>> -> memref<1x64xf32, #tpu.memory_space<vmem>>
      %dma_wait3A_983 = arith.constant 0 : i32
      %dma_wait3A_984 = tpu.memref_slice %arg3[%squeeze3A_311, %dma_wait3A_983] : memref<1000000x64xf32, #tpu.memory_space<hbm>> -> memref<1x64xf32, #tpu.memory_space<hbm>>
      tpu.wait_dma2 semaphore(%arg7 : memref<!tpu.dma_semaphore, #tpu.memory_space<semaphore_mem>>) src(%dma_wait3A_984 : memref<1x64xf32, #tpu.memory_space<hbm>>) dst(%dma_wait3A_982 : memref<1x64xf32, #tpu.memory_space<vmem>>)
      %dma_wait3A_985 = arith.constant 0 : i32
      %dma_wait3A_986 = tpu.memref_slice %arg6[%add3A_325, %dma_wait3A_985] : memref<512x64xf32, #tpu.memory_space<vmem>> -> memref<1x64xf32, #tpu.memory_space<vmem>>
      %dma_wait3A_987 = arith.constant 0 : i32
      %dma_wait3A_988 = tpu.memref_slice %arg3[%squeeze3A_323, %dma_wait3A_987] : memref<1000000x64xf32, #tpu.memory_space<hbm>> -> memref<1x64xf32, #tpu.memory_space<hbm>>
      %dma_wait3A_989 = arith.constant 0 : i32
      %dma_wait3A_990 = tpu.memref_slice %arg6[%add3A_325, %dma_wait3A_989] : memref<512x64xf32, #tpu.memory_space<vmem>> -> memref<1x64xf32, #tpu.memory_space<vmem>>
      %dma_wait3A_991 = arith.constant 0 : i32
      %dma_wait3A_992 = tpu.memref_slice %arg3[%squeeze3A_323, %dma_wait3A_991] : memref<1000000x64xf32, #tpu.memory_space<hbm>> -> memref<1x64xf32, #tpu.memory_space<hbm>>
      tpu.wait_dma2 semaphore(%arg7 : memref<!tpu.dma_semaphore, #tpu.memory_space<semaphore_mem>>) src(%dma_wait3A_992 : memref<1x64xf32, #tpu.memory_space<hbm>>) dst(%dma_wait3A_990 : memref<1x64xf32, #tpu.memory_space<vmem>>)
      %dma_wait3A_993 = arith.constant 0 : i32
      %dma_wait3A_994 = tpu.memref_slice %arg6[%add3A_337, %dma_wait3A_993] : memref<512x64xf32, #tpu.memory_space<vmem>> -> memref<1x64xf32, #tpu.memory_space<vmem>>
      %dma_wait3A_995 = arith.constant 0 : i32
      %dma_wait3A_996 = tpu.memref_slice %arg3[%squeeze3A_335, %dma_wait3A_995] : memref<1000000x64xf32, #tpu.memory_space<hbm>> -> memref<1x64xf32, #tpu.memory_space<hbm>>
      %dma_wait3A_997 = arith.constant 0 : i32
      %dma_wait3A_998 = tpu.memref_slice %arg6[%add3A_337, %dma_wait3A_997] : memref<512x64xf32, #tpu.memory_space<vmem>> -> memref<1x64xf32, #tpu.memory_space<vmem>>
      %dma_wait3A_999 = arith.constant 0 : i32
      %dma_wait3A_1000 = tpu.memref_slice %arg3[%squeeze3A_335, %dma_wait3A_999] : memref<1000000x64xf32, #tpu.memory_space<hbm>> -> memref<1x64xf32, #tpu.memory_space<hbm>>
      tpu.wait_dma2 semaphore(%arg7 : memref<!tpu.dma_semaphore, #tpu.memory_space<semaphore_mem>>) src(%dma_wait3A_1000 : memref<1x64xf32, #tpu.memory_space<hbm>>) dst(%dma_wait3A_998 : memref<1x64xf32, #tpu.memory_space<vmem>>)
      %dma_wait3A_1001 = arith.constant 0 : i32
      %dma_wait3A_1002 = tpu.memref_slice %arg6[%add3A_349, %dma_wait3A_1001] : memref<512x64xf32, #tpu.memory_space<vmem>> -> memref<1x64xf32, #tpu.memory_space<vmem>>
      %dma_wait3A_1003 = arith.constant 0 : i32
      %dma_wait3A_1004 = tpu.memref_slice %arg3[%squeeze3A_347, %dma_wait3A_1003] : memref<1000000x64xf32, #tpu.memory_space<hbm>> -> memref<1x64xf32, #tpu.memory_space<hbm>>
      %dma_wait3A_1005 = arith.constant 0 : i32
      %dma_wait3A_1006 = tpu.memref_slice %arg6[%add3A_349, %dma_wait3A_1005] : memref<512x64xf32, #tpu.memory_space<vmem>> -> memref<1x64xf32, #tpu.memory_space<vmem>>
      %dma_wait3A_1007 = arith.constant 0 : i32
      %dma_wait3A_1008 = tpu.memref_slice %arg3[%squeeze3A_347, %dma_wait3A_1007] : memref<1000000x64xf32, #tpu.memory_space<hbm>> -> memref<1x64xf32, #tpu.memory_space<hbm>>
      tpu.wait_dma2 semaphore(%arg7 : memref<!tpu.dma_semaphore, #tpu.memory_space<semaphore_mem>>) src(%dma_wait3A_1008 : memref<1x64xf32, #tpu.memory_space<hbm>>) dst(%dma_wait3A_1006 : memref<1x64xf32, #tpu.memory_space<vmem>>)
      %dma_wait3A_1009 = arith.constant 0 : i32
      %dma_wait3A_1010 = tpu.memref_slice %arg6[%add3A_361, %dma_wait3A_1009] : memref<512x64xf32, #tpu.memory_space<vmem>> -> memref<1x64xf32, #tpu.memory_space<vmem>>
      %dma_wait3A_1011 = arith.constant 0 : i32
      %dma_wait3A_1012 = tpu.memref_slice %arg3[%squeeze3A_359, %dma_wait3A_1011] : memref<1000000x64xf32, #tpu.memory_space<hbm>> -> memref<1x64xf32, #tpu.memory_space<hbm>>
      %dma_wait3A_1013 = arith.constant 0 : i32
      %dma_wait3A_1014 = tpu.memref_slice %arg6[%add3A_361, %dma_wait3A_1013] : memref<512x64xf32, #tpu.memory_space<vmem>> -> memref<1x64xf32, #tpu.memory_space<vmem>>
      %dma_wait3A_1015 = arith.constant 0 : i32
      %dma_wait3A_1016 = tpu.memref_slice %arg3[%squeeze3A_359, %dma_wait3A_1015] : memref<1000000x64xf32, #tpu.memory_space<hbm>> -> memref<1x64xf32, #tpu.memory_space<hbm>>
      tpu.wait_dma2 semaphore(%arg7 : memref<!tpu.dma_semaphore, #tpu.memory_space<semaphore_mem>>) src(%dma_wait3A_1016 : memref<1x64xf32, #tpu.memory_space<hbm>>) dst(%dma_wait3A_1014 : memref<1x64xf32, #tpu.memory_space<vmem>>)
      %dma_wait3A_1017 = arith.constant 0 : i32
      %dma_wait3A_1018 = tpu.memref_slice %arg6[%add3A_373, %dma_wait3A_1017] : memref<512x64xf32, #tpu.memory_space<vmem>> -> memref<1x64xf32, #tpu.memory_space<vmem>>
      %dma_wait3A_1019 = arith.constant 0 : i32
      %dma_wait3A_1020 = tpu.memref_slice %arg3[%squeeze3A_371, %dma_wait3A_1019] : memref<1000000x64xf32, #tpu.memory_space<hbm>> -> memref<1x64xf32, #tpu.memory_space<hbm>>
      %dma_wait3A_1021 = arith.constant 0 : i32
      %dma_wait3A_1022 = tpu.memref_slice %arg6[%add3A_373, %dma_wait3A_1021] : memref<512x64xf32, #tpu.memory_space<vmem>> -> memref<1x64xf32, #tpu.memory_space<vmem>>
      %dma_wait3A_1023 = arith.constant 0 : i32
      %dma_wait3A_1024 = tpu.memref_slice %arg3[%squeeze3A_371, %dma_wait3A_1023] : memref<1000000x64xf32, #tpu.memory_space<hbm>> -> memref<1x64xf32, #tpu.memory_space<hbm>>
      tpu.wait_dma2 semaphore(%arg7 : memref<!tpu.dma_semaphore, #tpu.memory_space<semaphore_mem>>) src(%dma_wait3A_1024 : memref<1x64xf32, #tpu.memory_space<hbm>>) dst(%dma_wait3A_1022 : memref<1x64xf32, #tpu.memory_space<vmem>>)
      %dma_wait3A_1025 = arith.constant 0 : i32
      %dma_wait3A_1026 = tpu.memref_slice %arg6[%add3A_385, %dma_wait3A_1025] : memref<512x64xf32, #tpu.memory_space<vmem>> -> memref<1x64xf32, #tpu.memory_space<vmem>>
      %dma_wait3A_1027 = arith.constant 0 : i32
      %dma_wait3A_1028 = tpu.memref_slice %arg3[%squeeze3A_383, %dma_wait3A_1027] : memref<1000000x64xf32, #tpu.memory_space<hbm>> -> memref<1x64xf32, #tpu.memory_space<hbm>>
      %dma_wait3A_1029 = arith.constant 0 : i32
      %dma_wait3A_1030 = tpu.memref_slice %arg6[%add3A_385, %dma_wait3A_1029] : memref<512x64xf32, #tpu.memory_space<vmem>> -> memref<1x64xf32, #tpu.memory_space<vmem>>
      %dma_wait3A_1031 = arith.constant 0 : i32
      %dma_wait3A_1032 = tpu.memref_slice %arg3[%squeeze3A_383, %dma_wait3A_1031] : memref<1000000x64xf32, #tpu.memory_space<hbm>> -> memref<1x64xf32, #tpu.memory_space<hbm>>
      tpu.wait_dma2 semaphore(%arg7 : memref<!tpu.dma_semaphore, #tpu.memory_space<semaphore_mem>>) src(%dma_wait3A_1032 : memref<1x64xf32, #tpu.memory_space<hbm>>) dst(%dma_wait3A_1030 : memref<1x64xf32, #tpu.memory_space<vmem>>)
      %dma_wait3A_1033 = arith.constant 0 : i32
      %dma_wait3A_1034 = tpu.memref_slice %arg6[%add3A_397, %dma_wait3A_1033] : memref<512x64xf32, #tpu.memory_space<vmem>> -> memref<1x64xf32, #tpu.memory_space<vmem>>
      %dma_wait3A_1035 = arith.constant 0 : i32
      %dma_wait3A_1036 = tpu.memref_slice %arg3[%squeeze3A_395, %dma_wait3A_1035] : memref<1000000x64xf32, #tpu.memory_space<hbm>> -> memref<1x64xf32, #tpu.memory_space<hbm>>
      %dma_wait3A_1037 = arith.constant 0 : i32
      %dma_wait3A_1038 = tpu.memref_slice %arg6[%add3A_397, %dma_wait3A_1037] : memref<512x64xf32, #tpu.memory_space<vmem>> -> memref<1x64xf32, #tpu.memory_space<vmem>>
      %dma_wait3A_1039 = arith.constant 0 : i32
      %dma_wait3A_1040 = tpu.memref_slice %arg3[%squeeze3A_395, %dma_wait3A_1039] : memref<1000000x64xf32, #tpu.memory_space<hbm>> -> memref<1x64xf32, #tpu.memory_space<hbm>>
      tpu.wait_dma2 semaphore(%arg7 : memref<!tpu.dma_semaphore, #tpu.memory_space<semaphore_mem>>) src(%dma_wait3A_1040 : memref<1x64xf32, #tpu.memory_space<hbm>>) dst(%dma_wait3A_1038 : memref<1x64xf32, #tpu.memory_space<vmem>>)
      %dma_wait3A_1041 = arith.constant 0 : i32
      %dma_wait3A_1042 = tpu.memref_slice %arg6[%add3A_409, %dma_wait3A_1041] : memref<512x64xf32, #tpu.memory_space<vmem>> -> memref<1x64xf32, #tpu.memory_space<vmem>>
      %dma_wait3A_1043 = arith.constant 0 : i32
      %dma_wait3A_1044 = tpu.memref_slice %arg3[%squeeze3A_407, %dma_wait3A_1043] : memref<1000000x64xf32, #tpu.memory_space<hbm>> -> memref<1x64xf32, #tpu.memory_space<hbm>>
      %dma_wait3A_1045 = arith.constant 0 : i32
      %dma_wait3A_1046 = tpu.memref_slice %arg6[%add3A_409, %dma_wait3A_1045] : memref<512x64xf32, #tpu.memory_space<vmem>> -> memref<1x64xf32, #tpu.memory_space<vmem>>
      %dma_wait3A_1047 = arith.constant 0 : i32
      %dma_wait3A_1048 = tpu.memref_slice %arg3[%squeeze3A_407, %dma_wait3A_1047] : memref<1000000x64xf32, #tpu.memory_space<hbm>> -> memref<1x64xf32, #tpu.memory_space<hbm>>
      tpu.wait_dma2 semaphore(%arg7 : memref<!tpu.dma_semaphore, #tpu.memory_space<semaphore_mem>>) src(%dma_wait3A_1048 : memref<1x64xf32, #tpu.memory_space<hbm>>) dst(%dma_wait3A_1046 : memref<1x64xf32, #tpu.memory_space<vmem>>)
      %dma_wait3A_1049 = arith.constant 0 : i32
      %dma_wait3A_1050 = tpu.memref_slice %arg6[%add3A_421, %dma_wait3A_1049] : memref<512x64xf32, #tpu.memory_space<vmem>> -> memref<1x64xf32, #tpu.memory_space<vmem>>
      %dma_wait3A_1051 = arith.constant 0 : i32
      %dma_wait3A_1052 = tpu.memref_slice %arg3[%squeeze3A_419, %dma_wait3A_1051] : memref<1000000x64xf32, #tpu.memory_space<hbm>> -> memref<1x64xf32, #tpu.memory_space<hbm>>
      %dma_wait3A_1053 = arith.constant 0 : i32
      %dma_wait3A_1054 = tpu.memref_slice %arg6[%add3A_421, %dma_wait3A_1053] : memref<512x64xf32, #tpu.memory_space<vmem>> -> memref<1x64xf32, #tpu.memory_space<vmem>>
      %dma_wait3A_1055 = arith.constant 0 : i32
      %dma_wait3A_1056 = tpu.memref_slice %arg3[%squeeze3A_419, %dma_wait3A_1055] : memref<1000000x64xf32, #tpu.memory_space<hbm>> -> memref<1x64xf32, #tpu.memory_space<hbm>>
      tpu.wait_dma2 semaphore(%arg7 : memref<!tpu.dma_semaphore, #tpu.memory_space<semaphore_mem>>) src(%dma_wait3A_1056 : memref<1x64xf32, #tpu.memory_space<hbm>>) dst(%dma_wait3A_1054 : memref<1x64xf32, #tpu.memory_space<vmem>>)
      %dma_wait3A_1057 = arith.constant 0 : i32
      %dma_wait3A_1058 = tpu.memref_slice %arg6[%add3A_433, %dma_wait3A_1057] : memref<512x64xf32, #tpu.memory_space<vmem>> -> memref<1x64xf32, #tpu.memory_space<vmem>>
      %dma_wait3A_1059 = arith.constant 0 : i32
      %dma_wait3A_1060 = tpu.memref_slice %arg3[%squeeze3A_431, %dma_wait3A_1059] : memref<1000000x64xf32, #tpu.memory_space<hbm>> -> memref<1x64xf32, #tpu.memory_space<hbm>>
      %dma_wait3A_1061 = arith.constant 0 : i32
      %dma_wait3A_1062 = tpu.memref_slice %arg6[%add3A_433, %dma_wait3A_1061] : memref<512x64xf32, #tpu.memory_space<vmem>> -> memref<1x64xf32, #tpu.memory_space<vmem>>
      %dma_wait3A_1063 = arith.constant 0 : i32
      %dma_wait3A_1064 = tpu.memref_slice %arg3[%squeeze3A_431, %dma_wait3A_1063] : memref<1000000x64xf32, #tpu.memory_space<hbm>> -> memref<1x64xf32, #tpu.memory_space<hbm>>
      tpu.wait_dma2 semaphore(%arg7 : memref<!tpu.dma_semaphore, #tpu.memory_space<semaphore_mem>>) src(%dma_wait3A_1064 : memref<1x64xf32, #tpu.memory_space<hbm>>) dst(%dma_wait3A_1062 : memref<1x64xf32, #tpu.memory_space<vmem>>)
      %dma_wait3A_1065 = arith.constant 0 : i32
      %dma_wait3A_1066 = tpu.memref_slice %arg6[%add3A_445, %dma_wait3A_1065] : memref<512x64xf32, #tpu.memory_space<vmem>> -> memref<1x64xf32, #tpu.memory_space<vmem>>
      %dma_wait3A_1067 = arith.constant 0 : i32
      %dma_wait3A_1068 = tpu.memref_slice %arg3[%squeeze3A_443, %dma_wait3A_1067] : memref<1000000x64xf32, #tpu.memory_space<hbm>> -> memref<1x64xf32, #tpu.memory_space<hbm>>
      %dma_wait3A_1069 = arith.constant 0 : i32
      %dma_wait3A_1070 = tpu.memref_slice %arg6[%add3A_445, %dma_wait3A_1069] : memref<512x64xf32, #tpu.memory_space<vmem>> -> memref<1x64xf32, #tpu.memory_space<vmem>>
      %dma_wait3A_1071 = arith.constant 0 : i32
      %dma_wait3A_1072 = tpu.memref_slice %arg3[%squeeze3A_443, %dma_wait3A_1071] : memref<1000000x64xf32, #tpu.memory_space<hbm>> -> memref<1x64xf32, #tpu.memory_space<hbm>>
      tpu.wait_dma2 semaphore(%arg7 : memref<!tpu.dma_semaphore, #tpu.memory_space<semaphore_mem>>) src(%dma_wait3A_1072 : memref<1x64xf32, #tpu.memory_space<hbm>>) dst(%dma_wait3A_1070 : memref<1x64xf32, #tpu.memory_space<vmem>>)
      %dma_wait3A_1073 = arith.constant 0 : i32
      %dma_wait3A_1074 = tpu.memref_slice %arg6[%add3A_457, %dma_wait3A_1073] : memref<512x64xf32, #tpu.memory_space<vmem>> -> memref<1x64xf32, #tpu.memory_space<vmem>>
      %dma_wait3A_1075 = arith.constant 0 : i32
      %dma_wait3A_1076 = tpu.memref_slice %arg3[%squeeze3A_455, %dma_wait3A_1075] : memref<1000000x64xf32, #tpu.memory_space<hbm>> -> memref<1x64xf32, #tpu.memory_space<hbm>>
      %dma_wait3A_1077 = arith.constant 0 : i32
      %dma_wait3A_1078 = tpu.memref_slice %arg6[%add3A_457, %dma_wait3A_1077] : memref<512x64xf32, #tpu.memory_space<vmem>> -> memref<1x64xf32, #tpu.memory_space<vmem>>
      %dma_wait3A_1079 = arith.constant 0 : i32
      %dma_wait3A_1080 = tpu.memref_slice %arg3[%squeeze3A_455, %dma_wait3A_1079] : memref<1000000x64xf32, #tpu.memory_space<hbm>> -> memref<1x64xf32, #tpu.memory_space<hbm>>
      tpu.wait_dma2 semaphore(%arg7 : memref<!tpu.dma_semaphore, #tpu.memory_space<semaphore_mem>>) src(%dma_wait3A_1080 : memref<1x64xf32, #tpu.memory_space<hbm>>) dst(%dma_wait3A_1078 : memref<1x64xf32, #tpu.memory_space<vmem>>)
      %dma_wait3A_1081 = arith.constant 0 : i32
      %dma_wait3A_1082 = tpu.memref_slice %arg6[%add3A_469, %dma_wait3A_1081] : memref<512x64xf32, #tpu.memory_space<vmem>> -> memref<1x64xf32, #tpu.memory_space<vmem>>
      %dma_wait3A_1083 = arith.constant 0 : i32
      %dma_wait3A_1084 = tpu.memref_slice %arg3[%squeeze3A_467, %dma_wait3A_1083] : memref<1000000x64xf32, #tpu.memory_space<hbm>> -> memref<1x64xf32, #tpu.memory_space<hbm>>
      %dma_wait3A_1085 = arith.constant 0 : i32
      %dma_wait3A_1086 = tpu.memref_slice %arg6[%add3A_469, %dma_wait3A_1085] : memref<512x64xf32, #tpu.memory_space<vmem>> -> memref<1x64xf32, #tpu.memory_space<vmem>>
      %dma_wait3A_1087 = arith.constant 0 : i32
      %dma_wait3A_1088 = tpu.memref_slice %arg3[%squeeze3A_467, %dma_wait3A_1087] : memref<1000000x64xf32, #tpu.memory_space<hbm>> -> memref<1x64xf32, #tpu.memory_space<hbm>>
      tpu.wait_dma2 semaphore(%arg7 : memref<!tpu.dma_semaphore, #tpu.memory_space<semaphore_mem>>) src(%dma_wait3A_1088 : memref<1x64xf32, #tpu.memory_space<hbm>>) dst(%dma_wait3A_1086 : memref<1x64xf32, #tpu.memory_space<vmem>>)
      %dma_wait3A_1089 = arith.constant 0 : i32
      %dma_wait3A_1090 = tpu.memref_slice %arg6[%add3A_481, %dma_wait3A_1089] : memref<512x64xf32, #tpu.memory_space<vmem>> -> memref<1x64xf32, #tpu.memory_space<vmem>>
      %dma_wait3A_1091 = arith.constant 0 : i32
      %dma_wait3A_1092 = tpu.memref_slice %arg3[%squeeze3A_479, %dma_wait3A_1091] : memref<1000000x64xf32, #tpu.memory_space<hbm>> -> memref<1x64xf32, #tpu.memory_space<hbm>>
      %dma_wait3A_1093 = arith.constant 0 : i32
      %dma_wait3A_1094 = tpu.memref_slice %arg6[%add3A_481, %dma_wait3A_1093] : memref<512x64xf32, #tpu.memory_space<vmem>> -> memref<1x64xf32, #tpu.memory_space<vmem>>
      %dma_wait3A_1095 = arith.constant 0 : i32
      %dma_wait3A_1096 = tpu.memref_slice %arg3[%squeeze3A_479, %dma_wait3A_1095] : memref<1000000x64xf32, #tpu.memory_space<hbm>> -> memref<1x64xf32, #tpu.memory_space<hbm>>
      tpu.wait_dma2 semaphore(%arg7 : memref<!tpu.dma_semaphore, #tpu.memory_space<semaphore_mem>>) src(%dma_wait3A_1096 : memref<1x64xf32, #tpu.memory_space<hbm>>) dst(%dma_wait3A_1094 : memref<1x64xf32, #tpu.memory_space<vmem>>)
      %dma_wait3A_1097 = arith.constant 0 : i32
      %dma_wait3A_1098 = tpu.memref_slice %arg6[%add3A_493, %dma_wait3A_1097] : memref<512x64xf32, #tpu.memory_space<vmem>> -> memref<1x64xf32, #tpu.memory_space<vmem>>
      %dma_wait3A_1099 = arith.constant 0 : i32
      %dma_wait3A_1100 = tpu.memref_slice %arg3[%squeeze3A_491, %dma_wait3A_1099] : memref<1000000x64xf32, #tpu.memory_space<hbm>> -> memref<1x64xf32, #tpu.memory_space<hbm>>
      %dma_wait3A_1101 = arith.constant 0 : i32
      %dma_wait3A_1102 = tpu.memref_slice %arg6[%add3A_493, %dma_wait3A_1101] : memref<512x64xf32, #tpu.memory_space<vmem>> -> memref<1x64xf32, #tpu.memory_space<vmem>>
      %dma_wait3A_1103 = arith.constant 0 : i32
      %dma_wait3A_1104 = tpu.memref_slice %arg3[%squeeze3A_491, %dma_wait3A_1103] : memref<1000000x64xf32, #tpu.memory_space<hbm>> -> memref<1x64xf32, #tpu.memory_space<hbm>>
      tpu.wait_dma2 semaphore(%arg7 : memref<!tpu.dma_semaphore, #tpu.memory_space<semaphore_mem>>) src(%dma_wait3A_1104 : memref<1x64xf32, #tpu.memory_space<hbm>>) dst(%dma_wait3A_1102 : memref<1x64xf32, #tpu.memory_space<vmem>>)
      %dma_wait3A_1105 = arith.constant 0 : i32
      %dma_wait3A_1106 = tpu.memref_slice %arg6[%add3A_505, %dma_wait3A_1105] : memref<512x64xf32, #tpu.memory_space<vmem>> -> memref<1x64xf32, #tpu.memory_space<vmem>>
      %dma_wait3A_1107 = arith.constant 0 : i32
      %dma_wait3A_1108 = tpu.memref_slice %arg3[%squeeze3A_503, %dma_wait3A_1107] : memref<1000000x64xf32, #tpu.memory_space<hbm>> -> memref<1x64xf32, #tpu.memory_space<hbm>>
      %dma_wait3A_1109 = arith.constant 0 : i32
      %dma_wait3A_1110 = tpu.memref_slice %arg6[%add3A_505, %dma_wait3A_1109] : memref<512x64xf32, #tpu.memory_space<vmem>> -> memref<1x64xf32, #tpu.memory_space<vmem>>
      %dma_wait3A_1111 = arith.constant 0 : i32
      %dma_wait3A_1112 = tpu.memref_slice %arg3[%squeeze3A_503, %dma_wait3A_1111] : memref<1000000x64xf32, #tpu.memory_space<hbm>> -> memref<1x64xf32, #tpu.memory_space<hbm>>
      tpu.wait_dma2 semaphore(%arg7 : memref<!tpu.dma_semaphore, #tpu.memory_space<semaphore_mem>>) src(%dma_wait3A_1112 : memref<1x64xf32, #tpu.memory_space<hbm>>) dst(%dma_wait3A_1110 : memref<1x64xf32, #tpu.memory_space<vmem>>)
      %dma_wait3A_1113 = arith.constant 0 : i32
      %dma_wait3A_1114 = tpu.memref_slice %arg6[%add3A_517, %dma_wait3A_1113] : memref<512x64xf32, #tpu.memory_space<vmem>> -> memref<1x64xf32, #tpu.memory_space<vmem>>
      %dma_wait3A_1115 = arith.constant 0 : i32
      %dma_wait3A_1116 = tpu.memref_slice %arg3[%squeeze3A_515, %dma_wait3A_1115] : memref<1000000x64xf32, #tpu.memory_space<hbm>> -> memref<1x64xf32, #tpu.memory_space<hbm>>
      %dma_wait3A_1117 = arith.constant 0 : i32
      %dma_wait3A_1118 = tpu.memref_slice %arg6[%add3A_517, %dma_wait3A_1117] : memref<512x64xf32, #tpu.memory_space<vmem>> -> memref<1x64xf32, #tpu.memory_space<vmem>>
      %dma_wait3A_1119 = arith.constant 0 : i32
      %dma_wait3A_1120 = tpu.memref_slice %arg3[%squeeze3A_515, %dma_wait3A_1119] : memref<1000000x64xf32, #tpu.memory_space<hbm>> -> memref<1x64xf32, #tpu.memory_space<hbm>>
      tpu.wait_dma2 semaphore(%arg7 : memref<!tpu.dma_semaphore, #tpu.memory_space<semaphore_mem>>) src(%dma_wait3A_1120 : memref<1x64xf32, #tpu.memory_space<hbm>>) dst(%dma_wait3A_1118 : memref<1x64xf32, #tpu.memory_space<vmem>>)
      %dma_wait3A_1121 = arith.constant 0 : i32
      %dma_wait3A_1122 = tpu.memref_slice %arg6[%add3A_529, %dma_wait3A_1121] : memref<512x64xf32, #tpu.memory_space<vmem>> -> memref<1x64xf32, #tpu.memory_space<vmem>>
      %dma_wait3A_1123 = arith.constant 0 : i32
      %dma_wait3A_1124 = tpu.memref_slice %arg3[%squeeze3A_527, %dma_wait3A_1123] : memref<1000000x64xf32, #tpu.memory_space<hbm>> -> memref<1x64xf32, #tpu.memory_space<hbm>>
      %dma_wait3A_1125 = arith.constant 0 : i32
      %dma_wait3A_1126 = tpu.memref_slice %arg6[%add3A_529, %dma_wait3A_1125] : memref<512x64xf32, #tpu.memory_space<vmem>> -> memref<1x64xf32, #tpu.memory_space<vmem>>
      %dma_wait3A_1127 = arith.constant 0 : i32
      %dma_wait3A_1128 = tpu.memref_slice %arg3[%squeeze3A_527, %dma_wait3A_1127] : memref<1000000x64xf32, #tpu.memory_space<hbm>> -> memref<1x64xf32, #tpu.memory_space<hbm>>
      tpu.wait_dma2 semaphore(%arg7 : memref<!tpu.dma_semaphore, #tpu.memory_space<semaphore_mem>>) src(%dma_wait3A_1128 : memref<1x64xf32, #tpu.memory_space<hbm>>) dst(%dma_wait3A_1126 : memref<1x64xf32, #tpu.memory_space<vmem>>)
      %dma_wait3A_1129 = arith.constant 0 : i32
      %dma_wait3A_1130 = tpu.memref_slice %arg6[%add3A_541, %dma_wait3A_1129] : memref<512x64xf32, #tpu.memory_space<vmem>> -> memref<1x64xf32, #tpu.memory_space<vmem>>
      %dma_wait3A_1131 = arith.constant 0 : i32
      %dma_wait3A_1132 = tpu.memref_slice %arg3[%squeeze3A_539, %dma_wait3A_1131] : memref<1000000x64xf32, #tpu.memory_space<hbm>> -> memref<1x64xf32, #tpu.memory_space<hbm>>
      %dma_wait3A_1133 = arith.constant 0 : i32
      %dma_wait3A_1134 = tpu.memref_slice %arg6[%add3A_541, %dma_wait3A_1133] : memref<512x64xf32, #tpu.memory_space<vmem>> -> memref<1x64xf32, #tpu.memory_space<vmem>>
      %dma_wait3A_1135 = arith.constant 0 : i32
      %dma_wait3A_1136 = tpu.memref_slice %arg3[%squeeze3A_539, %dma_wait3A_1135] : memref<1000000x64xf32, #tpu.memory_space<hbm>> -> memref<1x64xf32, #tpu.memory_space<hbm>>
      tpu.wait_dma2 semaphore(%arg7 : memref<!tpu.dma_semaphore, #tpu.memory_space<semaphore_mem>>) src(%dma_wait3A_1136 : memref<1x64xf32, #tpu.memory_space<hbm>>) dst(%dma_wait3A_1134 : memref<1x64xf32, #tpu.memory_space<vmem>>)
      %dma_wait3A_1137 = arith.constant 0 : i32
      %dma_wait3A_1138 = tpu.memref_slice %arg6[%add3A_553, %dma_wait3A_1137] : memref<512x64xf32, #tpu.memory_space<vmem>> -> memref<1x64xf32, #tpu.memory_space<vmem>>
      %dma_wait3A_1139 = arith.constant 0 : i32
      %dma_wait3A_1140 = tpu.memref_slice %arg3[%squeeze3A_551, %dma_wait3A_1139] : memref<1000000x64xf32, #tpu.memory_space<hbm>> -> memref<1x64xf32, #tpu.memory_space<hbm>>
      %dma_wait3A_1141 = arith.constant 0 : i32
      %dma_wait3A_1142 = tpu.memref_slice %arg6[%add3A_553, %dma_wait3A_1141] : memref<512x64xf32, #tpu.memory_space<vmem>> -> memref<1x64xf32, #tpu.memory_space<vmem>>
      %dma_wait3A_1143 = arith.constant 0 : i32
      %dma_wait3A_1144 = tpu.memref_slice %arg3[%squeeze3A_551, %dma_wait3A_1143] : memref<1000000x64xf32, #tpu.memory_space<hbm>> -> memref<1x64xf32, #tpu.memory_space<hbm>>
      tpu.wait_dma2 semaphore(%arg7 : memref<!tpu.dma_semaphore, #tpu.memory_space<semaphore_mem>>) src(%dma_wait3A_1144 : memref<1x64xf32, #tpu.memory_space<hbm>>) dst(%dma_wait3A_1142 : memref<1x64xf32, #tpu.memory_space<vmem>>)
      %dma_wait3A_1145 = arith.constant 0 : i32
      %dma_wait3A_1146 = tpu.memref_slice %arg6[%add3A_565, %dma_wait3A_1145] : memref<512x64xf32, #tpu.memory_space<vmem>> -> memref<1x64xf32, #tpu.memory_space<vmem>>
      %dma_wait3A_1147 = arith.constant 0 : i32
      %dma_wait3A_1148 = tpu.memref_slice %arg3[%squeeze3A_563, %dma_wait3A_1147] : memref<1000000x64xf32, #tpu.memory_space<hbm>> -> memref<1x64xf32, #tpu.memory_space<hbm>>
      %dma_wait3A_1149 = arith.constant 0 : i32
      %dma_wait3A_1150 = tpu.memref_slice %arg6[%add3A_565, %dma_wait3A_1149] : memref<512x64xf32, #tpu.memory_space<vmem>> -> memref<1x64xf32, #tpu.memory_space<vmem>>
      %dma_wait3A_1151 = arith.constant 0 : i32
      %dma_wait3A_1152 = tpu.memref_slice %arg3[%squeeze3A_563, %dma_wait3A_1151] : memref<1000000x64xf32, #tpu.memory_space<hbm>> -> memref<1x64xf32, #tpu.memory_space<hbm>>
      tpu.wait_dma2 semaphore(%arg7 : memref<!tpu.dma_semaphore, #tpu.memory_space<semaphore_mem>>) src(%dma_wait3A_1152 : memref<1x64xf32, #tpu.memory_space<hbm>>) dst(%dma_wait3A_1150 : memref<1x64xf32, #tpu.memory_space<vmem>>)
      %dma_wait3A_1153 = arith.constant 0 : i32
      %dma_wait3A_1154 = tpu.memref_slice %arg6[%add3A_577, %dma_wait3A_1153] : memref<512x64xf32, #tpu.memory_space<vmem>> -> memref<1x64xf32, #tpu.memory_space<vmem>>
      %dma_wait3A_1155 = arith.constant 0 : i32
      %dma_wait3A_1156 = tpu.memref_slice %arg3[%squeeze3A_575, %dma_wait3A_1155] : memref<1000000x64xf32, #tpu.memory_space<hbm>> -> memref<1x64xf32, #tpu.memory_space<hbm>>
      %dma_wait3A_1157 = arith.constant 0 : i32
      %dma_wait3A_1158 = tpu.memref_slice %arg6[%add3A_577, %dma_wait3A_1157] : memref<512x64xf32, #tpu.memory_space<vmem>> -> memref<1x64xf32, #tpu.memory_space<vmem>>
      %dma_wait3A_1159 = arith.constant 0 : i32
      %dma_wait3A_1160 = tpu.memref_slice %arg3[%squeeze3A_575, %dma_wait3A_1159] : memref<1000000x64xf32, #tpu.memory_space<hbm>> -> memref<1x64xf32, #tpu.memory_space<hbm>>
      tpu.wait_dma2 semaphore(%arg7 : memref<!tpu.dma_semaphore, #tpu.memory_space<semaphore_mem>>) src(%dma_wait3A_1160 : memref<1x64xf32, #tpu.memory_space<hbm>>) dst(%dma_wait3A_1158 : memref<1x64xf32, #tpu.memory_space<vmem>>)
      %dma_wait3A_1161 = arith.constant 0 : i32
      %dma_wait3A_1162 = tpu.memref_slice %arg6[%add3A_589, %dma_wait3A_1161] : memref<512x64xf32, #tpu.memory_space<vmem>> -> memref<1x64xf32, #tpu.memory_space<vmem>>
      %dma_wait3A_1163 = arith.constant 0 : i32
      %dma_wait3A_1164 = tpu.memref_slice %arg3[%squeeze3A_587, %dma_wait3A_1163] : memref<1000000x64xf32, #tpu.memory_space<hbm>> -> memref<1x64xf32, #tpu.memory_space<hbm>>
      %dma_wait3A_1165 = arith.constant 0 : i32
      %dma_wait3A_1166 = tpu.memref_slice %arg6[%add3A_589, %dma_wait3A_1165] : memref<512x64xf32, #tpu.memory_space<vmem>> -> memref<1x64xf32, #tpu.memory_space<vmem>>
      %dma_wait3A_1167 = arith.constant 0 : i32
      %dma_wait3A_1168 = tpu.memref_slice %arg3[%squeeze3A_587, %dma_wait3A_1167] : memref<1000000x64xf32, #tpu.memory_space<hbm>> -> memref<1x64xf32, #tpu.memory_space<hbm>>
      tpu.wait_dma2 semaphore(%arg7 : memref<!tpu.dma_semaphore, #tpu.memory_space<semaphore_mem>>) src(%dma_wait3A_1168 : memref<1x64xf32, #tpu.memory_space<hbm>>) dst(%dma_wait3A_1166 : memref<1x64xf32, #tpu.memory_space<vmem>>)
      %dma_wait3A_1169 = arith.constant 0 : i32
      %dma_wait3A_1170 = tpu.memref_slice %arg6[%add3A_601, %dma_wait3A_1169] : memref<512x64xf32, #tpu.memory_space<vmem>> -> memref<1x64xf32, #tpu.memory_space<vmem>>
      %dma_wait3A_1171 = arith.constant 0 : i32
      %dma_wait3A_1172 = tpu.memref_slice %arg3[%squeeze3A_599, %dma_wait3A_1171] : memref<1000000x64xf32, #tpu.memory_space<hbm>> -> memref<1x64xf32, #tpu.memory_space<hbm>>
      %dma_wait3A_1173 = arith.constant 0 : i32
      %dma_wait3A_1174 = tpu.memref_slice %arg6[%add3A_601, %dma_wait3A_1173] : memref<512x64xf32, #tpu.memory_space<vmem>> -> memref<1x64xf32, #tpu.memory_space<vmem>>
      %dma_wait3A_1175 = arith.constant 0 : i32
      %dma_wait3A_1176 = tpu.memref_slice %arg3[%squeeze3A_599, %dma_wait3A_1175] : memref<1000000x64xf32, #tpu.memory_space<hbm>> -> memref<1x64xf32, #tpu.memory_space<hbm>>
      tpu.wait_dma2 semaphore(%arg7 : memref<!tpu.dma_semaphore, #tpu.memory_space<semaphore_mem>>) src(%dma_wait3A_1176 : memref<1x64xf32, #tpu.memory_space<hbm>>) dst(%dma_wait3A_1174 : memref<1x64xf32, #tpu.memory_space<vmem>>)
      %dma_wait3A_1177 = arith.constant 0 : i32
      %dma_wait3A_1178 = tpu.memref_slice %arg6[%add3A_613, %dma_wait3A_1177] : memref<512x64xf32, #tpu.memory_space<vmem>> -> memref<1x64xf32, #tpu.memory_space<vmem>>
      %dma_wait3A_1179 = arith.constant 0 : i32
      %dma_wait3A_1180 = tpu.memref_slice %arg3[%squeeze3A_611, %dma_wait3A_1179] : memref<1000000x64xf32, #tpu.memory_space<hbm>> -> memref<1x64xf32, #tpu.memory_space<hbm>>
      %dma_wait3A_1181 = arith.constant 0 : i32
      %dma_wait3A_1182 = tpu.memref_slice %arg6[%add3A_613, %dma_wait3A_1181] : memref<512x64xf32, #tpu.memory_space<vmem>> -> memref<1x64xf32, #tpu.memory_space<vmem>>
      %dma_wait3A_1183 = arith.constant 0 : i32
      %dma_wait3A_1184 = tpu.memref_slice %arg3[%squeeze3A_611, %dma_wait3A_1183] : memref<1000000x64xf32, #tpu.memory_space<hbm>> -> memref<1x64xf32, #tpu.memory_space<hbm>>
      tpu.wait_dma2 semaphore(%arg7 : memref<!tpu.dma_semaphore, #tpu.memory_space<semaphore_mem>>) src(%dma_wait3A_1184 : memref<1x64xf32, #tpu.memory_space<hbm>>) dst(%dma_wait3A_1182 : memref<1x64xf32, #tpu.memory_space<vmem>>)
      %dma_wait3A_1185 = arith.constant 0 : i32
      %dma_wait3A_1186 = tpu.memref_slice %arg6[%add3A_625, %dma_wait3A_1185] : memref<512x64xf32, #tpu.memory_space<vmem>> -> memref<1x64xf32, #tpu.memory_space<vmem>>
      %dma_wait3A_1187 = arith.constant 0 : i32
      %dma_wait3A_1188 = tpu.memref_slice %arg3[%squeeze3A_623, %dma_wait3A_1187] : memref<1000000x64xf32, #tpu.memory_space<hbm>> -> memref<1x64xf32, #tpu.memory_space<hbm>>
      %dma_wait3A_1189 = arith.constant 0 : i32
      %dma_wait3A_1190 = tpu.memref_slice %arg6[%add3A_625, %dma_wait3A_1189] : memref<512x64xf32, #tpu.memory_space<vmem>> -> memref<1x64xf32, #tpu.memory_space<vmem>>
      %dma_wait3A_1191 = arith.constant 0 : i32
      %dma_wait3A_1192 = tpu.memref_slice %arg3[%squeeze3A_623, %dma_wait3A_1191] : memref<1000000x64xf32, #tpu.memory_space<hbm>> -> memref<1x64xf32, #tpu.memory_space<hbm>>
      tpu.wait_dma2 semaphore(%arg7 : memref<!tpu.dma_semaphore, #tpu.memory_space<semaphore_mem>>) src(%dma_wait3A_1192 : memref<1x64xf32, #tpu.memory_space<hbm>>) dst(%dma_wait3A_1190 : memref<1x64xf32, #tpu.memory_space<vmem>>)
      %dma_wait3A_1193 = arith.constant 0 : i32
      %dma_wait3A_1194 = tpu.memref_slice %arg6[%add3A_637, %dma_wait3A_1193] : memref<512x64xf32, #tpu.memory_space<vmem>> -> memref<1x64xf32, #tpu.memory_space<vmem>>
      %dma_wait3A_1195 = arith.constant 0 : i32
      %dma_wait3A_1196 = tpu.memref_slice %arg3[%squeeze3A_635, %dma_wait3A_1195] : memref<1000000x64xf32, #tpu.memory_space<hbm>> -> memref<1x64xf32, #tpu.memory_space<hbm>>
      %dma_wait3A_1197 = arith.constant 0 : i32
      %dma_wait3A_1198 = tpu.memref_slice %arg6[%add3A_637, %dma_wait3A_1197] : memref<512x64xf32, #tpu.memory_space<vmem>> -> memref<1x64xf32, #tpu.memory_space<vmem>>
      %dma_wait3A_1199 = arith.constant 0 : i32
      %dma_wait3A_1200 = tpu.memref_slice %arg3[%squeeze3A_635, %dma_wait3A_1199] : memref<1000000x64xf32, #tpu.memory_space<hbm>> -> memref<1x64xf32, #tpu.memory_space<hbm>>
      tpu.wait_dma2 semaphore(%arg7 : memref<!tpu.dma_semaphore, #tpu.memory_space<semaphore_mem>>) src(%dma_wait3A_1200 : memref<1x64xf32, #tpu.memory_space<hbm>>) dst(%dma_wait3A_1198 : memref<1x64xf32, #tpu.memory_space<vmem>>)
      %dma_wait3A_1201 = arith.constant 0 : i32
      %dma_wait3A_1202 = tpu.memref_slice %arg6[%add3A_649, %dma_wait3A_1201] : memref<512x64xf32, #tpu.memory_space<vmem>> -> memref<1x64xf32, #tpu.memory_space<vmem>>
      %dma_wait3A_1203 = arith.constant 0 : i32
      %dma_wait3A_1204 = tpu.memref_slice %arg3[%squeeze3A_647, %dma_wait3A_1203] : memref<1000000x64xf32, #tpu.memory_space<hbm>> -> memref<1x64xf32, #tpu.memory_space<hbm>>
      %dma_wait3A_1205 = arith.constant 0 : i32
      %dma_wait3A_1206 = tpu.memref_slice %arg6[%add3A_649, %dma_wait3A_1205] : memref<512x64xf32, #tpu.memory_space<vmem>> -> memref<1x64xf32, #tpu.memory_space<vmem>>
      %dma_wait3A_1207 = arith.constant 0 : i32
      %dma_wait3A_1208 = tpu.memref_slice %arg3[%squeeze3A_647, %dma_wait3A_1207] : memref<1000000x64xf32, #tpu.memory_space<hbm>> -> memref<1x64xf32, #tpu.memory_space<hbm>>
      tpu.wait_dma2 semaphore(%arg7 : memref<!tpu.dma_semaphore, #tpu.memory_space<semaphore_mem>>) src(%dma_wait3A_1208 : memref<1x64xf32, #tpu.memory_space<hbm>>) dst(%dma_wait3A_1206 : memref<1x64xf32, #tpu.memory_space<vmem>>)
      %dma_wait3A_1209 = arith.constant 0 : i32
      %dma_wait3A_1210 = tpu.memref_slice %arg6[%add3A_661, %dma_wait3A_1209] : memref<512x64xf32, #tpu.memory_space<vmem>> -> memref<1x64xf32, #tpu.memory_space<vmem>>
      %dma_wait3A_1211 = arith.constant 0 : i32
      %dma_wait3A_1212 = tpu.memref_slice %arg3[%squeeze3A_659, %dma_wait3A_1211] : memref<1000000x64xf32, #tpu.memory_space<hbm>> -> memref<1x64xf32, #tpu.memory_space<hbm>>
      %dma_wait3A_1213 = arith.constant 0 : i32
      %dma_wait3A_1214 = tpu.memref_slice %arg6[%add3A_661, %dma_wait3A_1213] : memref<512x64xf32, #tpu.memory_space<vmem>> -> memref<1x64xf32, #tpu.memory_space<vmem>>
      %dma_wait3A_1215 = arith.constant 0 : i32
      %dma_wait3A_1216 = tpu.memref_slice %arg3[%squeeze3A_659, %dma_wait3A_1215] : memref<1000000x64xf32, #tpu.memory_space<hbm>> -> memref<1x64xf32, #tpu.memory_space<hbm>>
      tpu.wait_dma2 semaphore(%arg7 : memref<!tpu.dma_semaphore, #tpu.memory_space<semaphore_mem>>) src(%dma_wait3A_1216 : memref<1x64xf32, #tpu.memory_space<hbm>>) dst(%dma_wait3A_1214 : memref<1x64xf32, #tpu.memory_space<vmem>>)
      %dma_wait3A_1217 = arith.constant 0 : i32
      %dma_wait3A_1218 = tpu.memref_slice %arg6[%add3A_673, %dma_wait3A_1217] : memref<512x64xf32, #tpu.memory_space<vmem>> -> memref<1x64xf32, #tpu.memory_space<vmem>>
      %dma_wait3A_1219 = arith.constant 0 : i32
      %dma_wait3A_1220 = tpu.memref_slice %arg3[%squeeze3A_671, %dma_wait3A_1219] : memref<1000000x64xf32, #tpu.memory_space<hbm>> -> memref<1x64xf32, #tpu.memory_space<hbm>>
      %dma_wait3A_1221 = arith.constant 0 : i32
      %dma_wait3A_1222 = tpu.memref_slice %arg6[%add3A_673, %dma_wait3A_1221] : memref<512x64xf32, #tpu.memory_space<vmem>> -> memref<1x64xf32, #tpu.memory_space<vmem>>
      %dma_wait3A_1223 = arith.constant 0 : i32
      %dma_wait3A_1224 = tpu.memref_slice %arg3[%squeeze3A_671, %dma_wait3A_1223] : memref<1000000x64xf32, #tpu.memory_space<hbm>> -> memref<1x64xf32, #tpu.memory_space<hbm>>
      tpu.wait_dma2 semaphore(%arg7 : memref<!tpu.dma_semaphore, #tpu.memory_space<semaphore_mem>>) src(%dma_wait3A_1224 : memref<1x64xf32, #tpu.memory_space<hbm>>) dst(%dma_wait3A_1222 : memref<1x64xf32, #tpu.memory_space<vmem>>)
      %dma_wait3A_1225 = arith.constant 0 : i32
      %dma_wait3A_1226 = tpu.memref_slice %arg6[%add3A_685, %dma_wait3A_1225] : memref<512x64xf32, #tpu.memory_space<vmem>> -> memref<1x64xf32, #tpu.memory_space<vmem>>
      %dma_wait3A_1227 = arith.constant 0 : i32
      %dma_wait3A_1228 = tpu.memref_slice %arg3[%squeeze3A_683, %dma_wait3A_1227] : memref<1000000x64xf32, #tpu.memory_space<hbm>> -> memref<1x64xf32, #tpu.memory_space<hbm>>
      %dma_wait3A_1229 = arith.constant 0 : i32
      %dma_wait3A_1230 = tpu.memref_slice %arg6[%add3A_685, %dma_wait3A_1229] : memref<512x64xf32, #tpu.memory_space<vmem>> -> memref<1x64xf32, #tpu.memory_space<vmem>>
      %dma_wait3A_1231 = arith.constant 0 : i32
      %dma_wait3A_1232 = tpu.memref_slice %arg3[%squeeze3A_683, %dma_wait3A_1231] : memref<1000000x64xf32, #tpu.memory_space<hbm>> -> memref<1x64xf32, #tpu.memory_space<hbm>>
      tpu.wait_dma2 semaphore(%arg7 : memref<!tpu.dma_semaphore, #tpu.memory_space<semaphore_mem>>) src(%dma_wait3A_1232 : memref<1x64xf32, #tpu.memory_space<hbm>>) dst(%dma_wait3A_1230 : memref<1x64xf32, #tpu.memory_space<vmem>>)
      %dma_wait3A_1233 = arith.constant 0 : i32
      %dma_wait3A_1234 = tpu.memref_slice %arg6[%add3A_697, %dma_wait3A_1233] : memref<512x64xf32, #tpu.memory_space<vmem>> -> memref<1x64xf32, #tpu.memory_space<vmem>>
      %dma_wait3A_1235 = arith.constant 0 : i32
      %dma_wait3A_1236 = tpu.memref_slice %arg3[%squeeze3A_695, %dma_wait3A_1235] : memref<1000000x64xf32, #tpu.memory_space<hbm>> -> memref<1x64xf32, #tpu.memory_space<hbm>>
      %dma_wait3A_1237 = arith.constant 0 : i32
      %dma_wait3A_1238 = tpu.memref_slice %arg6[%add3A_697, %dma_wait3A_1237] : memref<512x64xf32, #tpu.memory_space<vmem>> -> memref<1x64xf32, #tpu.memory_space<vmem>>
      %dma_wait3A_1239 = arith.constant 0 : i32
      %dma_wait3A_1240 = tpu.memref_slice %arg3[%squeeze3A_695, %dma_wait3A_1239] : memref<1000000x64xf32, #tpu.memory_space<hbm>> -> memref<1x64xf32, #tpu.memory_space<hbm>>
      tpu.wait_dma2 semaphore(%arg7 : memref<!tpu.dma_semaphore, #tpu.memory_space<semaphore_mem>>) src(%dma_wait3A_1240 : memref<1x64xf32, #tpu.memory_space<hbm>>) dst(%dma_wait3A_1238 : memref<1x64xf32, #tpu.memory_space<vmem>>)
      %dma_wait3A_1241 = arith.constant 0 : i32
      %dma_wait3A_1242 = tpu.memref_slice %arg6[%add3A_709, %dma_wait3A_1241] : memref<512x64xf32, #tpu.memory_space<vmem>> -> memref<1x64xf32, #tpu.memory_space<vmem>>
      %dma_wait3A_1243 = arith.constant 0 : i32
      %dma_wait3A_1244 = tpu.memref_slice %arg3[%squeeze3A_707, %dma_wait3A_1243] : memref<1000000x64xf32, #tpu.memory_space<hbm>> -> memref<1x64xf32, #tpu.memory_space<hbm>>
      %dma_wait3A_1245 = arith.constant 0 : i32
      %dma_wait3A_1246 = tpu.memref_slice %arg6[%add3A_709, %dma_wait3A_1245] : memref<512x64xf32, #tpu.memory_space<vmem>> -> memref<1x64xf32, #tpu.memory_space<vmem>>
      %dma_wait3A_1247 = arith.constant 0 : i32
      %dma_wait3A_1248 = tpu.memref_slice %arg3[%squeeze3A_707, %dma_wait3A_1247] : memref<1000000x64xf32, #tpu.memory_space<hbm>> -> memref<1x64xf32, #tpu.memory_space<hbm>>
      tpu.wait_dma2 semaphore(%arg7 : memref<!tpu.dma_semaphore, #tpu.memory_space<semaphore_mem>>) src(%dma_wait3A_1248 : memref<1x64xf32, #tpu.memory_space<hbm>>) dst(%dma_wait3A_1246 : memref<1x64xf32, #tpu.memory_space<vmem>>)
      %dma_wait3A_1249 = arith.constant 0 : i32
      %dma_wait3A_1250 = tpu.memref_slice %arg6[%add3A_721, %dma_wait3A_1249] : memref<512x64xf32, #tpu.memory_space<vmem>> -> memref<1x64xf32, #tpu.memory_space<vmem>>
      %dma_wait3A_1251 = arith.constant 0 : i32
      %dma_wait3A_1252 = tpu.memref_slice %arg3[%squeeze3A_719, %dma_wait3A_1251] : memref<1000000x64xf32, #tpu.memory_space<hbm>> -> memref<1x64xf32, #tpu.memory_space<hbm>>
      %dma_wait3A_1253 = arith.constant 0 : i32
      %dma_wait3A_1254 = tpu.memref_slice %arg6[%add3A_721, %dma_wait3A_1253] : memref<512x64xf32, #tpu.memory_space<vmem>> -> memref<1x64xf32, #tpu.memory_space<vmem>>
      %dma_wait3A_1255 = arith.constant 0 : i32
      %dma_wait3A_1256 = tpu.memref_slice %arg3[%squeeze3A_719, %dma_wait3A_1255] : memref<1000000x64xf32, #tpu.memory_space<hbm>> -> memref<1x64xf32, #tpu.memory_space<hbm>>
      tpu.wait_dma2 semaphore(%arg7 : memref<!tpu.dma_semaphore, #tpu.memory_space<semaphore_mem>>) src(%dma_wait3A_1256 : memref<1x64xf32, #tpu.memory_space<hbm>>) dst(%dma_wait3A_1254 : memref<1x64xf32, #tpu.memory_space<vmem>>)
      %dma_wait3A_1257 = arith.constant 0 : i32
      %dma_wait3A_1258 = tpu.memref_slice %arg6[%add3A_733, %dma_wait3A_1257] : memref<512x64xf32, #tpu.memory_space<vmem>> -> memref<1x64xf32, #tpu.memory_space<vmem>>
      %dma_wait3A_1259 = arith.constant 0 : i32
      %dma_wait3A_1260 = tpu.memref_slice %arg3[%squeeze3A_731, %dma_wait3A_1259] : memref<1000000x64xf32, #tpu.memory_space<hbm>> -> memref<1x64xf32, #tpu.memory_space<hbm>>
      %dma_wait3A_1261 = arith.constant 0 : i32
      %dma_wait3A_1262 = tpu.memref_slice %arg6[%add3A_733, %dma_wait3A_1261] : memref<512x64xf32, #tpu.memory_space<vmem>> -> memref<1x64xf32, #tpu.memory_space<vmem>>
      %dma_wait3A_1263 = arith.constant 0 : i32
      %dma_wait3A_1264 = tpu.memref_slice %arg3[%squeeze3A_731, %dma_wait3A_1263] : memref<1000000x64xf32, #tpu.memory_space<hbm>> -> memref<1x64xf32, #tpu.memory_space<hbm>>
      tpu.wait_dma2 semaphore(%arg7 : memref<!tpu.dma_semaphore, #tpu.memory_space<semaphore_mem>>) src(%dma_wait3A_1264 : memref<1x64xf32, #tpu.memory_space<hbm>>) dst(%dma_wait3A_1262 : memref<1x64xf32, #tpu.memory_space<vmem>>)
      %dma_wait3A_1265 = arith.constant 0 : i32
      %dma_wait3A_1266 = tpu.memref_slice %arg6[%add3A_745, %dma_wait3A_1265] : memref<512x64xf32, #tpu.memory_space<vmem>> -> memref<1x64xf32, #tpu.memory_space<vmem>>
      %dma_wait3A_1267 = arith.constant 0 : i32
      %dma_wait3A_1268 = tpu.memref_slice %arg3[%squeeze3A_743, %dma_wait3A_1267] : memref<1000000x64xf32, #tpu.memory_space<hbm>> -> memref<1x64xf32, #tpu.memory_space<hbm>>
      %dma_wait3A_1269 = arith.constant 0 : i32
      %dma_wait3A_1270 = tpu.memref_slice %arg6[%add3A_745, %dma_wait3A_1269] : memref<512x64xf32, #tpu.memory_space<vmem>> -> memref<1x64xf32, #tpu.memory_space<vmem>>
      %dma_wait3A_1271 = arith.constant 0 : i32
      %dma_wait3A_1272 = tpu.memref_slice %arg3[%squeeze3A_743, %dma_wait3A_1271] : memref<1000000x64xf32, #tpu.memory_space<hbm>> -> memref<1x64xf32, #tpu.memory_space<hbm>>
      tpu.wait_dma2 semaphore(%arg7 : memref<!tpu.dma_semaphore, #tpu.memory_space<semaphore_mem>>) src(%dma_wait3A_1272 : memref<1x64xf32, #tpu.memory_space<hbm>>) dst(%dma_wait3A_1270 : memref<1x64xf32, #tpu.memory_space<vmem>>)
      %dma_wait3A_1273 = arith.constant 0 : i32
      %dma_wait3A_1274 = tpu.memref_slice %arg6[%add3A_757, %dma_wait3A_1273] : memref<512x64xf32, #tpu.memory_space<vmem>> -> memref<1x64xf32, #tpu.memory_space<vmem>>
      %dma_wait3A_1275 = arith.constant 0 : i32
      %dma_wait3A_1276 = tpu.memref_slice %arg3[%squeeze3A_755, %dma_wait3A_1275] : memref<1000000x64xf32, #tpu.memory_space<hbm>> -> memref<1x64xf32, #tpu.memory_space<hbm>>
      %dma_wait3A_1277 = arith.constant 0 : i32
      %dma_wait3A_1278 = tpu.memref_slice %arg6[%add3A_757, %dma_wait3A_1277] : memref<512x64xf32, #tpu.memory_space<vmem>> -> memref<1x64xf32, #tpu.memory_space<vmem>>
      %dma_wait3A_1279 = arith.constant 0 : i32
      %dma_wait3A_1280 = tpu.memref_slice %arg3[%squeeze3A_755, %dma_wait3A_1279] : memref<1000000x64xf32, #tpu.memory_space<hbm>> -> memref<1x64xf32, #tpu.memory_space<hbm>>
      tpu.wait_dma2 semaphore(%arg7 : memref<!tpu.dma_semaphore, #tpu.memory_space<semaphore_mem>>) src(%dma_wait3A_1280 : memref<1x64xf32, #tpu.memory_space<hbm>>) dst(%dma_wait3A_1278 : memref<1x64xf32, #tpu.memory_space<vmem>>)
      %dma_wait3A_1281 = arith.constant 0 : i32
      %dma_wait3A_1282 = tpu.memref_slice %arg6[%add3A_769, %dma_wait3A_1281] : memref<512x64xf32, #tpu.memory_space<vmem>> -> memref<1x64xf32, #tpu.memory_space<vmem>>
      %dma_wait3A_1283 = arith.constant 0 : i32
      %dma_wait3A_1284 = tpu.memref_slice %arg3[%squeeze3A_767, %dma_wait3A_1283] : memref<1000000x64xf32, #tpu.memory_space<hbm>> -> memref<1x64xf32, #tpu.memory_space<hbm>>
      %dma_wait3A_1285 = arith.constant 0 : i32
      %dma_wait3A_1286 = tpu.memref_slice %arg6[%add3A_769, %dma_wait3A_1285] : memref<512x64xf32, #tpu.memory_space<vmem>> -> memref<1x64xf32, #tpu.memory_space<vmem>>
      %dma_wait3A_1287 = arith.constant 0 : i32
      %dma_wait3A_1288 = tpu.memref_slice %arg3[%squeeze3A_767, %dma_wait3A_1287] : memref<1000000x64xf32, #tpu.memory_space<hbm>> -> memref<1x64xf32, #tpu.memory_space<hbm>>
      tpu.wait_dma2 semaphore(%arg7 : memref<!tpu.dma_semaphore, #tpu.memory_space<semaphore_mem>>) src(%dma_wait3A_1288 : memref<1x64xf32, #tpu.memory_space<hbm>>) dst(%dma_wait3A_1286 : memref<1x64xf32, #tpu.memory_space<vmem>>)
    }
    %scan3A_7 = arith.constant 8 : i32
    "tpu.region"() ({
      %run_scoped3A = tpu.sem_alloc : memref<!tpu.dma_semaphore, #tpu.memory_space<semaphore_mem>>
      %dma_start3A = arith.constant 0 : i32
      %dma_start3A_8 = tpu.memref_slice %arg4[%mul3A_2, %dma_start3A] : memref<16384x64xf32, #tpu.memory_space<hbm>> -> memref<512x64xf32, #tpu.memory_space<hbm>>
      %dma_start3A_9 = arith.constant 0 : i32
      %dma_start3A_10 = tpu.memref_slice %arg4[%mul3A_2, %dma_start3A_9] : memref<16384x64xf32, #tpu.memory_space<hbm>> -> memref<512x64xf32, #tpu.memory_space<hbm>>
      tpu.enqueue_dma source(%arg6 : memref<512x64xf32, #tpu.memory_space<vmem>>) target(%dma_start3A_10 : memref<512x64xf32, #tpu.memory_space<hbm>>) target_semaphore(%run_scoped3A : memref<!tpu.dma_semaphore, #tpu.memory_space<semaphore_mem>>)
      %dma_wait3A = arith.constant 0 : i32
      %dma_wait3A_11 = tpu.memref_slice %arg4[%mul3A_2, %dma_wait3A] : memref<16384x64xf32, #tpu.memory_space<hbm>> -> memref<512x64xf32, #tpu.memory_space<hbm>>
      %dma_wait3A_12 = arith.constant 0 : i32
      %dma_wait3A_13 = tpu.memref_slice %arg4[%mul3A_2, %dma_wait3A_12] : memref<16384x64xf32, #tpu.memory_space<hbm>> -> memref<512x64xf32, #tpu.memory_space<hbm>>
      tpu.wait_dma2 semaphore(%run_scoped3A : memref<!tpu.dma_semaphore, #tpu.memory_space<semaphore_mem>>) src(%arg6 : memref<512x64xf32, #tpu.memory_space<vmem>>) dst(%dma_wait3A_13 : memref<512x64xf32, #tpu.memory_space<hbm>>)
      tpu.yield
    }) : () -> ()
    return
  }
}

module attributes {stable_mosaic.version = 14 : i64} {
  func.func @_tc_body(%arg0: memref<16384x64xf32, #tpu.memory_space<vmem>>, %arg1: memref<1x16384xi32, #tpu.memory_space<vmem>>, %arg2: memref<1x16384xi32, #tpu.memory_space<vmem>>, %arg3: memref<1x16384xi32, #tpu.memory_space<vmem>>, %arg4: memref<8x16384xf32, #tpu.memory_space<vmem>>, %arg5: memref<48x80xf32, #tpu.memory_space<vmem>>, %arg6: memref<128x64xf32, #tpu.memory_space<vmem>>, %arg7: memref<128x48xf32, #tpu.memory_space<vmem>>, %arg8: memref<128x8xf32, #tpu.memory_space<vmem>>, %arg9: memref<128x1xf32, #tpu.memory_space<vmem>>, %arg10: memref<128x1xf32, #tpu.memory_space<vmem>>, %arg11: memref<128x1xf32, #tpu.memory_space<vmem>>, %arg12: memref<64x128xf32, #tpu.memory_space<vmem>>, %arg13: memref<64x1xf32, #tpu.memory_space<vmem>>, %arg14: memref<64x1xf32, #tpu.memory_space<vmem>>, %arg15: memref<64x1xf32, #tpu.memory_space<vmem>>, %arg16: memref<64x16384xf32, #tpu.memory_space<vmem>>) attributes {dimension_semantics = [], scalar_prefetch = 0 : i64, scratch_operands = 0 : i64, tpu.core_type = #tpu.core_type<tc>} {
    %get3A = arith.constant 0 : index
    %get3A_0 = arith.constant 0 : index
    %get3A_1 = vector.load %arg0[%get3A, %get3A_0] : memref<16384x64xf32, #tpu.memory_space<vmem>>, vector<16384x64xf32>
    %iota3A = tpu.iota {dimensions = array<i32: 0>} : vector<80x16384xi32>
    %get3A_2 = arith.constant 0 : index
    %get3A_3 = arith.constant 0 : index
    %get3A_4 = vector.load %arg1[%get3A_2, %get3A_3] : memref<1x16384xi32, #tpu.memory_space<vmem>>, vector<1x16384xi32>
    %eq3A = vector.broadcast %get3A_4 : vector<1x16384xi32> to vector<80x16384xi32>
    %eq3A_5 = arith.cmpi eq, %iota3A, %eq3A : vector<80x16384xi32>
    %jit3A = arith.constant 1.000000e+00 : f32
    %jit3A_6 = arith.constant 0.000000e+00 : f32
    %broadcast_in_dim3A = vector.broadcast %jit3A : f32 to vector<80x16384xf32>
    %broadcast_in_dim3A_7 = vector.broadcast %jit3A_6 : f32 to vector<80x16384xf32>
    %select_n3A = arith.select %eq3A_5, %broadcast_in_dim3A, %broadcast_in_dim3A_7 : vector<80x16384xi1>, vector<80x16384xf32>
    %get3A_8 = arith.constant 0 : index
    %get3A_9 = arith.constant 0 : index
    %get3A_10 = vector.load %arg2[%get3A_8, %get3A_9] : memref<1x16384xi32, #tpu.memory_space<vmem>>, vector<1x16384xi32>
    %eq3A_11 = vector.broadcast %get3A_10 : vector<1x16384xi32> to vector<80x16384xi32>
    %eq3A_12 = arith.cmpi eq, %iota3A, %eq3A_11 : vector<80x16384xi32>
    %jit3A_13 = arith.constant 1.000000e+00 : f32
    %jit3A_14 = arith.constant 0.000000e+00 : f32
    %broadcast_in_dim3A_15 = vector.broadcast %jit3A_13 : f32 to vector<80x16384xf32>
    %broadcast_in_dim3A_16 = vector.broadcast %jit3A_14 : f32 to vector<80x16384xf32>
    %select_n3A_17 = arith.select %eq3A_12, %broadcast_in_dim3A_15, %broadcast_in_dim3A_16 : vector<80x16384xi1>, vector<80x16384xf32>
    %add3A = arith.addf %select_n3A, %select_n3A_17 : vector<80x16384xf32>
    %get3A_18 = arith.constant 0 : index
    %get3A_19 = arith.constant 0 : index
    %get3A_20 = vector.load %arg3[%get3A_18, %get3A_19] : memref<1x16384xi32, #tpu.memory_space<vmem>>, vector<1x16384xi32>
    %eq3A_21 = vector.broadcast %get3A_20 : vector<1x16384xi32> to vector<80x16384xi32>
    %eq3A_22 = arith.cmpi eq, %iota3A, %eq3A_21 : vector<80x16384xi32>
    %jit3A_23 = arith.constant 1.000000e+00 : f32
    %jit3A_24 = arith.constant 0.000000e+00 : f32
    %broadcast_in_dim3A_25 = vector.broadcast %jit3A_23 : f32 to vector<80x16384xf32>
    %broadcast_in_dim3A_26 = vector.broadcast %jit3A_24 : f32 to vector<80x16384xf32>
    %select_n3A_27 = arith.select %eq3A_22, %broadcast_in_dim3A_25, %broadcast_in_dim3A_26 : vector<80x16384xi1>, vector<80x16384xf32>
    %add3A_28 = arith.addf %add3A, %select_n3A_27 : vector<80x16384xf32>
    %get3A_29 = arith.constant 0 : index
    %get3A_30 = arith.constant 0 : index
    %get3A_31 = vector.load %arg7[%get3A_29, %get3A_30] : memref<128x48xf32, #tpu.memory_space<vmem>>, vector<128x48xf32>
    %get3A_32 = arith.constant 0 : index
    %get3A_33 = arith.constant 0 : index
    %get3A_34 = vector.load %arg5[%get3A_32, %get3A_33] : memref<48x80xf32, #tpu.memory_space<vmem>>, vector<48x80xf32>
    %dot_general3A = arith.constant dense<0.000000e+00> : vector<128x80xf32>
    %dot_general3A_35 = tpu.matmul %get3A_31, %get3A_34, %dot_general3A {dimension_numbers = #tpu.dot_dimension_numbers<[1], [0], [0], [1], [0, 0, 1, 1], [], []>, transpose_lhs_hint = false} : vector<128x48xf32>, vector<48x80xf32>, vector<128x80xf32> -> vector<128x80xf32>
    %get3A_36 = arith.constant 0 : index
    %get3A_37 = arith.constant 0 : index
    %get3A_38 = vector.load %arg6[%get3A_36, %get3A_37] : memref<128x64xf32, #tpu.memory_space<vmem>>, vector<128x64xf32>
    %dot_general3A_39 = arith.constant dense<0.000000e+00> : vector<128x16384xf32>
    %dot_general3A_40 = tpu.matmul %get3A_38, %get3A_1, %dot_general3A_39 {dimension_numbers = #tpu.dot_dimension_numbers<[1], [1], [0], [0], [0, 0, 1, 0], [], []>, transpose_lhs_hint = false} : vector<128x64xf32>, vector<16384x64xf32>, vector<128x16384xf32> -> vector<128x16384xf32>
    %dot_general3A_41 = arith.constant dense<0.000000e+00> : vector<128x16384xf32>
    %dot_general3A_42 = tpu.matmul %dot_general3A_35, %add3A_28, %dot_general3A_41 {dimension_numbers = #tpu.dot_dimension_numbers<[1], [0], [0], [1], [0, 0, 1, 1], [], []>, transpose_lhs_hint = false} : vector<128x80xf32>, vector<80x16384xf32>, vector<128x16384xf32> -> vector<128x16384xf32>
    %add3A_43 = arith.addf %dot_general3A_40, %dot_general3A_42 : vector<128x16384xf32>
    %get3A_44 = arith.constant 0 : index
    %get3A_45 = arith.constant 0 : index
    %get3A_46 = vector.load %arg8[%get3A_44, %get3A_45] : memref<128x8xf32, #tpu.memory_space<vmem>>, vector<128x8xf32>
    %get3A_47 = arith.constant 0 : index
    %get3A_48 = arith.constant 0 : index
    %get3A_49 = vector.load %arg4[%get3A_47, %get3A_48] : memref<8x16384xf32, #tpu.memory_space<vmem>>, vector<8x16384xf32>
    %dot_general3A_50 = arith.constant dense<0.000000e+00> : vector<128x16384xf32>
    %dot_general3A_51 = tpu.matmul %get3A_46, %get3A_49, %dot_general3A_50 {dimension_numbers = #tpu.dot_dimension_numbers<[1], [0], [0], [1], [0, 0, 1, 1], [], []>, transpose_lhs_hint = false} : vector<128x8xf32>, vector<8x16384xf32>, vector<128x16384xf32> -> vector<128x16384xf32>
    %add3A_52 = arith.addf %add3A_43, %dot_general3A_51 : vector<128x16384xf32>
    %get3A_53 = arith.constant 0 : index
    %get3A_54 = arith.constant 0 : index
    %get3A_55 = vector.load %arg9[%get3A_53, %get3A_54] : memref<128x1xf32, #tpu.memory_space<vmem>>, vector<128x1xf32>
    %add3A_56 = vector.broadcast %get3A_55 : vector<128x1xf32> to vector<128x16384xf32>
    %add3A_57 = arith.addf %add3A_52, %add3A_56 : vector<128x16384xf32>
    %max3A = arith.constant 0.000000e+00 : f32
    %max3A_58 = vector.broadcast %max3A : f32 to vector<128x16384xf32>
    %max3A_59 = arith.maximumf %add3A_57, %max3A_58 : vector<128x16384xf32>
    %reduce_sum3A = arith.constant dense<0.000000e+00> : vector<128xf32>
    %reduce_sum3A_60 = vector.multi_reduction <add>, %max3A_59, %reduce_sum3A [1] : vector<128x16384xf32> to vector<128xf32>
    %broadcast_in_dim3A_61 = vector.shape_cast %reduce_sum3A_60 : vector<128xf32> to vector<128x1xf32>
    %div3A = arith.constant 1.638400e+04 : f32
    %div3A_62 = vector.broadcast %div3A : f32 to vector<128x1xf32>
    %div3A_63 = arith.divf %broadcast_in_dim3A_61, %div3A_62 : vector<128x1xf32>
    %sub3A = vector.broadcast %div3A_63 : vector<128x1xf32> to vector<128x16384xf32>
    %sub3A_64 = arith.subf %max3A_59, %sub3A : vector<128x16384xf32>
    %sub3A_65 = vector.broadcast %div3A_63 : vector<128x1xf32> to vector<128x16384xf32>
    %sub3A_66 = arith.subf %max3A_59, %sub3A_65 : vector<128x16384xf32>
    %mul3A = arith.mulf %sub3A_64, %sub3A_66 : vector<128x16384xf32>
    %reduce_sum3A_67 = arith.constant dense<0.000000e+00> : vector<128xf32>
    %reduce_sum3A_68 = vector.multi_reduction <add>, %mul3A, %reduce_sum3A_67 [1] : vector<128x16384xf32> to vector<128xf32>
    %broadcast_in_dim3A_69 = vector.shape_cast %reduce_sum3A_68 : vector<128xf32> to vector<128x1xf32>
    %div3A_70 = arith.constant 1.638400e+04 : f32
    %div3A_71 = vector.broadcast %div3A_70 : f32 to vector<128x1xf32>
    %div3A_72 = arith.divf %broadcast_in_dim3A_69, %div3A_71 : vector<128x1xf32>
    %sub3A_73 = vector.broadcast %div3A_63 : vector<128x1xf32> to vector<128x16384xf32>
    %sub3A_74 = arith.subf %max3A_59, %sub3A_73 : vector<128x16384xf32>
    %add3A_75 = arith.constant 9.99999974E-6 : f32
    %add3A_76 = vector.broadcast %add3A_75 : f32 to vector<128x1xf32>
    %add3A_77 = arith.addf %div3A_72, %add3A_76 : vector<128x1xf32>
    %sqrt3A = math.sqrt %add3A_77 : vector<128x1xf32>
    %div3A_78 = vector.broadcast %sqrt3A : vector<128x1xf32> to vector<128x16384xf32>
    %div3A_79 = arith.divf %sub3A_74, %div3A_78 : vector<128x16384xf32>
    %get3A_80 = arith.constant 0 : index
    %get3A_81 = arith.constant 0 : index
    %get3A_82 = vector.load %arg10[%get3A_80, %get3A_81] : memref<128x1xf32, #tpu.memory_space<vmem>>, vector<128x1xf32>
    %mul3A_83 = vector.broadcast %get3A_82 : vector<128x1xf32> to vector<128x16384xf32>
    %mul3A_84 = arith.mulf %div3A_79, %mul3A_83 : vector<128x16384xf32>
    %get3A_85 = arith.constant 0 : index
    %get3A_86 = arith.constant 0 : index
    %get3A_87 = vector.load %arg11[%get3A_85, %get3A_86] : memref<128x1xf32, #tpu.memory_space<vmem>>, vector<128x1xf32>
    %add3A_88 = vector.broadcast %get3A_87 : vector<128x1xf32> to vector<128x16384xf32>
    %add3A_89 = arith.addf %mul3A_84, %add3A_88 : vector<128x16384xf32>
    %get3A_90 = arith.constant 0 : index
    %get3A_91 = arith.constant 0 : index
    %get3A_92 = vector.load %arg12[%get3A_90, %get3A_91] : memref<64x128xf32, #tpu.memory_space<vmem>>, vector<64x128xf32>
    %dot_general3A_93 = arith.constant dense<0.000000e+00> : vector<64x16384xf32>
    %dot_general3A_94 = tpu.matmul %get3A_92, %add3A_89, %dot_general3A_93 {dimension_numbers = #tpu.dot_dimension_numbers<[1], [0], [0], [1], [0, 0, 1, 1], [], []>, transpose_lhs_hint = false} : vector<64x128xf32>, vector<128x16384xf32>, vector<64x16384xf32> -> vector<64x16384xf32>
    %get3A_95 = arith.constant 0 : index
    %get3A_96 = arith.constant 0 : index
    %get3A_97 = vector.load %arg13[%get3A_95, %get3A_96] : memref<64x1xf32, #tpu.memory_space<vmem>>, vector<64x1xf32>
    %add3A_98 = vector.broadcast %get3A_97 : vector<64x1xf32> to vector<64x16384xf32>
    %add3A_99 = arith.addf %dot_general3A_94, %add3A_98 : vector<64x16384xf32>
    %max3A_100 = arith.constant 0.000000e+00 : f32
    %max3A_101 = vector.broadcast %max3A_100 : f32 to vector<64x16384xf32>
    %max3A_102 = arith.maximumf %add3A_99, %max3A_101 : vector<64x16384xf32>
    %reduce_sum3A_103 = arith.constant dense<0.000000e+00> : vector<64xf32>
    %reduce_sum3A_104 = vector.multi_reduction <add>, %max3A_102, %reduce_sum3A_103 [1] : vector<64x16384xf32> to vector<64xf32>
    %broadcast_in_dim3A_105 = vector.shape_cast %reduce_sum3A_104 : vector<64xf32> to vector<64x1xf32>
    %div3A_106 = arith.constant 1.638400e+04 : f32
    %div3A_107 = vector.broadcast %div3A_106 : f32 to vector<64x1xf32>
    %div3A_108 = arith.divf %broadcast_in_dim3A_105, %div3A_107 : vector<64x1xf32>
    %sub3A_109 = vector.broadcast %div3A_108 : vector<64x1xf32> to vector<64x16384xf32>
    %sub3A_110 = arith.subf %max3A_102, %sub3A_109 : vector<64x16384xf32>
    %sub3A_111 = vector.broadcast %div3A_108 : vector<64x1xf32> to vector<64x16384xf32>
    %sub3A_112 = arith.subf %max3A_102, %sub3A_111 : vector<64x16384xf32>
    %mul3A_113 = arith.mulf %sub3A_110, %sub3A_112 : vector<64x16384xf32>
    %reduce_sum3A_114 = arith.constant dense<0.000000e+00> : vector<64xf32>
    %reduce_sum3A_115 = vector.multi_reduction <add>, %mul3A_113, %reduce_sum3A_114 [1] : vector<64x16384xf32> to vector<64xf32>
    %broadcast_in_dim3A_116 = vector.shape_cast %reduce_sum3A_115 : vector<64xf32> to vector<64x1xf32>
    %div3A_117 = arith.constant 1.638400e+04 : f32
    %div3A_118 = vector.broadcast %div3A_117 : f32 to vector<64x1xf32>
    %div3A_119 = arith.divf %broadcast_in_dim3A_116, %div3A_118 : vector<64x1xf32>
    %sub3A_120 = vector.broadcast %div3A_108 : vector<64x1xf32> to vector<64x16384xf32>
    %sub3A_121 = arith.subf %max3A_102, %sub3A_120 : vector<64x16384xf32>
    %add3A_122 = arith.constant 9.99999974E-6 : f32
    %add3A_123 = vector.broadcast %add3A_122 : f32 to vector<64x1xf32>
    %add3A_124 = arith.addf %div3A_119, %add3A_123 : vector<64x1xf32>
    %sqrt3A_125 = math.sqrt %add3A_124 : vector<64x1xf32>
    %div3A_126 = vector.broadcast %sqrt3A_125 : vector<64x1xf32> to vector<64x16384xf32>
    %div3A_127 = arith.divf %sub3A_121, %div3A_126 : vector<64x16384xf32>
    %get3A_128 = arith.constant 0 : index
    %get3A_129 = arith.constant 0 : index
    %get3A_130 = vector.load %arg14[%get3A_128, %get3A_129] : memref<64x1xf32, #tpu.memory_space<vmem>>, vector<64x1xf32>
    %mul3A_131 = vector.broadcast %get3A_130 : vector<64x1xf32> to vector<64x16384xf32>
    %mul3A_132 = arith.mulf %div3A_127, %mul3A_131 : vector<64x16384xf32>
    %get3A_133 = arith.constant 0 : index
    %get3A_134 = arith.constant 0 : index
    %get3A_135 = vector.load %arg15[%get3A_133, %get3A_134] : memref<64x1xf32, #tpu.memory_space<vmem>>, vector<64x1xf32>
    %add3A_136 = vector.broadcast %get3A_135 : vector<64x1xf32> to vector<64x16384xf32>
    %add3A_137 = arith.addf %mul3A_132, %add3A_136 : vector<64x16384xf32>
    %mul3A_138 = arith.mulf %add3A_137, %add3A_137 : vector<64x16384xf32>
    %reduce_sum3A_139 = arith.constant dense<0.000000e+00> : vector<16384xf32>
    %reduce_sum3A_140 = vector.multi_reduction <add>, %mul3A_138, %reduce_sum3A_139 [0] : vector<64x16384xf32> to vector<16384xf32>
    %broadcast_in_dim3A_141 = vector.shape_cast %reduce_sum3A_140 : vector<16384xf32> to vector<1x16384xf32>
    %sqrt3A_142 = math.sqrt %broadcast_in_dim3A_141 : vector<1x16384xf32>
    %max3A_143 = arith.constant 9.99999996E-13 : f32
    %max3A_144 = vector.broadcast %max3A_143 : f32 to vector<1x16384xf32>
    %max3A_145 = arith.maximumf %sqrt3A_142, %max3A_144 : vector<1x16384xf32>
    %div3A_146 = vector.broadcast %max3A_145 : vector<1x16384xf32> to vector<64x16384xf32>
    %div3A_147 = arith.divf %add3A_137, %div3A_146 : vector<64x16384xf32>
    %swap3A = arith.constant 0 : index
    %swap3A_148 = arith.constant 0 : index
    %swap3A_149 = vector.load %arg16[%swap3A, %swap3A_148] : memref<64x16384xf32, #tpu.memory_space<vmem>>, vector<64x16384xf32>
    tpu.vector_store %arg16[%swap3A, %swap3A_148], %div3A_147 {strides = array<i32>} : memref<64x16384xf32, #tpu.memory_space<vmem>>, vector<64x16384xf32>,
    return
  }
}

</mosaic_0001>

<sc_bundles>
// kernel: kernel.4.cloned.1.call-start
scs
__scs_entry_jumppad:
0x0: {  	(pc) =	sbr.rel $0x88, $3  }
0x1: {  	(tag) =	ssettag $0x0;
	lr =	simm.s32 $0x1  }
0x2: {  	[smem:$0x3F8B] =	sst lr;
	_ =	strace $0xD0000000  }
0x3: {  	_ = 	snop  }
0x4: {  	_ = 	snop  }
0x5: {  	_ = 	snop  }
0x6: {  	_ = 	snop  }
0x7: {  	_ = 	snop  }
__scs_overlays_trampoline_lowered:
0x8: {  	[smem:$0x3F9A] =	sst s0  }
0x9: {  	[smem:$0x3F9B] =	sst s1  }
0xa: {  	[smem:$0x3F9C] =	sst s2  }
0xb: {  	[smem:$0x3F9D] =	sst s3  }
0xc: {  	[smem:$0x3F9E] =	sst s4  }
0xd: {  	[smem:$0x3F9F] =	sst s5  }
0xe: {  	[smem:$0x3FA0] =	sst s6  }
0xf: {  	[smem:$0x3FA1] =	sst s7  }
0x10: {  	[smem:$0x3FA2] =	sst s8  }
0x11: {  	[smem:$0x3FA3] =	sst s9;
	s0 =	simm.s32 @!p0 $0x0  }
0x12: {  	s1 =	sld [smem:$0x3F89];
	s0 =	simm.s32 @p0 $0x1  }
0x13: {  	[smem:$0x3FA4] =	sst s0;
	s0 =	simm.s32 @!p1 $0x0  }
0x14: {  	s2 =	sld [smem:$0x3F88];
	s0 =	simm.s32 @p1 $0x1  }
0x15: {  	[smem:$0x3FA5] =	sst s0;
	s0 =	simm.s32 @!p2 $0x0  }
0x16: {  	s3 =	sld [smem:$0x3FDB];
	s0 =	simm.s32 @p2 $0x1  }
0x17: {  	s4 =	simm.s32 $0x1BF5;
	[smem:$0x3FA7] =	sst s0  }
0x18: {  	s0 =	sld [smem:$0x3F8A];
	_ =	swait.ge [sflag:s4], $0x0  }
0x19: {  	s7 =	sld [smem:$0x3F8B]  }
0x1a: {  	s8 =	sadd.s32 $0xFFFFE003, lr  }
0x1b: {  	s9 =	sadd.s32 $0xFFFFFEF7, lr;
	s5 =	simm.s32 $0xFFFFFFFF;
	p2 =	slt.u32 s8, $0xFFFFF086  }
0x1c: {  	p1 =	slt.u32 s9, $0xF7A;
	s5 =	simm.s32 @!p2 $0x0  }
0x1d: {  	s5 =	simm.s32 @p1 $0x1;
	p0 =	seq.s32 s7, s2  }
0x1e: {  	s7 =	smul.u32 @!p0 $0xF7A, s2;
	p2 =	seq.s32 @!p0 s5, $0x0  }
0x1f: {  	s9 =	smul.u32 $0xF7A, s1;
	s8 =	simm.s32 @!p0 $0x1BF5;
	p2 =	por !p2, p0  }
0x20: {  	[sflag:s8] =	ssyncset.s32 @!p0 $0xFFFFF086;
	s6 =	sadd.s32 @!p0 s3, s7;
	s7 =	simm.s32 @!p0 $0x108  }
0x21: {  	s3 =	sadd.s32 s3, s9;
	s6 =	sadd.s32 @!p0 $0x88, s6;
	s7 =	simm.s32 @p2 $0x1082  }
0x22: {  	[simem:s7], [sflag:s8] =	dma.local @!p0 [hbm:s6], $0xF7A  }
0x23: {  	s9 =	sor.u32 $0xD0000000, s2;
	s6 =	simm.s32 $0x108;
	_ =	swait.ge @!p0 [sflag:s8], $0x0  }
0x24: {  	s3 =	sadd.s32 $0x88, s3;
	s6 =	simm.s32 @!p1 $0x1082;
	[sflag:s4] =	ssyncset.s32 $0xFFFFF086  }
0x25: {  	[simem:s6], [sflag:s4] =	dma.local [hbm:s3], $0xF7A  }
0x26: {  	[smem:$0x3F8B] =	sst s1;
	(tag) =	ssettag s2;
	_ =	strace s9  }
0x27: {  	s1 =	sld [smem:$0x3F9B]  }
0x28: {  	s2 =	sld [smem:$0x3F9C]  }
0x29: {  	s4 =	sld [smem:$0x3F9E]  }
0x2a: {  	p0 =	seq.s32 s5, $0x0;
	s5 =	sld [smem:$0x3F9F]  }
0x2b: {  	s6 =	sld [smem:$0x3FA0]  }
0x2c: {  	s7 =	sld [smem:$0x3FA1]  }
0x2d: {  	s3 =	simm.s32 $0x108;
	s8 =	sld [smem:$0x3FA2]  }
0x2e: {  	s3 =	simm.s32 @!p0 $0x1082;
	s9 =	sld [smem:$0x3FA3]  }
0x2f: {  	lr =	sadd.s32 s0, s3;
	s0 =	sld [smem:$0x3F9A]  }
0x30: {  	s3 =	sld [smem:$0x3F9D]  }
0x31: {  	[smem:$0x3FA6] =	sst s10  }
0x32: {  	s10 =	sld [smem:$0x3FA4];
	_ =	sdelay $0x3  }
0x33: {  	p0 =	seq.s32 s10, $0x1;
	s10 =	sld [smem:$0x3FA6];
	_ =	sdelay $0x3  }
0x34: {  	[smem:$0x3FA6] =	sst s10  }
0x35: {  	s10 =	sld [smem:$0x3FA5];
	_ =	sdelay $0x3  }
0x36: {  	p1 =	seq.s32 s10, $0x1;
	s10 =	sld [smem:$0x3FA6];
	_ =	sdelay $0x3  }
0x37: {  	[smem:$0x3FA6] =	sst s10  }
0x38: {  	s10 =	sld [smem:$0x3FA7]  }
0x39: {  	_ = 	snop;
	(pc) =	sbr.ind lr, $3  }
0x3a: {  	_ = 	snop  }
0x3b: {  	_ = 	snop  }
0x3c: {  	p2 =	seq.s32 s10, $0x1;
	s10 =	sld [smem:$0x3FA6]  }
0x3d: {  	_ =	shalt  }
0x3e: {  	_ =	shalt  }
0x3f: {  	_ =	shalt  }
0x40: {  	_ =	shalt  }
0x41: {  	_ =	shalt  }
0x42: {  	_ =	shalt  }
0x43: {  	_ =	shalt  }
0x44: {  	_ =	shalt  }
0x45: {  	_ =	shalt  }
0x46: {  	_ =	shalt  }
0x47: {  	_ =	shalt  }
0x48: {  	_ =	shalt  }
0x49: {  	_ =	shalt  }
0x4a: {  	_ =	shalt  }
0x4b: {  	_ =	shalt  }
0x4c: {  	_ =	shalt  }
0x4d: {  	_ =	shalt  }
0x4e: {  	_ =	shalt  }
0x4f: {  	_ =	shalt  }
0x50: {  	_ =	shalt  }
0x51: {  	_ =	shalt  }
0x52: {  	_ =	shalt  }
0x53: {  	_ =	shalt  }
0x54: {  	_ =	shalt  }
0x55: {  	_ =	shalt  }
0x56: {  	_ =	shalt  }
0x57: {  	_ =	shalt  }
0x58: {  	_ =	shalt  }
0x59: {  	_ =	shalt  }
0x5a: {  	_ =	shalt  }
0x5b: {  	_ =	shalt  }
0x5c: {  	_ =	shalt  }
0x5d: {  	_ =	shalt  }
0x5e: {  	_ =	shalt  }
0x5f: {  	_ =	shalt  }
0x60: {  	_ =	shalt  }
0x61: {  	_ =	shalt  }
0x62: {  	_ =	shalt  }
0x63: {  	_ =	shalt  }
0x64: {  	_ =	shalt  }
0x65: {  	_ =	shalt  }
0x66: {  	_ =	shalt  }
0x67: {  	_ =	shalt  }
0x68: {  	_ =	shalt  }
0x69: {  	_ =	shalt  }
0x6a: {  	_ =	shalt  }
0x6b: {  	_ =	shalt  }
0x6c: {  	_ =	shalt  }
0x6d: {  	_ =	shalt  }
0x6e: {  	_ =	shalt  }
0x6f: {  	_ =	shalt  }
0x70: {  	_ =	shalt  }
0x71: {  	_ =	shalt  }
0x72: {  	_ =	shalt  }
0x73: {  	_ =	shalt  }
0x74: {  	_ =	shalt  }
0x75: {  	_ =	shalt  }
0x76: {  	_ =	shalt  }
0x77: {  	_ =	shalt  }
0x78: {  	_ =	shalt  }
0x79: {  	_ =	shalt  }
0x7a: {  	_ =	shalt  }
0x7b: {  	_ =	shalt  }
0x7c: {  	_ =	shalt  }
0x7d: {  	_ =	shalt  }
0x7e: {  	_ =	shalt  }
0x7f: {  	_ =	shalt  }
0x80: {  	_ =	shalt  }
0x81: {  	_ =	shalt  }
0x82: {  	_ =	shalt  }
0x83: {  	_ =	shalt  }
0x84: {  	_ =	shalt  }
0x85: {  	_ =	shalt  }
0x86: {  	_ =	shalt  }
0x87: {  	_ =	shalt  }
.Lfunc_end0:
.L_simem_size_0:
called_computation_lowered:
.L_overlay_start_0:
0x88: {  	s2 =	sld [smem:$0x3FD9]  }
0x89: {  	s3 =	sld [smem:$0x3FFE];
	_ =	sdelay $0x1  }
0x8a: {  	s1 =	srdreg.scid  }
0x8b: {  	s0 =	sand.u32 $0x1, s1  }
0x8c: {  	s17 =	sshll.u32 s0, $0xA;
	s2 =	sadd.s32 s3, s2  }
0x8d: {  	s2 =	sadd.s32 s2, s17  }
0x8e: {  	[smem:$0x3FB2] =	sst s2  }
0x8f: {  	_ = 	snop  }
0x90: {  	s2 =	sld [smem:$0x3FC9];
	(tm) =	ssettm $0x1  }
0x91: {  	s18 =	sld [smem:$0x3FFB];
	_ =	sdelay $0x3  }
0x92: {  	_ =	strace s18  }
0x93: {  	s3 =	sld [smem:$0x3FFC];
	_ =	sdelay $0x3  }
0x94: {  	_ =	strace s3  }
0x95: {  	s3 =	sld [smem:$0x3FFD];
	_ =	sdelay $0x3  }
0x96: {  	_ =	strace s3  }
0x97: {  	_ =	strace $0x8FFFFFFF  }
0x98: {  	s19 =	sld [smem:$0x3FDB];
	_ =	sdelay $0x1  }
0x99: {  	s4 =	simm.s32 $_scs_section_size  }
0x9a: {  	s5 =	simm.s32 $_size__tile_overlayer_lowered;
	s6 =	simm.s32 $_tile_overlayer_lowered  }
0x9b: {  	s22 =	simm.s32 $0x1BFF;
	s21 =	sshll.u32 s6, $0x1;
	s3 =	sadd.s32 s4, s19  }
0x9c: {  	s7 =	simm.s32 $0x0;
	s20 =	sshll.u32 s5, $0x1;
	s5 =	sadd.s32 s21, s3  }
0x9d: {  	[timem:s7], [sflag:s22] =	dma.local [hbm:s5], s20  }
0x9e: {  	_ =	swait.ge [sflag:s22], s20  }
0x9f: {  	s4 =	ssub.s32 $0x0, s20;
	[sflag:s22] =	ssyncset.done $0x0  }
0xa0: {  	[sflag:s22] =	ssyncadd.s32 s4;
	_ =	sdelay $0x1  }
0xa1: {  	s23 =	simm.s32 $0x1B8B  }
0xa2: {  	_ =	swait.ge [sflag:s23], $0x1  }
0xa3: {  	[sflag:s23] =	ssyncset.done $0x0  }
0xa4: {  	s25 =	simm.s32 $0x1B8E;
	s24 =	sld [smem:$0x3FFE];
	[sflag:s23] =	ssyncadd.s32 $0xFFFFFFFF  }
0xa5: {  	s26 =	simm.s32 $execute0_lowered;
	[smem:$0x3FD2] =	sst s25  }
0xa6: {  	s5 =	sshll.u32 s26, $0x1;
	_ =	strace $0x80000046;
	[dreg:$0x1] =	wrdreg $0xFFFFFFFF  }
0xa7: {  	s28 =	simm.s32 $_size_execute0_lowered;
	s3 =	sadd.s32 s3, s5;
	[dreg:$0x0] =	wrdreg $0x0  }
0xa8: {  	s5 =	sshll.u32 s28, $0x1;
	[dreg:$0x2] =	wrdreg s3  }
0xa9: {  	[dreg:$0x3] =	wrdreg s5  }
0xaa: {  	[dreg:$0x4] =	wrdreg $0xC0  }
0xab: {  	_ =	task [dreg:s7], $0x5FFFF  }
0xac: {  	[dreg:$0x1] =	wrdreg $0xFFFFFFFF  }
0xad: {  	[dreg:$0x0] =	wrdreg $0x60  }
0xae: {  	[dreg:$0x2] =	wrdreg s2  }
0xaf: {  	[dreg:$0x3] =	wrdreg s24  }
0xb0: {  	[dreg:$0x4] =	wrdreg $0x9  }
0xb1: {  	_ =	task.clear_ibuf [dreg:s7], $0x5FFFF;
	_ =	strace $0x90000046  }
0xb2: {  	s29 =	simm.s32 $0x9;
	_ =	strace $0x80000048  }
0xb3: {  	_ =	swait.ge [sflag:s29], $0x1  }
0xb4: {  	[sflag:s29] =	ssyncadd.s32 $0xFFFFFFFF  }
0xb5: {  	_ =	strace $0x90000048  }
0xb6: {  	_ =	sfence  }
0xb7: {  	s30 =	sld [smem:$0x0];
	_ =	sdelay $0x2  }
0xb8: {  	s31 =	sshll.u32 s1, $0xD;
	s1 =	sshrl.u32 s1, $0x2  }
0xb9: {  	s3 =	sand.u32 $0x4000, s31;
	s1 =	sadd.s32 s1, s30  }
0xba: {  	s0 =	sor.u32 s3, s0;
	s1 =	sshll.u32 s1, $0x11  }
0xbb: {  	s0 =	sor.u32 s1, s0  }
0xbc: {  	s0 =	sadd.s32 $0x8F2B, s0  }
0xbd: {  	[sflag:s0] =	ssyncadd.remote.s32 $0x1  }
0xbe: {  	_ =	sfence.sel $0xFFFF  }
0xbf: {  	[dreg:$0x0] =	wrdreg $0xFFFFFFFF;
	(pc) =	sbr.abs _section_cstart, $3  }
0xc0: {  	[dreg:$0x1] =	wrdreg $0xFFFFFFFF  }
0xc1: {  	_ =	task.clear_ibuf [dreg:s7], $0x2FFFF;
	_ =	strace $0x9FFFFFFF  }
0xc2: {  	(tm) =	ssettm $0x7FFFFFFF  }
0xc3: {  	_ =	shalt  }
tec
execute0_lowered:
.L_overlay_start_1:
0x0: {  	(tag) =	ssettag $0x1  }
0x1: {  	s4 =	rddreg [dreg:$0x0]  }
0x2: {  	s5 =	rddreg [dreg:$0x1]  }
0x3: {  	s0 =	rddreg [dreg:$0x2];
	s2 =	simm.s32 $0x0;
	s3 =	srdreg.scid  }
0x4: {  	s1 =	stileid.u32;
	s10 =	simm.s32 $0x0;
	s6 =	sand.u32 $0x1, s3  }
0x5: {  	[smem:$0x7FF] =	sst s2;
	s7 =	sshll.u32 s1, $0xA;
	s8 =	sshll.u32 s6, $0x9  }
0x6: {  	s3 =	sadd.s32 $0x3800, s5;
	s6 =	ssub.s32 $0x2, s6;
	s7 =	sor.u32 s8, s7  }
0x7: {  	_ =	strace $0x80000047;
	s9 =	sshrl.u32 s6, $0x1;
	s8 =	sshll.u32 s7, $0x4  }
0x8: {  	s7 =	sshrl.u32 s7, $0x3;
	s6 =	ssub.s32 s6, s9;
	s9 =	simm.s32 $0x200  }
0x9: {  	s5 =	sadd.s32 s8, s5;
	s4 =	sadd.s32 s4, s7;
	s6 =	smax.u32 s6, $0x1  }
0xa: {  	s7 =	simm.s32 $0x2;
	s8 =	simm.s32 $0x1;
	s5 =	sadd.s32 $0xF45C00, s5  }
.LBB2_1:
0xb: {  	[tilespmem:s2], [sflag:$0x2] =	stream.linear.gather [hbm4b:s4+s2], $0x200, $0x38;
	[tilespmem:$0x10200] =	vst v63  }
0xc: {  	_ =	swait.ge [sflag:s7], $0x200  }
0xd: {  	[sflag:s7] =	ssyncset.done $0x0  }
0xe: {  	s11 =	simm.s32 $0x20;
	s12 =	simm.s32 $0x0;
	[sflag:s7] =	ssyncadd.s32 $0xFFFFFE00  }
.LBB2_2:
0xf: {  	v0 =	vld [tilespmem:s11+$0xFFFFFFE0];
	_ =	sdelay $0x4  }
0x10: {  	v2 =	vshll.u32 v0, $0x4  }
0x11: {  	(v2sf) =	vpush v2, $0x0;
	_ =	sdelay $0x1  }
0x12: {  	(v2sf) =	vpush v2, $0x1;
	_ =	sdelay $0x1  }
0x13: {  	(v2sf) =	vpush v2, $0x2;
	_ =	sdelay $0x2  }
0x14: {  	(v2sf) =	vpush v2, $0x3;
	_ =	sdelay $0x7  }
0x15: {  	s14 =	spop (v2sf);
	(v2sf) =	vpush v2, $0x4;
	_ =	sdelay $0x1  }
0x16: {  	s17 =	spop (v2sf);
	(v2sf) =	vpush v2, $0x5;
	_ =	sdelay $0x1  }
0x17: {  	s19 =	spop (v2sf);
	(v2sf) =	vpush v2, $0x6;
	_ =	sdelay $0x2  }
0x18: {  	s21 =	spop (v2sf);
	(v2sf) =	vpush v2, $0x7;
	_ =	sdelay $0x7  }
0x19: {  	s23 =	spop (v2sf);
	(v2sf) =	vpush v2, $0x8;
	_ =	sdelay $0x1  }
0x1a: {  	s25 =	spop (v2sf);
	(v2sf) =	vpush v2, $0x9;
	_ =	sdelay $0x1  }
0x1b: {  	s28 =	spop (v2sf);
	(v2sf) =	vpush v2, $0xA;
	_ =	sdelay $0x2  }
0x1c: {  	s30 =	spop (v2sf);
	(v2sf) =	vpush v2, $0xB;
	_ =	sdelay $0x3  }
0x1d: {  	v3 =	vld [tilespmem:s11+$0xFFFFFFF0];
	s13 =	sshra.s32 s12, $0x2;
	s14 =	sand.u32 $0x1FFFFFF0, s14  }
0x1e: {  	v1 =	vld [tilespmem:s11+$0x0];
	s15 =	sadd.s32 $0x200, s13;
	s14 =	sadd.s32 s3, s14  }
0x1f: {  	v62 =	vld [tilespmem:s11+$0x10];
	[tilespmem:s15], [sflag:$0x1] =	stream.linear.gather [hbm4b:s14+s2], $0x80, $0x38  }
0x20: {  	s14 =	sand.u32 $0x1FFFFFF0, s17  }
0x21: {  	s18 =	sadd.s32 $0x280, s13;
	s14 =	sadd.s32 s3, s14;
	s15 =	spop (v2sf);
	(v2sf) =	vpush v2, $0xC  }
0x22: {  	[tilespmem:s18], [sflag:$0x1] =	stream.linear.gather [hbm4b:s14+s2], $0x80, $0x38;
	[tilespmem:$0x10200] =	vst v63  }
0x23: {  	s17 =	spop (v2sf);
	(v2sf) =	vpush v2, $0xD  }
0x24: {  	s14 =	sand.u32 $0x1FFFFFF0, s19  }
0x25: {  	s20 =	sadd.s32 $0x300, s13;
	s14 =	sadd.s32 s3, s14;
	s19 =	spop (v2sf);
	(v2sf) =	vpush v2, $0xE  }
0x26: {  	[tilespmem:s20], [sflag:$0x1] =	stream.linear.gather [hbm4b:s14+s2], $0x80, $0x38;
	[tilespmem:$0x10200] =	vst v63  }
0x27: {  	s14 =	sand.u32 $0x1FFFFFF0, s21  }
0x28: {  	s22 =	sadd.s32 $0x380, s13;
	s14 =	sadd.s32 s3, s14;
	s21 =	spop (v2sf);
	(v2sf) =	vpush v2, $0xF  }
0x29: {  	[tilespmem:s22], [sflag:$0x1] =	stream.linear.gather [hbm4b:s14+s2], $0x80, $0x38;
	[tilespmem:$0x10200] =	vst v63  }
0x2a: {  	s14 =	sand.u32 $0x1FFFFFF0, s23  }
0x2b: {  	s24 =	sadd.s32 $0x400, s13;
	s14 =	sadd.s32 s3, s14  }
0x2c: {  	[tilespmem:s24], [sflag:$0x1] =	stream.linear.gather [hbm4b:s14+s2], $0x80, $0x38;
	[tilespmem:$0x10200] =	vst v63  }
0x2d: {  	s14 =	sand.u32 $0x1FFFFFF0, s25  }
0x2e: {  	s26 =	sadd.s32 $0x480, s13;
	s14 =	sadd.s32 s3, s14  }
0x2f: {  	v63 =	vshll.u32 v3, $0x4;
	[tilespmem:s26], [sflag:$0x1] =	stream.linear.gather [hbm4b:s14+s2], $0x80, $0x38;
	[tilespmem:$0x10200] =	vst v63  }
0x30: {  	s23 =	spop (v2sf);
	(v2sf) =	vpush v63, $0x0  }
0x31: {  	s14 =	sand.u32 $0x1FFFFFF0, s28  }
0x32: {  	s29 =	sadd.s32 $0x500, s13;
	s14 =	sadd.s32 s3, s14;
	s25 =	spop (v2sf);
	(v2sf) =	vpush v63, $0x1  }
0x33: {  	[tilespmem:s29], [sflag:$0x1] =	stream.linear.gather [hbm4b:s14+s2], $0x80, $0x38;
	[tilespmem:$0x10200] =	vst v63  }
0x34: {  	s14 =	sand.u32 $0x1FFFFFF0, s30;
	s28 =	spop (v2sf);
	(v2sf) =	vpush v63, $0x2  }
0x35: {  	s31 =	sadd.s32 $0x580, s13;
	s14 =	sadd.s32 s3, s14  }
0x36: {  	[tilespmem:s31], [sflag:$0x1] =	stream.linear.gather [hbm4b:s14+s2], $0x80, $0x38;
	[tilespmem:$0x10200] =	vst v63  }
0x37: {  	s30 =	spop (v2sf);
	(v2sf) =	vpush v63, $0x3  }
0x38: {  	s14 =	sand.u32 $0x1FFFFFF0, s15  }
0x39: {  	s16 =	sadd.s32 $0x600, s13;
	s14 =	sadd.s32 s3, s14  }
0x3a: {  	[tilespmem:s16], [sflag:$0x1] =	stream.linear.gather [hbm4b:s14+s2], $0x80, $0x38;
	[tilespmem:$0x10200] =	vst v63  }
0x3b: {  	s14 =	sand.u32 $0x1FFFFFF0, s17  }
0x3c: {  	s18 =	sadd.s32 $0x680, s13;
	s14 =	sadd.s32 s3, s14  }
0x3d: {  	[tilespmem:s18], [sflag:$0x1] =	stream.linear.gather [hbm4b:s14+s2], $0x80, $0x38;
	[tilespmem:$0x10200] =	vst v63  }
0x3e: {  	s14 =	sand.u32 $0x1FFFFFF0, s19  }
0x3f: {  	s20 =	sadd.s32 $0x700, s13;
	s14 =	sadd.s32 s3, s14;
	s15 =	spop (v2sf);
	(v2sf) =	vpush v63, $0x4  }
0x40: {  	[tilespmem:s20], [sflag:$0x1] =	stream.linear.gather [hbm4b:s14+s2], $0x80, $0x38;
	[tilespmem:$0x10200] =	vst v63  }
0x41: {  	s17 =	spop (v2sf);
	(v2sf) =	vpush v63, $0x5  }
0x42: {  	s14 =	sand.u32 $0x1FFFFFF0, s21  }
0x43: {  	s22 =	sadd.s32 $0x780, s13;
	s14 =	sadd.s32 s3, s14;
	s19 =	spop (v2sf);
	(v2sf) =	vpush v63, $0x6  }
0x44: {  	[tilespmem:s22], [sflag:$0x1] =	stream.linear.gather [hbm4b:s14+s2], $0x80, $0x38;
	[tilespmem:$0x10200] =	vst v63  }
0x45: {  	s14 =	sand.u32 $0x1FFFFFF0, s23  }
0x46: {  	s24 =	sadd.s32 $0x800, s13;
	s14 =	sadd.s32 s3, s14;
	s21 =	spop (v2sf);
	(v2sf) =	vpush v63, $0x7  }
0x47: {  	[tilespmem:s24], [sflag:$0x1] =	stream.linear.gather [hbm4b:s14+s2], $0x80, $0x38;
	[tilespmem:$0x10200] =	vst v63  }
0x48: {  	s14 =	sand.u32 $0x1FFFFFF0, s25  }
0x49: {  	s26 =	sadd.s32 $0x880, s13;
	s14 =	sadd.s32 s3, s14  }
0x4a: {  	[tilespmem:s26], [sflag:$0x1] =	stream.linear.gather [hbm4b:s14+s2], $0x80, $0x38;
	[tilespmem:$0x10200] =	vst v63  }
0x4b: {  	s14 =	sand.u32 $0x1FFFFFF0, s28  }
0x4c: {  	s29 =	sadd.s32 $0x900, s13;
	s14 =	sadd.s32 s3, s14  }
0x4d: {  	[tilespmem:s29], [sflag:$0x1] =	stream.linear.gather [hbm4b:s14+s2], $0x80, $0x38;
	[tilespmem:$0x10200] =	vst v63  }
0x4e: {  	s23 =	spop (v2sf);
	(v2sf) =	vpush v63, $0x8  }
0x4f: {  	s14 =	sand.u32 $0x1FFFFFF0, s30  }
0x50: {  	s31 =	sadd.s32 $0x980, s13;
	s14 =	sadd.s32 s3, s14;
	s25 =	spop (v2sf);
	(v2sf) =	vpush v63, $0x9  }
0x51: {  	[tilespmem:s31], [sflag:$0x1] =	stream.linear.gather [hbm4b:s14+s2], $0x80, $0x38;
	[tilespmem:$0x10200] =	vst v63  }
0x52: {  	s14 =	sand.u32 $0x1FFFFFF0, s15;
	s28 =	spop (v2sf);
	(v2sf) =	vpush v63, $0xA  }
0x53: {  	s16 =	sadd.s32 $0xA00, s13;
	s14 =	sadd.s32 s3, s14  }
0x54: {  	[tilespmem:s16], [sflag:$0x1] =	stream.linear.gather [hbm4b:s14+s2], $0x80, $0x38;
	[tilespmem:$0x10200] =	vst v63  }
0x55: {  	s30 =	spop (v2sf);
	(v2sf) =	vpush v63, $0xB  }
0x56: {  	s14 =	sand.u32 $0x1FFFFFF0, s17  }
0x57: {  	s18 =	sadd.s32 $0xA80, s13;
	s14 =	sadd.s32 s3, s14  }
0x58: {  	[tilespmem:s18], [sflag:$0x1] =	stream.linear.gather [hbm4b:s14+s2], $0x80, $0x38;
	[tilespmem:$0x10200] =	vst v63  }
0x59: {  	s14 =	sand.u32 $0x1FFFFFF0, s19  }
0x5a: {  	s20 =	sadd.s32 $0xB00, s13;
	s14 =	sadd.s32 s3, s14  }
0x5b: {  	[tilespmem:s20], [sflag:$0x1] =	stream.linear.gather [hbm4b:s14+s2], $0x80, $0x38;
	[tilespmem:$0x10200] =	vst v63  }
0x5c: {  	s14 =	sand.u32 $0x1FFFFFF0, s21  }
0x5d: {  	s22 =	sadd.s32 $0xB80, s13;
	s14 =	sadd.s32 s3, s14;
	s15 =	spop (v2sf);
	(v2sf) =	vpush v63, $0xC  }
0x5e: {  	[tilespmem:s22], [sflag:$0x1] =	stream.linear.gather [hbm4b:s14+s2], $0x80, $0x38;
	[tilespmem:$0x10200] =	vst v63  }
0x5f: {  	s17 =	spop (v2sf);
	(v2sf) =	vpush v63, $0xD  }
0x60: {  	s14 =	sand.u32 $0x1FFFFFF0, s23  }
0x61: {  	s24 =	sadd.s32 $0xC00, s13;
	s14 =	sadd.s32 s3, s14;
	s19 =	spop (v2sf);
	(v2sf) =	vpush v63, $0xE  }
0x62: {  	[tilespmem:s24], [sflag:$0x1] =	stream.linear.gather [hbm4b:s14+s2], $0x80, $0x38;
	[tilespmem:$0x10200] =	vst v63  }
0x63: {  	s14 =	sand.u32 $0x1FFFFFF0, s25  }
0x64: {  	s26 =	sadd.s32 $0xC80, s13;
	s14 =	sadd.s32 s3, s14;
	s21 =	spop (v2sf);
	(v2sf) =	vpush v63, $0xF  }
0x65: {  	[tilespmem:s26], [sflag:$0x1] =	stream.linear.gather [hbm4b:s14+s2], $0x80, $0x38;
	[tilespmem:$0x10200] =	vst v63  }
0x66: {  	s14 =	sand.u32 $0x1FFFFFF0, s28  }
0x67: {  	s29 =	sadd.s32 $0xD00, s13;
	s14 =	sadd.s32 s3, s14  }
0x68: {  	[tilespmem:s29], [sflag:$0x1] =	stream.linear.gather [hbm4b:s14+s2], $0x80, $0x38;
	[tilespmem:$0x10200] =	vst v63  }
0x69: {  	s14 =	sand.u32 $0x1FFFFFF0, s30  }
0x6a: {  	s31 =	sadd.s32 $0xD80, s13;
	s14 =	sadd.s32 s3, s14  }
0x6b: {  	v1 =	vshll.u32 v1, $0x4;
	[tilespmem:s31], [sflag:$0x1] =	stream.linear.gather [hbm4b:s14+s2], $0x80, $0x38;
	[tilespmem:$0x10200] =	vst v63  }
0x6c: {  	s23 =	spop (v2sf);
	(v2sf) =	vpush v1, $0x0  }
0x6d: {  	s14 =	sand.u32 $0x1FFFFFF0, s15  }
0x6e: {  	s16 =	sadd.s32 $0xE00, s13;
	s14 =	sadd.s32 s3, s14;
	s25 =	spop (v2sf);
	(v2sf) =	vpush v1, $0x1  }
0x6f: {  	[tilespmem:s16], [sflag:$0x1] =	stream.linear.gather [hbm4b:s14+s2], $0x80, $0x38;
	[tilespmem:$0x10200] =	vst v63  }
0x70: {  	s14 =	sand.u32 $0x1FFFFFF0, s17;
	s28 =	spop (v2sf);
	(v2sf) =	vpush v1, $0x2  }
0x71: {  	s18 =	sadd.s32 $0xE80, s13;
	s14 =	sadd.s32 s3, s14  }
0x72: {  	[tilespmem:s18], [sflag:$0x1] =	stream.linear.gather [hbm4b:s14+s2], $0x80, $0x38;
	[tilespmem:$0x10200] =	vst v63  }
0x73: {  	s30 =	spop (v2sf);
	(v2sf) =	vpush v1, $0x3  }
0x74: {  	s14 =	sand.u32 $0x1FFFFFF0, s19  }
0x75: {  	s20 =	sadd.s32 $0xF00, s13;
	s14 =	sadd.s32 s3, s14  }
0x76: {  	[tilespmem:s20], [sflag:$0x1] =	stream.linear.gather [hbm4b:s14+s2], $0x80, $0x38;
	[tilespmem:$0x10200] =	vst v63  }
0x77: {  	s14 =	sand.u32 $0x1FFFFFF0, s21  }
0x78: {  	s22 =	sadd.s32 $0xF80, s13;
	s14 =	sadd.s32 s3, s14  }
0x79: {  	[tilespmem:s22], [sflag:$0x1] =	stream.linear.gather [hbm4b:s14+s2], $0x80, $0x38;
	[tilespmem:$0x10200] =	vst v63  }
0x7a: {  	s14 =	sand.u32 $0x1FFFFFF0, s23  }
0x7b: {  	s24 =	sadd.s32 $0x1000, s13;
	s14 =	sadd.s32 s3, s14;
	s15 =	spop (v2sf);
	(v2sf) =	vpush v1, $0x4  }
0x7c: {  	[tilespmem:s24], [sflag:$0x1] =	stream.linear.gather [hbm4b:s14+s2], $0x80, $0x38;
	[tilespmem:$0x10200] =	vst v63  }
0x7d: {  	s17 =	spop (v2sf);
	(v2sf) =	vpush v1, $0x5  }
0x7e: {  	s14 =	sand.u32 $0x1FFFFFF0, s25  }
0x7f: {  	s26 =	sadd.s32 $0x1080, s13;
	s14 =	sadd.s32 s3, s14;
	s19 =	spop (v2sf);
	(v2sf) =	vpush v1, $0x6  }
0x80: {  	[tilespmem:s26], [sflag:$0x1] =	stream.linear.gather [hbm4b:s14+s2], $0x80, $0x38;
	[tilespmem:$0x10200] =	vst v63  }
0x81: {  	s14 =	sand.u32 $0x1FFFFFF0, s28  }
0x82: {  	s29 =	sadd.s32 $0x1100, s13;
	s14 =	sadd.s32 s3, s14;
	s21 =	spop (v2sf);
	(v2sf) =	vpush v1, $0x7  }
0x83: {  	[tilespmem:s29], [sflag:$0x1] =	stream.linear.gather [hbm4b:s14+s2], $0x80, $0x38;
	[tilespmem:$0x10200] =	vst v63  }
0x84: {  	s14 =	sand.u32 $0x1FFFFFF0, s30  }
0x85: {  	s31 =	sadd.s32 $0x1180, s13;
	s14 =	sadd.s32 s3, s14  }
0x86: {  	[tilespmem:s31], [sflag:$0x1] =	stream.linear.gather [hbm4b:s14+s2], $0x80, $0x38;
	[tilespmem:$0x10200] =	vst v63  }
0x87: {  	s14 =	sand.u32 $0x1FFFFFF0, s15  }
0x88: {  	s16 =	sadd.s32 $0x1200, s13;
	s14 =	sadd.s32 s3, s14  }
0x89: {  	[tilespmem:s16], [sflag:$0x1] =	stream.linear.gather [hbm4b:s14+s2], $0x80, $0x38;
	[tilespmem:$0x10200] =	vst v63  }
0x8a: {  	s23 =	spop (v2sf);
	(v2sf) =	vpush v1, $0x8  }
0x8b: {  	s14 =	sand.u32 $0x1FFFFFF0, s17  }
0x8c: {  	s18 =	sadd.s32 $0x1280, s13;
	s14 =	sadd.s32 s3, s14;
	s25 =	spop (v2sf);
	(v2sf) =	vpush v1, $0x9  }
0x8d: {  	[tilespmem:s18], [sflag:$0x1] =	stream.linear.gather [hbm4b:s14+s2], $0x80, $0x38;
	[tilespmem:$0x10200] =	vst v63  }
0x8e: {  	s14 =	sand.u32 $0x1FFFFFF0, s19;
	s28 =	spop (v2sf);
	(v2sf) =	vpush v1, $0xA  }
0x8f: {  	s20 =	sadd.s32 $0x1300, s13;
	s14 =	sadd.s32 s3, s14  }
0x90: {  	[tilespmem:s20], [sflag:$0x1] =	stream.linear.gather [hbm4b:s14+s2], $0x80, $0x38;
	[tilespmem:$0x10200] =	vst v63  }
0x91: {  	s30 =	spop (v2sf);
	(v2sf) =	vpush v1, $0xB  }
0x92: {  	s14 =	sand.u32 $0x1FFFFFF0, s21  }
0x93: {  	s22 =	sadd.s32 $0x1380, s13;
	s14 =	sadd.s32 s3, s14  }
0x94: {  	[tilespmem:s22], [sflag:$0x1] =	stream.linear.gather [hbm4b:s14+s2], $0x80, $0x38;
	[tilespmem:$0x10200] =	vst v63  }
0x95: {  	s14 =	sand.u32 $0x1FFFFFF0, s23  }
0x96: {  	s24 =	sadd.s32 $0x1400, s13;
	s14 =	sadd.s32 s3, s14  }
0x97: {  	[tilespmem:s24], [sflag:$0x1] =	stream.linear.gather [hbm4b:s14+s2], $0x80, $0x38;
	[tilespmem:$0x10200] =	vst v63  }
0x98: {  	s14 =	sand.u32 $0x1FFFFFF0, s25  }
0x99: {  	s26 =	sadd.s32 $0x1480, s13;
	s14 =	sadd.s32 s3, s14;
	s15 =	spop (v2sf);
	(v2sf) =	vpush v1, $0xC  }
0x9a: {  	[tilespmem:s26], [sflag:$0x1] =	stream.linear.gather [hbm4b:s14+s2], $0x80, $0x38;
	[tilespmem:$0x10200] =	vst v63  }
0x9b: {  	s17 =	spop (v2sf);
	(v2sf) =	vpush v1, $0xD  }
0x9c: {  	s14 =	sand.u32 $0x1FFFFFF0, s28  }
0x9d: {  	s29 =	sadd.s32 $0x1500, s13;
	s14 =	sadd.s32 s3, s14;
	s19 =	spop (v2sf);
	(v2sf) =	vpush v1, $0xE  }
0x9e: {  	[tilespmem:s29], [sflag:$0x1] =	stream.linear.gather [hbm4b:s14+s2], $0x80, $0x38;
	[tilespmem:$0x10200] =	vst v63  }
0x9f: {  	s14 =	sand.u32 $0x1FFFFFF0, s30  }
0xa0: {  	s31 =	sadd.s32 $0x1580, s13;
	s14 =	sadd.s32 s3, s14;
	s21 =	spop (v2sf);
	(v2sf) =	vpush v1, $0xF  }
0xa1: {  	[tilespmem:s31], [sflag:$0x1] =	stream.linear.gather [hbm4b:s14+s2], $0x80, $0x38;
	[tilespmem:$0x10200] =	vst v63  }
0xa2: {  	s14 =	sand.u32 $0x1FFFFFF0, s15  }
0xa3: {  	s16 =	sadd.s32 $0x1600, s13;
	s14 =	sadd.s32 s3, s14  }
0xa4: {  	[tilespmem:s16], [sflag:$0x1] =	stream.linear.gather [hbm4b:s14+s2], $0x80, $0x38;
	[tilespmem:$0x10200] =	vst v63  }
0xa5: {  	s14 =	sand.u32 $0x1FFFFFF0, s17  }
0xa6: {  	s18 =	sadd.s32 $0x1680, s13;
	s14 =	sadd.s32 s3, s14  }
0xa7: {  	v0 =	vshll.u32 v62, $0x4;
	[tilespmem:s18], [sflag:$0x1] =	stream.linear.gather [hbm4b:s14+s2], $0x80, $0x38;
	[tilespmem:$0x10200] =	vst v63  }
0xa8: {  	s23 =	spop (v2sf);
	(v2sf) =	vpush v0, $0x0  }
0xa9: {  	s14 =	sand.u32 $0x1FFFFFF0, s19  }
0xaa: {  	s20 =	sadd.s32 $0x1700, s13;
	s14 =	sadd.s32 s3, s14;
	s25 =	spop (v2sf);
	(v2sf) =	vpush v0, $0x1  }
0xab: {  	[tilespmem:s20], [sflag:$0x1] =	stream.linear.gather [hbm4b:s14+s2], $0x80, $0x38;
	[tilespmem:$0x10200] =	vst v63  }
0xac: {  	s14 =	sand.u32 $0x1FFFFFF0, s21;
	s28 =	spop (v2sf);
	(v2sf) =	vpush v0, $0x2  }
0xad: {  	s22 =	sadd.s32 $0x1780, s13;
	s14 =	sadd.s32 s3, s14  }
0xae: {  	[tilespmem:s22], [sflag:$0x1] =	stream.linear.gather [hbm4b:s14+s2], $0x80, $0x38;
	[tilespmem:$0x10200] =	vst v63  }
0xaf: {  	s30 =	spop (v2sf);
	(v2sf) =	vpush v0, $0x3  }
0xb0: {  	s14 =	sand.u32 $0x1FFFFFF0, s23  }
0xb1: {  	s24 =	sadd.s32 $0x1800, s13;
	s14 =	sadd.s32 s3, s14  }
0xb2: {  	[tilespmem:s24], [sflag:$0x1] =	stream.linear.gather [hbm4b:s14+s2], $0x80, $0x38;
	[tilespmem:$0x10200] =	vst v63  }
0xb3: {  	s14 =	sand.u32 $0x1FFFFFF0, s25  }
0xb4: {  	s26 =	sadd.s32 $0x1880, s13;
	s14 =	sadd.s32 s3, s14  }
0xb5: {  	[tilespmem:s26], [sflag:$0x1] =	stream.linear.gather [hbm4b:s14+s2], $0x80, $0x38;
	[tilespmem:$0x10200] =	vst v63  }
0xb6: {  	s14 =	sand.u32 $0x1FFFFFF0, s28  }
0xb7: {  	s29 =	sadd.s32 $0x1900, s13;
	s14 =	sadd.s32 s3, s14;
	s15 =	spop (v2sf);
	(v2sf) =	vpush v0, $0x4  }
0xb8: {  	[tilespmem:s29], [sflag:$0x1] =	stream.linear.gather [hbm4b:s14+s2], $0x80, $0x38;
	[tilespmem:$0x10200] =	vst v63  }
0xb9: {  	s17 =	spop (v2sf);
	(v2sf) =	vpush v0, $0x5  }
0xba: {  	s14 =	sand.u32 $0x1FFFFFF0, s30  }
0xbb: {  	s31 =	sadd.s32 $0x1980, s13;
	s14 =	sadd.s32 s3, s14;
	s19 =	spop (v2sf);
	(v2sf) =	vpush v0, $0x6  }
0xbc: {  	[tilespmem:s31], [sflag:$0x1] =	stream.linear.gather [hbm4b:s14+s2], $0x80, $0x38;
	[tilespmem:$0x10200] =	vst v63  }
0xbd: {  	s14 =	sand.u32 $0x1FFFFFF0, s15  }
0xbe: {  	s16 =	sadd.s32 $0x1A00, s13;
	s14 =	sadd.s32 s3, s14;
	s21 =	spop (v2sf);
	(v2sf) =	vpush v0, $0x7  }
0xbf: {  	[tilespmem:s16], [sflag:$0x1] =	stream.linear.gather [hbm4b:s14+s2], $0x80, $0x38;
	[tilespmem:$0x10200] =	vst v63  }
0xc0: {  	s14 =	sand.u32 $0x1FFFFFF0, s17  }
0xc1: {  	s18 =	sadd.s32 $0x1A80, s13;
	s14 =	sadd.s32 s3, s14  }
0xc2: {  	[tilespmem:s18], [sflag:$0x1] =	stream.linear.gather [hbm4b:s14+s2], $0x80, $0x38;
	[tilespmem:$0x10200] =	vst v63  }
0xc3: {  	s14 =	sand.u32 $0x1FFFFFF0, s19  }
0xc4: {  	s20 =	sadd.s32 $0x1B00, s13;
	s14 =	sadd.s32 s3, s14  }
0xc5: {  	[tilespmem:s20], [sflag:$0x1] =	stream.linear.gather [hbm4b:s14+s2], $0x80, $0x38;
	[tilespmem:$0x10200] =	vst v63  }
0xc6: {  	s23 =	spop (v2sf);
	(v2sf) =	vpush v0, $0x8  }
0xc7: {  	s14 =	sand.u32 $0x1FFFFFF0, s21  }
0xc8: {  	s22 =	sadd.s32 $0x1B80, s13;
	s14 =	sadd.s32 s3, s14;
	s25 =	spop (v2sf);
	(v2sf) =	vpush v0, $0x9  }
0xc9: {  	[tilespmem:s22], [sflag:$0x1] =	stream.linear.gather [hbm4b:s14+s2], $0x80, $0x38;
	[tilespmem:$0x10200] =	vst v63  }
0xca: {  	s14 =	sand.u32 $0x1FFFFFF0, s23;
	s28 =	spop (v2sf);
	(v2sf) =	vpush v0, $0xA  }
0xcb: {  	s24 =	sadd.s32 $0x1C00, s13;
	s14 =	sadd.s32 s3, s14  }
0xcc: {  	[tilespmem:s24], [sflag:$0x1] =	stream.linear.gather [hbm4b:s14+s2], $0x80, $0x38;
	[tilespmem:$0x10200] =	vst v63  }
0xcd: {  	s30 =	spop (v2sf);
	(v2sf) =	vpush v0, $0xB  }
0xce: {  	s14 =	sand.u32 $0x1FFFFFF0, s25  }
0xcf: {  	s26 =	sadd.s32 $0x1C80, s13;
	s14 =	sadd.s32 s3, s14  }
0xd0: {  	[tilespmem:s26], [sflag:$0x1] =	stream.linear.gather [hbm4b:s14+s2], $0x80, $0x38;
	[tilespmem:$0x10200] =	vst v63  }
0xd1: {  	s14 =	sand.u32 $0x1FFFFFF0, s28  }
0xd2: {  	s29 =	sadd.s32 $0x1D00, s13;
	s14 =	sadd.s32 s3, s14  }
0xd3: {  	[tilespmem:s29], [sflag:$0x1] =	stream.linear.gather [hbm4b:s14+s2], $0x80, $0x38;
	[tilespmem:$0x10200] =	vst v63  }
0xd4: {  	s14 =	sand.u32 $0x1FFFFFF0, s30  }
0xd5: {  	s31 =	sadd.s32 $0x1D80, s13;
	s14 =	sadd.s32 s3, s14;
	s16 =	spop (v2sf);
	(v2sf) =	vpush v0, $0xC  }
0xd6: {  	[tilespmem:s31], [sflag:$0x1] =	stream.linear.gather [hbm4b:s14+s2], $0x80, $0x38;
	[tilespmem:$0x10200] =	vst v63  }
0xd7: {  	s18 =	spop (v2sf);
	(v2sf) =	vpush v0, $0xD  }
0xd8: {  	s14 =	sand.u32 $0x1FFFFFF0, s16  }
0xd9: {  	s17 =	sadd.s32 $0x1E00, s13;
	s14 =	sadd.s32 s3, s14;
	s20 =	spop (v2sf)  }
0xda: {  	(v2sf) =	vpush v0, $0xE;
	[tilespmem:s17], [sflag:$0x1] =	stream.linear.gather [hbm4b:s14+s2], $0x80, $0x38;
	[tilespmem:$0x10200] =	vst v63  }
0xdb: {  	s14 =	sand.u32 $0x1FFFFFF0, s18  }
0xdc: {  	s19 =	sadd.s32 $0x1E80, s13;
	s22 =	spop (v2sf);
	s14 =	sadd.s32 s3, s14  }
0xdd: {  	(v2sf) =	vpush v0, $0xF;
	[tilespmem:s19], [sflag:$0x1] =	stream.linear.gather [hbm4b:s14+s2], $0x80, $0x38;
	[tilespmem:$0x10200] =	vst v63  }
0xde: {  	s14 =	sand.u32 $0x1FFFFFF0, s20  }
0xdf: {  	s21 =	sadd.s32 $0x1F00, s13;
	s14 =	sadd.s32 s3, s14  }
0xe0: {  	[tilespmem:s21], [sflag:$0x1] =	stream.linear.gather [hbm4b:s14+s2], $0x80, $0x38;
	[tilespmem:$0x10200] =	vst v63  }
0xe1: {  	s14 =	sand.u32 $0x1FFFFFF0, s22  }
0xe2: {  	s23 =	sadd.s32 $0x1F80, s13;
	s14 =	sadd.s32 s3, s14  }
0xe3: {  	[tilespmem:s23], [sflag:$0x1] =	stream.linear.gather [hbm4b:s14+s2], $0x80, $0x38;
	[tilespmem:$0x10200] =	vst v63  }
0xe4: {  	s24 =	spop (v2sf)  }
0xe5: {  	s14 =	sand.u32 $0x1FFFFFF0, s24  }
0xe6: {  	s25 =	sadd.s32 $0x2000, s13;
	s26 =	spop (v2sf);
	s14 =	sadd.s32 s3, s14  }
0xe7: {  	[tilespmem:s25], [sflag:$0x1] =	stream.linear.gather [hbm4b:s14+s2], $0x80, $0x38;
	[tilespmem:$0x10200] =	vst v63  }
0xe8: {  	s14 =	sand.u32 $0x1FFFFFF0, s26  }
0xe9: {  	s28 =	sadd.s32 $0x2080, s13;
	s29 =	spop (v2sf);
	s14 =	sadd.s32 s3, s14  }
0xea: {  	[tilespmem:s28], [sflag:$0x1] =	stream.linear.gather [hbm4b:s14+s2], $0x80, $0x38;
	[tilespmem:$0x10200] =	vst v63  }
0xeb: {  	s14 =	sand.u32 $0x1FFFFFF0, s29  }
0xec: {  	s30 =	sadd.s32 $0x2100, s13;
	s31 =	spop (v2sf);
	s14 =	sadd.s32 s3, s14  }
0xed: {  	[tilespmem:s30], [sflag:$0x1] =	stream.linear.gather [hbm4b:s14+s2], $0x80, $0x38;
	[tilespmem:$0x10200] =	vst v63  }
0xee: {  	s14 =	sand.u32 $0x1FFFFFF0, s31  }
0xef: {  	s13 =	sadd.s32 $0x2180, s13;
	s14 =	sadd.s32 s3, s14  }
0xf0: {  	[tilespmem:s13], [sflag:$0x1] =	stream.linear.gather [hbm4b:s14+s2], $0x80, $0x38;
	[tilespmem:$0x10200] =	vst v63  }
0xf1: {  	_ =	swait.ge [sflag:s8], $0x80  }
0xf2: {  	[sflag:s8] =	ssyncset.done $0x0  }
0xf3: {  	[sflag:s8] =	ssyncadd.s32 $0xFFFFFF80  }
0xf4: {  	_ =	swait.ge [sflag:s8], $0x80  }
0xf5: {  	[sflag:s8] =	ssyncset.done $0x0  }
0xf6: {  	[sflag:s8] =	ssyncadd.s32 $0xFFFFFF80  }
0xf7: {  	_ =	swait.ge [sflag:s8], $0x80  }
0xf8: {  	[sflag:s8] =	ssyncset.done $0x0  }
0xf9: {  	[sflag:s8] =	ssyncadd.s32 $0xFFFFFF80  }
0xfa: {  	_ =	swait.ge [sflag:s8], $0x80  }
0xfb: {  	[sflag:s8] =	ssyncset.done $0x0  }
0xfc: {  	[sflag:s8] =	ssyncadd.s32 $0xFFFFFF80  }
0xfd: {  	_ =	swait.ge [sflag:s8], $0x80  }
0xfe: {  	[sflag:s8] =	ssyncset.done $0x0  }
0xff: {  	[sflag:s8] =	ssyncadd.s32 $0xFFFFFF80  }
0x100: {  	_ =	swait.ge [sflag:s8], $0x80  }
0x101: {  	[sflag:s8] =	ssyncset.done $0x0  }
0x102: {  	[sflag:s8] =	ssyncadd.s32 $0xFFFFFF80  }
0x103: {  	_ =	swait.ge [sflag:s8], $0x80  }
0x104: {  	[sflag:s8] =	ssyncset.done $0x0  }
0x105: {  	[sflag:s8] =	ssyncadd.s32 $0xFFFFFF80  }
0x106: {  	_ =	swait.ge [sflag:s8], $0x80  }
0x107: {  	[sflag:s8] =	ssyncset.done $0x0  }
0x108: {  	[sflag:s8] =	ssyncadd.s32 $0xFFFFFF80  }
0x109: {  	_ =	swait.ge [sflag:s8], $0x80  }
0x10a: {  	[sflag:s8] =	ssyncset.done $0x0  }
0x10b: {  	[sflag:s8] =	ssyncadd.s32 $0xFFFFFF80  }
0x10c: {  	_ =	swait.ge [sflag:s8], $0x80  }
0x10d: {  	[sflag:s8] =	ssyncset.done $0x0  }
0x10e: {  	[sflag:s8] =	ssyncadd.s32 $0xFFFFFF80  }
0x10f: {  	_ =	swait.ge [sflag:s8], $0x80  }
0x110: {  	[sflag:s8] =	ssyncset.done $0x0  }
0x111: {  	[sflag:s8] =	ssyncadd.s32 $0xFFFFFF80  }
0x112: {  	_ =	swait.ge [sflag:s8], $0x80  }
0x113: {  	[sflag:s8] =	ssyncset.done $0x0  }
0x114: {  	[sflag:s8] =	ssyncadd.s32 $0xFFFFFF80  }
0x115: {  	_ =	swait.ge [sflag:s8], $0x80  }
0x116: {  	[sflag:s8] =	ssyncset.done $0x0  }
0x117: {  	[sflag:s8] =	ssyncadd.s32 $0xFFFFFF80  }
0x118: {  	_ =	swait.ge [sflag:s8], $0x80  }
0x119: {  	[sflag:s8] =	ssyncset.done $0x0  }
0x11a: {  	[sflag:s8] =	ssyncadd.s32 $0xFFFFFF80  }
0x11b: {  	_ =	swait.ge [sflag:s8], $0x80  }
0x11c: {  	[sflag:s8] =	ssyncset.done $0x0  }
0x11d: {  	[sflag:s8] =	ssyncadd.s32 $0xFFFFFF80  }
0x11e: {  	_ =	swait.ge [sflag:s8], $0x80  }
0x11f: {  	[sflag:s8] =	ssyncset.done $0x0  }
0x120: {  	[sflag:s8] =	ssyncadd.s32 $0xFFFFFF80  }
0x121: {  	_ =	swait.ge [sflag:s8], $0x80  }
0x122: {  	[sflag:s8] =	ssyncset.done $0x0  }
0x123: {  	[sflag:s8] =	ssyncadd.s32 $0xFFFFFF80  }
0x124: {  	_ =	swait.ge [sflag:s8], $0x80  }
0x125: {  	[sflag:s8] =	ssyncset.done $0x0  }
0x126: {  	[sflag:s8] =	ssyncadd.s32 $0xFFFFFF80  }
0x127: {  	_ =	swait.ge [sflag:s8], $0x80  }
0x128: {  	[sflag:s8] =	ssyncset.done $0x0  }
0x129: {  	[sflag:s8] =	ssyncadd.s32 $0xFFFFFF80  }
0x12a: {  	_ =	swait.ge [sflag:s8], $0x80  }
0x12b: {  	[sflag:s8] =	ssyncset.done $0x0  }
0x12c: {  	[sflag:s8] =	ssyncadd.s32 $0xFFFFFF80  }
0x12d: {  	_ =	swait.ge [sflag:s8], $0x80  }
0x12e: {  	[sflag:s8] =	ssyncset.done $0x0  }
0x12f: {  	[sflag:s8] =	ssyncadd.s32 $0xFFFFFF80  }
0x130: {  	_ =	swait.ge [sflag:s8], $0x80  }
0x131: {  	[sflag:s8] =	ssyncset.done $0x0  }
0x132: {  	[sflag:s8] =	ssyncadd.s32 $0xFFFFFF80  }
0x133: {  	_ =	swait.ge [sflag:s8], $0x80  }
0x134: {  	[sflag:s8] =	ssyncset.done $0x0  }
0x135: {  	[sflag:s8] =	ssyncadd.s32 $0xFFFFFF80  }
0x136: {  	_ =	swait.ge [sflag:s8], $0x80  }
0x137: {  	[sflag:s8] =	ssyncset.done $0x0  }
0x138: {  	[sflag:s8] =	ssyncadd.s32 $0xFFFFFF80  }
0x139: {  	_ =	swait.ge [sflag:s8], $0x80  }
0x13a: {  	[sflag:s8] =	ssyncset.done $0x0  }
0x13b: {  	[sflag:s8] =	ssyncadd.s32 $0xFFFFFF80  }
0x13c: {  	_ =	swait.ge [sflag:s8], $0x80  }
0x13d: {  	[sflag:s8] =	ssyncset.done $0x0  }
0x13e: {  	[sflag:s8] =	ssyncadd.s32 $0xFFFFFF80  }
0x13f: {  	_ =	swait.ge [sflag:s8], $0x80  }
0x140: {  	[sflag:s8] =	ssyncset.done $0x0  }
0x141: {  	[sflag:s8] =	ssyncadd.s32 $0xFFFFFF80  }
0x142: {  	_ =	swait.ge [sflag:s8], $0x80  }
0x143: {  	[sflag:s8] =	ssyncset.done $0x0  }
0x144: {  	[sflag:s8] =	ssyncadd.s32 $0xFFFFFF80  }
0x145: {  	_ =	swait.ge [sflag:s8], $0x80  }
0x146: {  	[sflag:s8] =	ssyncset.done $0x0  }
0x147: {  	[sflag:s8] =	ssyncadd.s32 $0xFFFFFF80  }
0x148: {  	_ =	swait.ge [sflag:s8], $0x80  }
0x149: {  	[sflag:s8] =	ssyncset.done $0x0  }
0x14a: {  	[sflag:s8] =	ssyncadd.s32 $0xFFFFFF80  }
0x14b: {  	_ =	swait.ge [sflag:s8], $0x80  }
0x14c: {  	[sflag:s8] =	ssyncset.done $0x0  }
0x14d: {  	[sflag:s8] =	ssyncadd.s32 $0xFFFFFF80  }
0x14e: {  	_ =	swait.ge [sflag:s8], $0x80  }
0x14f: {  	[sflag:s8] =	ssyncset.done $0x0  }
0x150: {  	[sflag:s8] =	ssyncadd.s32 $0xFFFFFF80  }
0x151: {  	_ =	swait.ge [sflag:s8], $0x80  }
0x152: {  	[sflag:s8] =	ssyncset.done $0x0  }
0x153: {  	[sflag:s8] =	ssyncadd.s32 $0xFFFFFF80  }
0x154: {  	_ =	swait.ge [sflag:s8], $0x80  }
0x155: {  	[sflag:s8] =	ssyncset.done $0x0  }
0x156: {  	[sflag:s8] =	ssyncadd.s32 $0xFFFFFF80  }
0x157: {  	_ =	swait.ge [sflag:s8], $0x80  }
0x158: {  	[sflag:s8] =	ssyncset.done $0x0  }
0x159: {  	[sflag:s8] =	ssyncadd.s32 $0xFFFFFF80  }
0x15a: {  	_ =	swait.ge [sflag:s8], $0x80  }
0x15b: {  	[sflag:s8] =	ssyncset.done $0x0  }
0x15c: {  	[sflag:s8] =	ssyncadd.s32 $0xFFFFFF80  }
0x15d: {  	_ =	swait.ge [sflag:s8], $0x80  }
0x15e: {  	[sflag:s8] =	ssyncset.done $0x0  }
0x15f: {  	[sflag:s8] =	ssyncadd.s32 $0xFFFFFF80  }
0x160: {  	_ =	swait.ge [sflag:s8], $0x80  }
0x161: {  	[sflag:s8] =	ssyncset.done $0x0  }
0x162: {  	[sflag:s8] =	ssyncadd.s32 $0xFFFFFF80  }
0x163: {  	_ =	swait.ge [sflag:s8], $0x80  }
0x164: {  	[sflag:s8] =	ssyncset.done $0x0  }
0x165: {  	[sflag:s8] =	ssyncadd.s32 $0xFFFFFF80  }
0x166: {  	_ =	swait.ge [sflag:s8], $0x80  }
0x167: {  	[sflag:s8] =	ssyncset.done $0x0  }
0x168: {  	[sflag:s8] =	ssyncadd.s32 $0xFFFFFF80  }
0x169: {  	_ =	swait.ge [sflag:s8], $0x80  }
0x16a: {  	[sflag:s8] =	ssyncset.done $0x0  }
0x16b: {  	[sflag:s8] =	ssyncadd.s32 $0xFFFFFF80  }
0x16c: {  	_ =	swait.ge [sflag:s8], $0x80  }
0x16d: {  	[sflag:s8] =	ssyncset.done $0x0  }
0x16e: {  	[sflag:s8] =	ssyncadd.s32 $0xFFFFFF80  }
0x16f: {  	_ =	swait.ge [sflag:s8], $0x80  }
0x170: {  	[sflag:s8] =	ssyncset.done $0x0  }
0x171: {  	[sflag:s8] =	ssyncadd.s32 $0xFFFFFF80  }
0x172: {  	_ =	swait.ge [sflag:s8], $0x80  }
0x173: {  	[sflag:s8] =	ssyncset.done $0x0  }
0x174: {  	[sflag:s8] =	ssyncadd.s32 $0xFFFFFF80  }
0x175: {  	_ =	swait.ge [sflag:s8], $0x80  }
0x176: {  	[sflag:s8] =	ssyncset.done $0x0  }
0x177: {  	[sflag:s8] =	ssyncadd.s32 $0xFFFFFF80  }
0x178: {  	_ =	swait.ge [sflag:s8], $0x80  }
0x179: {  	[sflag:s8] =	ssyncset.done $0x0  }
0x17a: {  	[sflag:s8] =	ssyncadd.s32 $0xFFFFFF80  }
0x17b: {  	_ =	swait.ge [sflag:s8], $0x80  }
0x17c: {  	[sflag:s8] =	ssyncset.done $0x0  }
0x17d: {  	[sflag:s8] =	ssyncadd.s32 $0xFFFFFF80  }
0x17e: {  	_ =	swait.ge [sflag:s8], $0x80  }
0x17f: {  	[sflag:s8] =	ssyncset.done $0x0  }
0x180: {  	[sflag:s8] =	ssyncadd.s32 $0xFFFFFF80  }
0x181: {  	_ =	swait.ge [sflag:s8], $0x80  }
0x182: {  	[sflag:s8] =	ssyncset.done $0x0  }
0x183: {  	[sflag:s8] =	ssyncadd.s32 $0xFFFFFF80  }
0x184: {  	_ =	swait.ge [sflag:s8], $0x80  }
0x185: {  	[sflag:s8] =	ssyncset.done $0x0  }
0x186: {  	[sflag:s8] =	ssyncadd.s32 $0xFFFFFF80  }
0x187: {  	_ =	swait.ge [sflag:s8], $0x80  }
0x188: {  	[sflag:s8] =	ssyncset.done $0x0  }
0x189: {  	[sflag:s8] =	ssyncadd.s32 $0xFFFFFF80  }
0x18a: {  	_ =	swait.ge [sflag:s8], $0x80  }
0x18b: {  	[sflag:s8] =	ssyncset.done $0x0  }
0x18c: {  	[sflag:s8] =	ssyncadd.s32 $0xFFFFFF80  }
0x18d: {  	_ =	swait.ge [sflag:s8], $0x80  }
0x18e: {  	[sflag:s8] =	ssyncset.done $0x0  }
0x18f: {  	[sflag:s8] =	ssyncadd.s32 $0xFFFFFF80  }
0x190: {  	_ =	swait.ge [sflag:s8], $0x80  }
0x191: {  	[sflag:s8] =	ssyncset.done $0x0  }
0x192: {  	[sflag:s8] =	ssyncadd.s32 $0xFFFFFF80  }
0x193: {  	_ =	swait.ge [sflag:s8], $0x80  }
0x194: {  	[sflag:s8] =	ssyncset.done $0x0  }
0x195: {  	[sflag:s8] =	ssyncadd.s32 $0xFFFFFF80  }
0x196: {  	_ =	swait.ge [sflag:s8], $0x80  }
0x197: {  	[sflag:s8] =	ssyncset.done $0x0  }
0x198: {  	[sflag:s8] =	ssyncadd.s32 $0xFFFFFF80  }
0x199: {  	_ =	swait.ge [sflag:s8], $0x80  }
0x19a: {  	[sflag:s8] =	ssyncset.done $0x0  }
0x19b: {  	[sflag:s8] =	ssyncadd.s32 $0xFFFFFF80  }
0x19c: {  	_ =	swait.ge [sflag:s8], $0x80  }
0x19d: {  	[sflag:s8] =	ssyncset.done $0x0  }
0x19e: {  	[sflag:s8] =	ssyncadd.s32 $0xFFFFFF80  }
0x19f: {  	_ =	swait.ge [sflag:s8], $0x80  }
0x1a0: {  	[sflag:s8] =	ssyncset.done $0x0  }
0x1a1: {  	[sflag:s8] =	ssyncadd.s32 $0xFFFFFF80  }
0x1a2: {  	_ =	swait.ge [sflag:s8], $0x80  }
0x1a3: {  	[sflag:s8] =	ssyncset.done $0x0  }
0x1a4: {  	[sflag:s8] =	ssyncadd.s32 $0xFFFFFF80  }
0x1a5: {  	_ =	swait.ge [sflag:s8], $0x80  }
0x1a6: {  	[sflag:s8] =	ssyncset.done $0x0  }
0x1a7: {  	[sflag:s8] =	ssyncadd.s32 $0xFFFFFF80  }
0x1a8: {  	_ =	swait.ge [sflag:s8], $0x80  }
0x1a9: {  	[sflag:s8] =	ssyncset.done $0x0  }
0x1aa: {  	[sflag:s8] =	ssyncadd.s32 $0xFFFFFF80  }
0x1ab: {  	p0 =	sne.s32 s12, $0x38000;
	_ =	swait.ge [sflag:s8], $0x80  }
.Ltmp0:
0x1ac: {  	[sflag:s8] =	ssyncset.done $0x0;
	(pc) =	sbr.rel @p0 .LBB2_2-.Ltmp0, $4  }
0x1ad: {  	[sflag:s8] =	ssyncadd.s32 $0xFFFFFF80  }
0x1ae: {  	_ =	swait.ge [sflag:s8], $0x80  }
0x1af: {  	[sflag:s8] =	ssyncset.done $0x0  }
0x1b0: {  	s11 =	sadd.s32 $0x40, s11;
	s12 =	sadd.s32 $0x8000, s12;
	[sflag:s8] =	ssyncadd.s32 $0xFFFFFF80  }
0x1b1: {  	s10 =	sadd.s32 $0x1, s10  }
0x1b2: {  	p0 =	sne.s32 s10, s6  }
.Ltmp1:
0x1b3: {  	_ = 	snop;
	(pc) =	sbr.rel @p0 .LBB2_1-.Ltmp1, $4  }
0x1b4: {  	[hbm4b:s5+s2] =	stream.linear.scatter [tilespmem:s9], [sflag:$0x2], $0x10000, $0x38;
	[tilespmem:$0x10200] =	vst v63  }
0x1b5: {  	_ =	swait.ge [sflag:s7], $0x10000  }
0x1b6: {  	[sflag:s7] =	ssyncset.done $0x0  }
0x1b7: {  	[sflag:s7] =	ssyncadd.s32 $0xFFFF0000  }
0x1b8: {  	_ =	sfence.sel $0x180000  }
0x1b9: {  	[bflag:$0x0] =	sbarrier.arrive $0xFFFF  }
0x1ba: {  	p0 =	sne.s32 s1, $0x0;
	_ =	strace $0x90000047  }
0x1bb: {  	s0 =	sadd.s32 @!p0 $0x100000, s0;
	[bflag:$0x2] =	sbarrier.arrive $0xFFFF  }
0x1bc: {  	[sflag:s0] =	ssyncadd.tile.s32 @!p0 $0x1;
	_ =	shalt  }
.Lfunc_end2:
_tile_overlayer_lowered:
.L_overlay_start_2:
0x1bd: {  	(tag) =	ssettag $0x2  }
0x1be: {  	s0 =	rddreg [dreg:$0x0];
	s2 =	stileid.u32  }
0x1bf: {  	s1 =	rddreg [dreg:$0x1];
	p0 =	sne.s32 s2, $0x0  }
0x1c0: {  	s3 =	rddreg [dreg:$0x2];
	[bflag:$0x3] =	sbarrier.arrive $0xFFFF;
	s2 =	simm.s32 @!p0 $0x1C02  }
0x1c1: {  	[timem:s3], [sflag:s2] =	dma.local @!p0 [hbm:s0], s1  }
0x1c2: {  	s0 =	simm.s32 @!p0 $0x2  }
0x1c3: {  	_ =	swait.ge @!p0 [sflag:s0], s1  }
0x1c4: {  	s1 =	ssub.s32 @!p0 $0x0, s1;
	[sflag:s0] =	ssyncset.done @!p0 $0x0  }
0x1c5: {  	[sflag:s0] =	ssyncadd.s32 @!p0 s1  }
0x1c6: {  	[bflag:$0x3] =	sbarrier.arrive $0xFFFF  }
0x1c7: {  	_ =	shalt  }

</sc_bundles>
